<compile_context>
chip_gen: v7x
topology: tpu7x:2x2x1
jax: 0.10.2.dev20260603
libtpu: 0.0.44.dev20260713+nightly
codegen_flags: <defaults>
</compile_context>

<pallas_src>
import functools

import jax
import jax.numpy as jnp
from jax import lax
from jax.experimental import pallas as pl
from jax.experimental.pallas import tpu as pltpu
from jax.experimental.pallas import tpu_sc as plsc

N_NODES = 10000
N_EDGES = 320000
D_EDGE = 16
D_FEAT = 128
D_GLOBAL = 32
H_DIM = 128

GRP = 128
NG = N_EDGES // GRP
NC = 2
NS = 16
GRP_PER_SC = NG // NC
GRP_BASE = GRP_PER_SC // NS
GRP_EXTRA = GRP_PER_SC - GRP_BASE * NS
W_GRPS = 13
N_WIN = GRP_BASE // W_GRPS
ROWS_PER_TILE = N_NODES // NS


WIN_ROWS = 2 * W_GRPS * 8
PAD = GRP + 1
N_TC = 79
N_PAD = N_TC * GRP
ZROWS_PER_TILE = N_PAD // NS


def _sc_segment_sum(edges2d, idx2d):

  mesh = plsc.VectorSubcoreMesh(core_axis_name="c", subcore_axis_name="s")

  @functools.partial(
      pl.kernel,
      out_type=[
          jax.ShapeDtypeStruct((NC, 2, N_TC, 8, GRP), jnp.float32),
          jax.ShapeDtypeStruct((W_GRPS * GRP, D_EDGE), jnp.float32),
      ],
      mesh=mesh,
      scratch_types=[
          pltpu.VMEM((4, W_GRPS, GRP), jnp.int32),
          pltpu.VMEM((2, WIN_ROWS, PAD), jnp.float32),
          pltpu.VMEM((2, W_GRPS * GRP, D_EDGE), jnp.float32),
          pltpu.VMEM((GRP, D_EDGE + 1), jnp.float32),
          pltpu.VMEM((8, GRP), jnp.float32),
          pltpu.VMEM_SHARED((N_PAD, D_EDGE), jnp.float32),
          pltpu.SemaphoreType.DMA,
          pltpu.SemaphoreType.DMA,
          pltpu.SemaphoreType.DMA,
          pltpu.SemaphoreType.DMA,
      ],
      compiler_params=pltpu.CompilerParams(use_tc_tiling_on_sc=False,
                                           needs_layout_passes=False),
  )
  def seg_sum(edges_hbm, idx_hbm, out_hbm, dummy_hbm, idx_v, data_v, rows_v,
              stage_in, stage_out, acc_sh, si0, si1, ss0, ss1):
    c = lax.axis_index("c")
    s = lax.axis_index("s")

    zrow = jnp.zeros((D_EDGE,), jnp.float32)

    def zero_body(i, carry):
      rows_v[0, i] = zrow
      return carry

    lax.fori_loop(0, ZROWS_PER_TILE, zero_body, 0)
    pltpu.sync_copy(rows_v.at[0, pl.ds(0, ZROWS_PER_TILE)],
                    acc_sh.at[pl.ds(s * ZROWS_PER_TILE, ZROWS_PER_TILE)])
    plsc.subcore_barrier()

    base = c * GRP_PER_SC + s * GRP_BASE + jnp.minimum(s, GRP_EXTRA)

    lane = lax.iota(jnp.int32, 16)
    frow = (lane >> 3) * (8 * W_GRPS) + (lane & 7)

    def start_in(w, b, sem):
      g0 = base + w * W_GRPS
      pltpu.async_copy(idx_hbm.at[pl.ds(g0, W_GRPS)], idx_v.at[w & 3], sem)
      for fb in range(2):
        pltpu.async_copy(
            edges_hbm.at[pl.ds(fb * (8 * NG) + g0 * 8, 8 * W_GRPS)],
            data_v.at[b, pl.ds(fb * 8 * W_GRPS, 8 * W_GRPS),
                      pl.ds(0, GRP)], sem)

    def drain_in(b, sem):
      del b
      pltpu.make_async_copy(idx_hbm.at[pl.ds(0, W_GRPS)], idx_v.at[0],
                            sem).wait()
      pltpu.make_async_copy(dummy_hbm, rows_v.at[0], sem).wait()

    def drain_sc(b, sem):
      pltpu.make_async_copy(dummy_hbm, rows_v.at[b], sem).wait()

    def transpose_scatter(w, b, sem):
      def grp_body(g, carry):
        rowg = frow + g * 8

        @plsc.parallel_loop(0, GRP, 1, unroll=32)
        def _edges(e):
          ev = jnp.full((16,), e, jnp.int32)
          row = plsc.load_gather(data_v.at[b], [rowg, ev])
          rows_v[b, g * GRP + e] = row

        pltpu.async_copy(rows_v.at[b, pl.ds(g * GRP, GRP)],
                         acc_sh.at[idx_v.at[w & 3].at[g]], sem, add=True)
        return carry

      lax.fori_loop(0, W_GRPS, grp_body, 0)

    start_in(0, 0, si0)
    start_in(1, 1, si1)

    def tbody(t, carry):
      w0 = 2 * t
      drain_in(0, si0)

      @pl.when(t >= 1)
      def _():
        drain_sc(0, ss0)

      transpose_scatter(w0, 0, ss0)

      @pl.when(w0 + 2 < N_WIN)
      def _():
        start_in(w0 + 2, 0, si0)

      drain_in(1, si1)

      @pl.when(t >= 1)
      def _():
        drain_sc(1, ss1)

      transpose_scatter(w0 + 1, 1, ss1)

      @pl.when(w0 + 3 < N_WIN)
      def _():
        start_in(w0 + 3, 1, si1)

      return carry

    lax.fori_loop(0, N_WIN // 2, tbody, 0)
    drain_sc(0, ss0)
    drain_sc(1, ss1)

    @pl.when(s < GRP_EXTRA)
    def _extra():
      g0 = base + GRP_BASE
      pltpu.sync_copy(idx_hbm.at[pl.ds(g0, 1)], idx_v.at[0, pl.ds(0, 1)])
      for fb in range(2):
        pltpu.sync_copy(
            edges_hbm.at[pl.ds(fb * (8 * NG) + g0 * 8, 8)],
            data_v.at[0, pl.ds(fb * 8 * W_GRPS, 8), pl.ds(0, GRP)])

      @plsc.parallel_loop(0, GRP, 1, unroll=16)
      def _edges(e):
        ev = jnp.full((16,), e, jnp.int32)
        row = plsc.load_gather(data_v.at[0], [frow, ev])
        rows_v[0, e] = row

      pltpu.sync_copy(rows_v.at[0, pl.ds(0, GRP)],
                      acc_sh.at[idx_v.at[0].at[0]], add=True)

    plsc.subcore_barrier()

    lane16 = lax.iota(jnp.int32, 16)
    n_tc = jnp.where(s < NS - 1, 5, 4)

    def out_block(j, carry):
      tc = s * 5 + j
      pltpu.sync_copy(acc_sh.at[pl.ds(tc * GRP, GRP)],
                      stage_in.at[:, pl.ds(0, D_EDGE)])
      for fb in range(2):

        @plsc.parallel_loop(0, 64, 1, unroll=8)
        def _t(m, fb=fb):
          fi = m >> 3
          e0 = (m & 7) << 4
          v = plsc.load_gather(
              stage_in,
              [e0 + lane16, jnp.full((16,), fb * 8 + fi, jnp.int32)])
          stage_out[fi, pl.ds(e0, 16)] = v

        pltpu.sync_copy(stage_out, out_hbm.at[c, fb, tc])
      return carry

    lax.fori_loop(0, n_tc, out_block, 0)

  return seg_sum(edges2d, idx2d)


ROW_BLK = 2048


def _tc_mlp_ln(nodes, agg_t, globals_, W1, b1, W2, b2, gamma, beta):
  grid = (pl.cdiv(N_NODES, ROW_BLK),)

  def body(nodes_ref, agg_ref, g_ref, w1_ref, b1_ref, w2_ref, b2_ref,
           gamma_ref, beta_ref, out_ref):
    agg = agg_ref[0] + agg_ref[1]
    w1n = w1_ref[:D_FEAT]
    w1g = w1_ref[D_FEAT:D_FEAT + D_GLOBAL]
    w1f = w1_ref[D_FEAT + D_GLOBAL:]
    bias1 = b1_ref[...] + jnp.dot(g_ref[...], w1g,
                                  preferred_element_type=jnp.float32)
    xagg = lax.dot_general(agg, w1f, (((0,), (0,)), ((), ())),
                           preferred_element_type=jnp.float32)
    x = (jnp.dot(nodes_ref[...], w1n, preferred_element_type=jnp.float32)
         + xagg + bias1)
    h = jnp.maximum(x, 0.0)
    h = jnp.dot(h, w2_ref[...], preferred_element_type=jnp.float32)
    h = jnp.maximum(h + b2_ref[...], 0.0)
    mean = jnp.mean(h, axis=1, keepdims=True)
    d = h - mean
    var = jnp.mean(d * d, axis=1, keepdims=True)
    out_ref[...] = gamma_ref[...] * d * lax.rsqrt(var + 1e-3) + beta_ref[...]

  return pl.pallas_call(
      body,
      grid=grid,
      in_specs=[
          pl.BlockSpec((ROW_BLK, D_FEAT), lambda i: (i, 0)),
          pl.BlockSpec((NC, D_EDGE, ROW_BLK), lambda i: (0, 0, i)),
          pl.BlockSpec((1, D_GLOBAL), lambda i: (0, 0)),
          pl.BlockSpec((D_FEAT + D_GLOBAL + D_EDGE, H_DIM), lambda i: (0, 0)),
          pl.BlockSpec((1, H_DIM), lambda i: (0, 0)),
          pl.BlockSpec((H_DIM, H_DIM), lambda i: (0, 0)),
          pl.BlockSpec((1, H_DIM), lambda i: (0, 0)),
          pl.BlockSpec((1, H_DIM), lambda i: (0, 0)),
          pl.BlockSpec((1, H_DIM), lambda i: (0, 0)),
      ],
      out_specs=pl.BlockSpec((ROW_BLK, H_DIM), lambda i: (i, 0)),
      out_shape=jax.ShapeDtypeStruct((N_NODES, H_DIM), jnp.float32),
      compiler_params=pltpu.CompilerParams(
          dimension_semantics=("arbitrary",),
      ),
  )(nodes, agg_t, globals_, W1, b1, W2, b2, gamma, beta)


@jax.jit
def kernel(nodes, globals_, n_node, hyperedges, hyperedge_index,
           W1, b1, W2, b2, gamma, beta):
  del n_node
  idx2d = hyperedge_index.reshape(NG, GRP)
  edges2d = (hyperedges.T.reshape(2, 8, NG, GRP)
             .transpose(0, 2, 1, 3).reshape(2 * NG * 8, GRP))
  agg5, _unused = _sc_segment_sum(edges2d, idx2d)
  agg_t = agg5.transpose(0, 1, 3, 2, 4).reshape(NC, D_EDGE, N_TC * GRP)
  return _tc_mlp_ln(
      nodes, agg_t, globals_, W1,
      b1.reshape(1, H_DIM), W2, b2.reshape(1, H_DIM),
      gamma.reshape(1, H_DIM), beta.reshape(1, H_DIM),
  )

# --- scband reference (transcript-rebuilt; emitter-appended) ---
"""Pipeline reference for scband-hypergraph-node-block-28286654612011 (READ-ONLY COPY).

The authoritative reference and input builder live on the scoring server;
editing this copy changes nothing except your own understanding.
"""

import jax, jax.numpy as jnp
import numpy as np

N = 10000
E = 320000
D_FEAT = 128
D_GLOBAL = 32
D_EDGE = 16
H = 128
D_IN = D_FEAT + D_GLOBAL + D_EDGE


def setup_inputs(seed: int = 0) -> dict:
    key = jax.random.key(seed)
    ks = jax.random.split(key, 8)
    nodes = jax.random.normal(ks[0], (N, D_FEAT), dtype=jnp.float32)
    globals_ = jax.random.normal(ks[1], (1, D_GLOBAL), dtype=jnp.float32)
    n_node = jnp.array([N], dtype=jnp.int32)
    hyperedges = jax.random.normal(ks[2], (E, D_EDGE), dtype=jnp.float32)
    hyperedge_index = jax.random.randint(ks[3], (E,), 0, N, dtype=jnp.int32)
    W1 = jax.random.normal(ks[4], (D_IN, H), dtype=jnp.float32) * (1.0 / np.sqrt(D_IN))
    b1 = jnp.zeros((H,), dtype=jnp.float32)
    W2 = jax.random.normal(ks[5], (H, H), dtype=jnp.float32) * (1.0 / np.sqrt(H))
    b2 = jnp.zeros((H,), dtype=jnp.float32)
    gamma = jnp.ones((H,), dtype=jnp.float32)
    beta = jnp.zeros((H,), dtype=jnp.float32)
    return {
        "nodes": nodes,
        "globals_": globals_,
        "n_node": n_node,
        "hyperedges": hyperedges,
        "hyperedge_index": hyperedge_index,
        "W1": W1,
        "b1": b1,
        "W2": W2,
        "b2": b2,
        "gamma": gamma,
        "beta": beta,
    }


def reference(nodes, globals_, n_node, hyperedges, hyperedge_index, W1, b1, W2, b2, gamma, beta):
    total_nodes = nodes.shape[0]
    # utils._one_to_segments: broadcast per-graph globals to each node (tf.repeat)
    g = jnp.repeat(globals_, n_node, axis=0, total_repeat_length=total_nodes)
    # utils._one_to_fixed_number: unsorted_segment_sum of hyperedge features onto nodes
    feat_agg = jax.ops.segment_sum(hyperedges, hyperedge_index, num_segments=total_nodes)
    inputs = jnp.concatenate([nodes, g, feat_agg], axis=1)
    # MLP: Dense(128, relu) -> Dense(128, relu) -> LayerNormalization (keras eps=1e-3)
    h = jax.nn.relu(inputs @ W1 + b1)
    h = jax.nn.relu(h @ W2 + b2)
    mean = jnp.mean(h, axis=-1, keepdims=True)
    var = jnp.var(h, axis=-1, keepdims=True)
    out = gamma * (h - mean) / jnp.sqrt(var + 1e-3) + beta
    return out

if __name__ == "__main__":
    import jax
    _d = setup_inputs()
    print(jax.jit(kernel)(*tuple(_d.values())))

</pallas_src>

<mosaic_0001>
#map = affine_map<(d0, d1) -> (0, 0)>
#map1 = affine_map<(d0, d1) -> (0, 0, 0, 0, 0)>
module attributes {stable_mosaic.version = 14 : i64} {
  func.func @seg_sum(%arg0: i32, %arg1: i32, %arg2: memref<40000x128xf32, #tpu.memory_space<hbm>>, %arg3: memref<2500x128xi32, #tpu.memory_space<hbm>>, %arg4: memref<2x2x79x8x128xf32, #tpu.memory_space<hbm>>, %arg5: memref<1664x16xf32, #tpu.memory_space<hbm>>, %arg6: memref<4x13x128xi32, #tpu.memory_space<vmem>>, %arg7: memref<2x208x129xf32, #tpu.memory_space<vmem>>, %arg8: memref<2x1664x16xf32, #tpu.memory_space<vmem>>, %arg9: memref<128x17xf32, #tpu.memory_space<vmem>>, %arg10: memref<8x128xf32, #tpu.memory_space<vmem>>, %arg11: memref<10112x16xf32, #tpu.memory_space<vmem_shared>>, %arg12: memref<!tpu.dma_semaphore, #tpu.memory_space<semaphore_mem>>, %arg13: memref<!tpu.dma_semaphore, #tpu.memory_space<semaphore_mem>>, %arg14: memref<!tpu.dma_semaphore, #tpu.memory_space<semaphore_mem>>, %arg15: memref<!tpu.dma_semaphore, #tpu.memory_space<semaphore_mem>>) attributes {dimension_semantics = [#tpu.dimension_semantics<core_parallel>, #tpu.dimension_semantics<subcore_parallel>], iteration_bounds = array<i64: 2, 16>, scalar_prefetch = 0 : i64, scratch_operands = 10 : i64, tpu.core_type = #tpu.core_type<sc_vector_subcore>, window_params = [{transform_indices = #map}, {transform_indices = #map}, {transform_indices = #map1}, {transform_indices = #map}]} {
    %broadcast_in_dim3A = arith.constant 0.000000e+00 : f32
    %broadcast_in_dim3A_0 = vector.broadcast %broadcast_in_dim3A : f32 to vector<16xf32>
    %scan3A = arith.constant 0 : i32
    %scan3A_1 = arith.constant 0 : i32
    %scan3A_2 = arith.constant 632 : i32
    %scan3A_3 = arith.addi %scan3A_1, %scan3A_2 : i32
    %scan3A_4 = arith.constant 1 : i32
    scf.for %scan3A_157 = %scan3A_1 to %scan3A_3 step %scan3A_4  : i32 {
      %swap3A = arith.constant 0 : i32
      %swap3A_158 = arith.index_cast %swap3A : i32 to index
      %swap3A_159 = arith.index_cast %scan3A_157 : i32 to index
      %swap3A_160 = arith.constant 0 : index
      %swap3A_161 = tpu.vector_load %arg8[%swap3A_158, %swap3A_159, %swap3A_160] {strides = array<i32>} : memref<2x1664x16xf32, #tpu.memory_space<vmem>>, vector<16xf32>,
      tpu.vector_store %arg8[%swap3A_158, %swap3A_159, %swap3A_160], %broadcast_in_dim3A_0 {strides = array<i32>} : memref<2x1664x16xf32, #tpu.memory_space<vmem>>, vector<16xf32>,
    }
    %scan3A_5 = arith.constant 632 : i32
    %mul3A = arith.constant 632 : i32
    %mul3A_6 = arith.muli %arg1, %mul3A : i32
    %run_scoped3A = arith.constant 0 : i32
    "tpu.region"() ({
      %run_scoped3A_157 = tpu.sem_alloc : memref<!tpu.dma_semaphore, #tpu.memory_space<semaphore_mem>>
      %dma_start3A_158 = arith.constant 0 : i32
      %dma_start3A_159 = arith.constant 0 : i32
      %dma_start3A_160 = tpu.memref_slice %arg8[%run_scoped3A, %dma_start3A_158, %dma_start3A_159] : memref<2x1664x16xf32, #tpu.memory_space<vmem>> -> memref<1x632x16xf32, #tpu.memory_space<vmem>>
      %dma_start3A_161 = tpu.memref_squeeze %dma_start3A_160 : memref<1x632x16xf32, #tpu.memory_space<vmem>> -> memref<632x16xf32, #tpu.memory_space<vmem>>
      %dma_start3A_162 = arith.constant 0 : i32
      %dma_start3A_163 = tpu.memref_slice %arg11[%mul3A_6, %dma_start3A_162] : memref<10112x16xf32, #tpu.memory_space<vmem_shared>> -> memref<632x16xf32, #tpu.memory_space<vmem_shared>>
      %dma_start3A_164 = arith.constant 0 : i32
      %dma_start3A_165 = tpu.memref_slice %arg11[%mul3A_6, %dma_start3A_164] : memref<10112x16xf32, #tpu.memory_space<vmem_shared>> -> memref<632x16xf32, #tpu.memory_space<vmem_shared>>
      %dma_start3A_166 = arith.constant 0 : i32
      %dma_start3A_167 = arith.constant 0 : i32
      %dma_start3A_168 = tpu.memref_slice %arg8[%run_scoped3A, %dma_start3A_166, %dma_start3A_167] : memref<2x1664x16xf32, #tpu.memory_space<vmem>> -> memref<1x632x16xf32, #tpu.memory_space<vmem>>
      %dma_start3A_169 = tpu.memref_squeeze %dma_start3A_168 : memref<1x632x16xf32, #tpu.memory_space<vmem>> -> memref<632x16xf32, #tpu.memory_space<vmem>>
      tpu.enqueue_dma source(%dma_start3A_169 : memref<632x16xf32, #tpu.memory_space<vmem>>) target(%dma_start3A_165 : memref<632x16xf32, #tpu.memory_space<vmem_shared>>) target_semaphore(%run_scoped3A_157 : memref<!tpu.dma_semaphore, #tpu.memory_space<semaphore_mem>>)
      %dma_wait3A_170 = arith.constant 0 : i32
      %dma_wait3A_171 = arith.constant 0 : i32
      %dma_wait3A_172 = tpu.memref_slice %arg8[%run_scoped3A, %dma_wait3A_170, %dma_wait3A_171] : memref<2x1664x16xf32, #tpu.memory_space<vmem>> -> memref<1x632x16xf32, #tpu.memory_space<vmem>>
      %dma_wait3A_173 = tpu.memref_squeeze %dma_wait3A_172 : memref<1x632x16xf32, #tpu.memory_space<vmem>> -> memref<632x16xf32, #tpu.memory_space<vmem>>
      %dma_wait3A_174 = arith.constant 0 : i32
      %dma_wait3A_175 = tpu.memref_slice %arg11[%mul3A_6, %dma_wait3A_174] : memref<10112x16xf32, #tpu.memory_space<vmem_shared>> -> memref<632x16xf32, #tpu.memory_space<vmem_shared>>
      %dma_wait3A_176 = arith.constant 0 : i32
      %dma_wait3A_177 = tpu.memref_slice %arg11[%mul3A_6, %dma_wait3A_176] : memref<10112x16xf32, #tpu.memory_space<vmem_shared>> -> memref<632x16xf32, #tpu.memory_space<vmem_shared>>
      %dma_wait3A_178 = arith.constant 0 : i32
      %dma_wait3A_179 = arith.constant 0 : i32
      %dma_wait3A_180 = tpu.memref_slice %arg8[%run_scoped3A, %dma_wait3A_178, %dma_wait3A_179] : memref<2x1664x16xf32, #tpu.memory_space<vmem>> -> memref<1x632x16xf32, #tpu.memory_space<vmem>>
      %dma_wait3A_181 = tpu.memref_squeeze %dma_wait3A_180 : memref<1x632x16xf32, #tpu.memory_space<vmem>> -> memref<632x16xf32, #tpu.memory_space<vmem>>
      tpu.wait_dma2 semaphore(%run_scoped3A_157 : memref<!tpu.dma_semaphore, #tpu.memory_space<semaphore_mem>>) src(%dma_wait3A_181 : memref<632x16xf32, #tpu.memory_space<vmem>>) dst(%dma_wait3A_177 : memref<632x16xf32, #tpu.memory_space<vmem_shared>>)
      tpu.yield
    }) : () -> ()
    %barrier3A = arith.constant 0 : index
    tpu.barrier barrier_id(%barrier3A)
    %mul3A_7 = arith.constant 1250 : i32
    %mul3A_8 = arith.muli %arg0, %mul3A_7 : i32
    %mul3A_9 = arith.constant 78 : i32
    %mul3A_10 = arith.muli %arg1, %mul3A_9 : i32
    %add3A = arith.addi %mul3A_8, %mul3A_10 : i32
    %min3A = arith.constant 2 : i32
    %min3A_11 = arith.minsi %arg1, %min3A : i32
    %add3A_12 = arith.addi %add3A, %min3A_11 : i32
    %iota3A = tpu.iota {dimensions = array<i32: 0>} : vector<16xi32>
    %shift_right_arithmetic3A = arith.constant 3 : i32
    %shift_right_arithmetic3A_13 = vector.broadcast %shift_right_arithmetic3A : i32 to vector<16xi32>
    %shift_right_arithmetic3A_14 = arith.shrsi %iota3A, %shift_right_arithmetic3A_13 : vector<16xi32>
    %mul3A_15 = arith.constant 104 : i32
    %mul3A_16 = vector.broadcast %mul3A_15 : i32 to vector<16xi32>
    %mul3A_17 = arith.muli %shift_right_arithmetic3A_14, %mul3A_16 : vector<16xi32>
    %and3A = arith.constant 7 : i32
    %and3A_18 = vector.broadcast %and3A : i32 to vector<16xi32>
    %and3A_19 = arith.andi %iota3A, %and3A_18 : vector<16xi32>
    %add3A_20 = arith.addi %mul3A_17, %and3A_19 : vector<16xi32>
    %add3A_21 = arith.constant 0 : i32
    %add3A_22 = arith.addi %add3A_12, %add3A_21 : i32
    %dma_start3A = arith.constant 0 : i32
    %dma_start3A_23 = arith.constant 0 : i32
    %dma_start3A_24 = arith.constant 0 : i32
    %dma_start3A_25 = tpu.memref_slice %arg6[%dma_start3A, %dma_start3A_23, %dma_start3A_24] : memref<4x13x128xi32, #tpu.memory_space<vmem>> -> memref<1x13x128xi32, #tpu.memory_space<vmem>>
    %dma_start3A_26 = tpu.memref_squeeze %dma_start3A_25 : memref<1x13x128xi32, #tpu.memory_space<vmem>> -> memref<13x128xi32, #tpu.memory_space<vmem>>
    %dma_start3A_27 = arith.constant 0 : i32
    %dma_start3A_28 = tpu.memref_slice %arg3[%add3A_22, %dma_start3A_27] : memref<2500x128xi32, #tpu.memory_space<hbm>> -> memref<13x128xi32, #tpu.memory_space<hbm>>
    %dma_start3A_29 = arith.constant 0 : i32
    %dma_start3A_30 = arith.constant 0 : i32
    %dma_start3A_31 = tpu.memref_slice %arg6[%dma_start3A, %dma_start3A_29, %dma_start3A_30] : memref<4x13x128xi32, #tpu.memory_space<vmem>> -> memref<1x13x128xi32, #tpu.memory_space<vmem>>
    %dma_start3A_32 = tpu.memref_squeeze %dma_start3A_31 : memref<1x13x128xi32, #tpu.memory_space<vmem>> -> memref<13x128xi32, #tpu.memory_space<vmem>>
    %dma_start3A_33 = arith.constant 0 : i32
    %dma_start3A_34 = tpu.memref_slice %arg3[%add3A_22, %dma_start3A_33] : memref<2500x128xi32, #tpu.memory_space<hbm>> -> memref<13x128xi32, #tpu.memory_space<hbm>>
    tpu.enqueue_dma source(%dma_start3A_34 : memref<13x128xi32, #tpu.memory_space<hbm>>) target(%dma_start3A_32 : memref<13x128xi32, #tpu.memory_space<vmem>>) target_semaphore(%arg12 : memref<!tpu.dma_semaphore, #tpu.memory_space<semaphore_mem>>)
    %mul3A_35 = arith.constant 8 : i32
    %mul3A_36 = arith.muli %add3A_22, %mul3A_35 : i32
    %add3A_37 = arith.constant 0 : i32
    %add3A_38 = arith.addi %add3A_37, %mul3A_36 : i32
    %dma_start3A_39 = arith.constant 0 : i32
    %dma_start3A_40 = arith.constant 0 : i32
    %dma_start3A_41 = arith.constant 0 : i32
    %dma_start3A_42 = tpu.memref_slice %arg7[%dma_start3A_39, %dma_start3A_40, %dma_start3A_41] : memref<2x208x129xf32, #tpu.memory_space<vmem>> -> memref<1x104x128xf32, #tpu.memory_space<vmem>>
    %dma_start3A_43 = tpu.memref_squeeze %dma_start3A_42 : memref<1x104x128xf32, #tpu.memory_space<vmem>> -> memref<104x128xf32, #tpu.memory_space<vmem>>
    %dma_start3A_44 = arith.constant 0 : i32
    %dma_start3A_45 = tpu.memref_slice %arg2[%add3A_38, %dma_start3A_44] : memref<40000x128xf32, #tpu.memory_space<hbm>> -> memref<104x128xf32, #tpu.memory_space<hbm>>
    %dma_start3A_46 = arith.constant 0 : i32
    %dma_start3A_47 = arith.constant 0 : i32
    %dma_start3A_48 = tpu.memref_slice %arg7[%dma_start3A_39, %dma_start3A_46, %dma_start3A_47] : memref<2x208x129xf32, #tpu.memory_space<vmem>> -> memref<1x104x128xf32, #tpu.memory_space<vmem>>
    %dma_start3A_49 = tpu.memref_squeeze %dma_start3A_48 : memref<1x104x128xf32, #tpu.memory_space<vmem>> -> memref<104x128xf32, #tpu.memory_space<vmem>>
    %dma_start3A_50 = arith.constant 0 : i32
    %dma_start3A_51 = tpu.memref_slice %arg2[%add3A_38, %dma_start3A_50] : memref<40000x128xf32, #tpu.memory_space<hbm>> -> memref<104x128xf32, #tpu.memory_space<hbm>>
    tpu.enqueue_dma source(%dma_start3A_51 : memref<104x128xf32, #tpu.memory_space<hbm>>) target(%dma_start3A_49 : memref<104x128xf32, #tpu.memory_space<vmem>>) target_semaphore(%arg12 : memref<!tpu.dma_semaphore, #tpu.memory_space<semaphore_mem>>)
    %mul3A_52 = arith.constant 8 : i32
    %mul3A_53 = arith.muli %add3A_22, %mul3A_52 : i32
    %add3A_54 = arith.constant 20000 : i32
    %add3A_55 = arith.addi %add3A_54, %mul3A_53 : i32
    %dma_start3A_56 = arith.constant 0 : i32
    %dma_start3A_57 = arith.constant 104 : i32
    %dma_start3A_58 = arith.constant 0 : i32
    %dma_start3A_59 = tpu.memref_slice %arg7[%dma_start3A_56, %dma_start3A_57, %dma_start3A_58] : memref<2x208x129xf32, #tpu.memory_space<vmem>> -> memref<1x104x128xf32, #tpu.memory_space<vmem>>
    %dma_start3A_60 = tpu.memref_squeeze %dma_start3A_59 : memref<1x104x128xf32, #tpu.memory_space<vmem>> -> memref<104x128xf32, #tpu.memory_space<vmem>>
    %dma_start3A_61 = arith.constant 0 : i32
    %dma_start3A_62 = tpu.memref_slice %arg2[%add3A_55, %dma_start3A_61] : memref<40000x128xf32, #tpu.memory_space<hbm>> -> memref<104x128xf32, #tpu.memory_space<hbm>>
    %dma_start3A_63 = arith.constant 104 : i32
    %dma_start3A_64 = arith.constant 0 : i32
    %dma_start3A_65 = tpu.memref_slice %arg7[%dma_start3A_56, %dma_start3A_63, %dma_start3A_64] : memref<2x208x129xf32, #tpu.memory_space<vmem>> -> memref<1x104x128xf32, #tpu.memory_space<vmem>>
    %dma_start3A_66 = tpu.memref_squeeze %dma_start3A_65 : memref<1x104x128xf32, #tpu.memory_space<vmem>> -> memref<104x128xf32, #tpu.memory_space<vmem>>
    %dma_start3A_67 = arith.constant 0 : i32
    %dma_start3A_68 = tpu.memref_slice %arg2[%add3A_55, %dma_start3A_67] : memref<40000x128xf32, #tpu.memory_space<hbm>> -> memref<104x128xf32, #tpu.memory_space<hbm>>
    tpu.enqueue_dma source(%dma_start3A_68 : memref<104x128xf32, #tpu.memory_space<hbm>>) target(%dma_start3A_66 : memref<104x128xf32, #tpu.memory_space<vmem>>) target_semaphore(%arg12 : memref<!tpu.dma_semaphore, #tpu.memory_space<semaphore_mem>>)
    %add3A_69 = arith.constant 13 : i32
    %add3A_70 = arith.addi %add3A_12, %add3A_69 : i32
    %dma_start3A_71 = arith.constant 1 : i32
    %dma_start3A_72 = arith.constant 0 : i32
    %dma_start3A_73 = arith.constant 0 : i32
    %dma_start3A_74 = tpu.memref_slice %arg6[%dma_start3A_71, %dma_start3A_72, %dma_start3A_73] : memref<4x13x128xi32, #tpu.memory_space<vmem>> -> memref<1x13x128xi32, #tpu.memory_space<vmem>>
    %dma_start3A_75 = tpu.memref_squeeze %dma_start3A_74 : memref<1x13x128xi32, #tpu.memory_space<vmem>> -> memref<13x128xi32, #tpu.memory_space<vmem>>
    %dma_start3A_76 = arith.constant 0 : i32
    %dma_start3A_77 = tpu.memref_slice %arg3[%add3A_70, %dma_start3A_76] : memref<2500x128xi32, #tpu.memory_space<hbm>> -> memref<13x128xi32, #tpu.memory_space<hbm>>
    %dma_start3A_78 = arith.constant 0 : i32
    %dma_start3A_79 = arith.constant 0 : i32
    %dma_start3A_80 = tpu.memref_slice %arg6[%dma_start3A_71, %dma_start3A_78, %dma_start3A_79] : memref<4x13x128xi32, #tpu.memory_space<vmem>> -> memref<1x13x128xi32, #tpu.memory_space<vmem>>
    %dma_start3A_81 = tpu.memref_squeeze %dma_start3A_80 : memref<1x13x128xi32, #tpu.memory_space<vmem>> -> memref<13x128xi32, #tpu.memory_space<vmem>>
    %dma_start3A_82 = arith.constant 0 : i32
    %dma_start3A_83 = tpu.memref_slice %arg3[%add3A_70, %dma_start3A_82] : memref<2500x128xi32, #tpu.memory_space<hbm>> -> memref<13x128xi32, #tpu.memory_space<hbm>>
    tpu.enqueue_dma source(%dma_start3A_83 : memref<13x128xi32, #tpu.memory_space<hbm>>) target(%dma_start3A_81 : memref<13x128xi32, #tpu.memory_space<vmem>>) target_semaphore(%arg13 : memref<!tpu.dma_semaphore, #tpu.memory_space<semaphore_mem>>)
    %mul3A_84 = arith.constant 8 : i32
    %mul3A_85 = arith.muli %add3A_70, %mul3A_84 : i32
    %add3A_86 = arith.constant 0 : i32
    %add3A_87 = arith.addi %add3A_86, %mul3A_85 : i32
    %dma_start3A_88 = arith.constant 1 : i32
    %dma_start3A_89 = arith.constant 0 : i32
    %dma_start3A_90 = arith.constant 0 : i32
    %dma_start3A_91 = tpu.memref_slice %arg7[%dma_start3A_88, %dma_start3A_89, %dma_start3A_90] : memref<2x208x129xf32, #tpu.memory_space<vmem>> -> memref<1x104x128xf32, #tpu.memory_space<vmem>>
    %dma_start3A_92 = tpu.memref_squeeze %dma_start3A_91 : memref<1x104x128xf32, #tpu.memory_space<vmem>> -> memref<104x128xf32, #tpu.memory_space<vmem>>
    %dma_start3A_93 = arith.constant 0 : i32
    %dma_start3A_94 = tpu.memref_slice %arg2[%add3A_87, %dma_start3A_93] : memref<40000x128xf32, #tpu.memory_space<hbm>> -> memref<104x128xf32, #tpu.memory_space<hbm>>
    %dma_start3A_95 = arith.constant 0 : i32
    %dma_start3A_96 = arith.constant 0 : i32
    %dma_start3A_97 = tpu.memref_slice %arg7[%dma_start3A_88, %dma_start3A_95, %dma_start3A_96] : memref<2x208x129xf32, #tpu.memory_space<vmem>> -> memref<1x104x128xf32, #tpu.memory_space<vmem>>
    %dma_start3A_98 = tpu.memref_squeeze %dma_start3A_97 : memref<1x104x128xf32, #tpu.memory_space<vmem>> -> memref<104x128xf32, #tpu.memory_space<vmem>>
    %dma_start3A_99 = arith.constant 0 : i32
    %dma_start3A_100 = tpu.memref_slice %arg2[%add3A_87, %dma_start3A_99] : memref<40000x128xf32, #tpu.memory_space<hbm>> -> memref<104x128xf32, #tpu.memory_space<hbm>>
    tpu.enqueue_dma source(%dma_start3A_100 : memref<104x128xf32, #tpu.memory_space<hbm>>) target(%dma_start3A_98 : memref<104x128xf32, #tpu.memory_space<vmem>>) target_semaphore(%arg13 : memref<!tpu.dma_semaphore, #tpu.memory_space<semaphore_mem>>)
    %mul3A_101 = arith.constant 8 : i32
    %mul3A_102 = arith.muli %add3A_70, %mul3A_101 : i32
    %add3A_103 = arith.constant 20000 : i32
    %add3A_104 = arith.addi %add3A_103, %mul3A_102 : i32
    %dma_start3A_105 = arith.constant 1 : i32
    %dma_start3A_106 = arith.constant 104 : i32
    %dma_start3A_107 = arith.constant 0 : i32
    %dma_start3A_108 = tpu.memref_slice %arg7[%dma_start3A_105, %dma_start3A_106, %dma_start3A_107] : memref<2x208x129xf32, #tpu.memory_space<vmem>> -> memref<1x104x128xf32, #tpu.memory_space<vmem>>
    %dma_start3A_109 = tpu.memref_squeeze %dma_start3A_108 : memref<1x104x128xf32, #tpu.memory_space<vmem>> -> memref<104x128xf32, #tpu.memory_space<vmem>>
    %dma_start3A_110 = arith.constant 0 : i32
    %dma_start3A_111 = tpu.memref_slice %arg2[%add3A_104, %dma_start3A_110] : memref<40000x128xf32, #tpu.memory_space<hbm>> -> memref<104x128xf32, #tpu.memory_space<hbm>>
    %dma_start3A_112 = arith.constant 104 : i32
    %dma_start3A_113 = arith.constant 0 : i32
    %dma_start3A_114 = tpu.memref_slice %arg7[%dma_start3A_105, %dma_start3A_112, %dma_start3A_113] : memref<2x208x129xf32, #tpu.memory_space<vmem>> -> memref<1x104x128xf32, #tpu.memory_space<vmem>>
    %dma_start3A_115 = tpu.memref_squeeze %dma_start3A_114 : memref<1x104x128xf32, #tpu.memory_space<vmem>> -> memref<104x128xf32, #tpu.memory_space<vmem>>
    %dma_start3A_116 = arith.constant 0 : i32
    %dma_start3A_117 = tpu.memref_slice %arg2[%add3A_104, %dma_start3A_116] : memref<40000x128xf32, #tpu.memory_space<hbm>> -> memref<104x128xf32, #tpu.memory_space<hbm>>
    tpu.enqueue_dma source(%dma_start3A_117 : memref<104x128xf32, #tpu.memory_space<hbm>>) target(%dma_start3A_115 : memref<104x128xf32, #tpu.memory_space<vmem>>) target_semaphore(%arg13 : memref<!tpu.dma_semaphore, #tpu.memory_space<semaphore_mem>>)
    %scan3A_118 = arith.constant 0 : i32
    %scan3A_119 = arith.constant 0 : i32
    %scan3A_120 = arith.constant 3 : i32
    %scan3A_121 = arith.addi %scan3A_119, %scan3A_120 : i32
    %scan3A_122 = arith.constant 1 : i32
    scf.for %scan3A_157 = %scan3A_119 to %scan3A_121 step %scan3A_122  : i32 {
      %mul3A_158 = arith.constant 2 : i32
      %mul3A_159 = arith.muli %mul3A_158, %scan3A_157 : i32
      %dma_wait3A_160 = arith.constant 0 : i32
      %dma_wait3A_161 = arith.constant 0 : i32
      %dma_wait3A_162 = arith.constant 0 : i32
      %dma_wait3A_163 = tpu.memref_slice %arg6[%dma_wait3A_160, %dma_wait3A_161, %dma_wait3A_162] : memref<4x13x128xi32, #tpu.memory_space<vmem>> -> memref<1x13x128xi32, #tpu.memory_space<vmem>>
      %dma_wait3A_164 = tpu.memref_squeeze %dma_wait3A_163 : memref<1x13x128xi32, #tpu.memory_space<vmem>> -> memref<13x128xi32, #tpu.memory_space<vmem>>
      %dma_wait3A_165 = arith.constant 0 : i32
      %dma_wait3A_166 = arith.constant 0 : i32
      %dma_wait3A_167 = tpu.memref_slice %arg3[%dma_wait3A_165, %dma_wait3A_166] : memref<2500x128xi32, #tpu.memory_space<hbm>> -> memref<13x128xi32, #tpu.memory_space<hbm>>
      %dma_wait3A_168 = arith.constant 0 : i32
      %dma_wait3A_169 = arith.constant 0 : i32
      %dma_wait3A_170 = tpu.memref_slice %arg6[%dma_wait3A_160, %dma_wait3A_168, %dma_wait3A_169] : memref<4x13x128xi32, #tpu.memory_space<vmem>> -> memref<1x13x128xi32, #tpu.memory_space<vmem>>
      %dma_wait3A_171 = tpu.memref_squeeze %dma_wait3A_170 : memref<1x13x128xi32, #tpu.memory_space<vmem>> -> memref<13x128xi32, #tpu.memory_space<vmem>>
      %dma_wait3A_172 = arith.constant 0 : i32
      %dma_wait3A_173 = arith.constant 0 : i32
      %dma_wait3A_174 = tpu.memref_slice %arg3[%dma_wait3A_172, %dma_wait3A_173] : memref<2500x128xi32, #tpu.memory_space<hbm>> -> memref<13x128xi32, #tpu.memory_space<hbm>>
      tpu.wait_dma2 semaphore(%arg12 : memref<!tpu.dma_semaphore, #tpu.memory_space<semaphore_mem>>) src(%dma_wait3A_174 : memref<13x128xi32, #tpu.memory_space<hbm>>) dst(%dma_wait3A_171 : memref<13x128xi32, #tpu.memory_space<vmem>>)
      %dma_wait3A_175 = arith.constant 0 : i32
      %dma_wait3A_176 = arith.constant 0 : i32
      %dma_wait3A_177 = arith.constant 0 : i32
      %dma_wait3A_178 = tpu.memref_slice %arg8[%dma_wait3A_175, %dma_wait3A_176, %dma_wait3A_177] : memref<2x1664x16xf32, #tpu.memory_space<vmem>> -> memref<1x1664x16xf32, #tpu.memory_space<vmem>>
      %dma_wait3A_179 = tpu.memref_squeeze %dma_wait3A_178 : memref<1x1664x16xf32, #tpu.memory_space<vmem>> -> memref<1664x16xf32, #tpu.memory_space<vmem>>
      %dma_wait3A_180 = arith.constant 0 : i32
      %dma_wait3A_181 = arith.constant 0 : i32
      %dma_wait3A_182 = tpu.memref_slice %arg8[%dma_wait3A_175, %dma_wait3A_180, %dma_wait3A_181] : memref<2x1664x16xf32, #tpu.memory_space<vmem>> -> memref<1x1664x16xf32, #tpu.memory_space<vmem>>
      %dma_wait3A_183 = tpu.memref_squeeze %dma_wait3A_182 : memref<1x1664x16xf32, #tpu.memory_space<vmem>> -> memref<1664x16xf32, #tpu.memory_space<vmem>>
      tpu.wait_dma2 semaphore(%arg12 : memref<!tpu.dma_semaphore, #tpu.memory_space<semaphore_mem>>) src(%arg5 : memref<1664x16xf32, #tpu.memory_space<hbm>>) dst(%dma_wait3A_183 : memref<1664x16xf32, #tpu.memory_space<vmem>>)
      %ge3A = arith.constant 1 : i32
      %ge3A_184 = arith.cmpi sge, %scan3A_157, %ge3A : i32
      %convert_element_type3A_185 = arith.extui %ge3A_184 : i1 to i32
      %cond3A_186 = arith.constant 0 : i32
      %cond3A_187 = arith.cmpi ne, %convert_element_type3A_185, %cond3A_186 : i32
      scf.if %cond3A_187 {
        %dma_wait3A_245 = arith.constant 0 : i32
        %dma_wait3A_246 = arith.constant 0 : i32
        %dma_wait3A_247 = arith.constant 0 : i32
        %dma_wait3A_248 = tpu.memref_slice %arg8[%dma_wait3A_245, %dma_wait3A_246, %dma_wait3A_247] : memref<2x1664x16xf32, #tpu.memory_space<vmem>> -> memref<1x1664x16xf32, #tpu.memory_space<vmem>>
        %dma_wait3A_249 = tpu.memref_squeeze %dma_wait3A_248 : memref<1x1664x16xf32, #tpu.memory_space<vmem>> -> memref<1664x16xf32, #tpu.memory_space<vmem>>
        %dma_wait3A_250 = arith.constant 0 : i32
        %dma_wait3A_251 = arith.constant 0 : i32
        %dma_wait3A_252 = tpu.memref_slice %arg8[%dma_wait3A_245, %dma_wait3A_250, %dma_wait3A_251] : memref<2x1664x16xf32, #tpu.memory_space<vmem>> -> memref<1x1664x16xf32, #tpu.memory_space<vmem>>
        %dma_wait3A_253 = tpu.memref_squeeze %dma_wait3A_252 : memref<1x1664x16xf32, #tpu.memory_space<vmem>> -> memref<1664x16xf32, #tpu.memory_space<vmem>>
        tpu.wait_dma2 semaphore(%arg14 : memref<!tpu.dma_semaphore, #tpu.memory_space<semaphore_mem>>) src(%arg5 : memref<1664x16xf32, #tpu.memory_space<hbm>>) dst(%dma_wait3A_253 : memref<1664x16xf32, #tpu.memory_space<vmem>>)
      } else {
      }
      %scan3A_188 = arith.constant 0 : i32
      %scan3A_189 = arith.constant 0 : i32
      %scan3A_190 = arith.constant 13 : i32
      %scan3A_191 = arith.addi %scan3A_189, %scan3A_190 : i32
      %scan3A_192 = arith.constant 1 : i32
      scf.for %scan3A_245 = %scan3A_189 to %scan3A_191 step %scan3A_192  : i32 {
        %mul3A_246 = arith.constant 8 : i32
        %mul3A_247 = arith.muli %scan3A_245, %mul3A_246 : i32
        %add3A_248 = vector.broadcast %mul3A_247 : i32 to vector<16xi32>
        %add3A_249 = arith.addi %add3A_20, %add3A_248 : vector<16xi32>
        %parallel_loop3A = arith.constant 0 : i32
        %parallel_loop3A_250 = arith.constant 128 : i32
        %parallel_loop3A_251 = arith.constant 1 : i32
        scf.for %parallel_loop3A_270 = %parallel_loop3A to %parallel_loop3A_250 step %parallel_loop3A_251  : i32 {
          %parallel_loop3A_271 = vector.broadcast %parallel_loop3A_270 : i32 to vector<16xi32>
          %parallel_loop3A_272 = arith.constant 0 : i32
          %parallel_loop3A_273 = arith.constant 0 : i32
          %parallel_loop3A_274 = arith.constant 0 : i32
          %parallel_loop3A_275 = tpu.memref_slice %arg7[%parallel_loop3A_272, %parallel_loop3A_273, %parallel_loop3A_274] : memref<2x208x129xf32, #tpu.memory_space<vmem>> -> memref<1x208x129xf32, #tpu.memory_space<vmem>>
          %parallel_loop3A_276 = tpu.memref_squeeze %parallel_loop3A_275 : memref<1x208x129xf32, #tpu.memory_space<vmem>> -> memref<208x129xf32, #tpu.memory_space<vmem>>
          %parallel_loop3A_277 = tpu.vector_load_idx %parallel_loop3A_276[%add3A_249, %parallel_loop3A_271] : memref<208x129xf32, #tpu.memory_space<vmem>>[vector<16xi32>, vector<16xi32>], vector<16xf32>,
          %parallel_loop3A_278 = arith.constant 128 : i32
          %parallel_loop3A_279 = arith.muli %scan3A_245, %parallel_loop3A_278 : i32
          %parallel_loop3A_280 = arith.addi %parallel_loop3A_279, %parallel_loop3A_270 : i32
          %parallel_loop3A_281 = arith.constant 0 : i32
          %parallel_loop3A_282 = arith.index_cast %parallel_loop3A_281 : i32 to index
          %parallel_loop3A_283 = arith.index_cast %parallel_loop3A_280 : i32 to index
          %parallel_loop3A_284 = arith.constant 0 : index
          %parallel_loop3A_285 = tpu.vector_load %arg8[%parallel_loop3A_282, %parallel_loop3A_283, %parallel_loop3A_284] {strides = array<i32>} : memref<2x1664x16xf32, #tpu.memory_space<vmem>>, vector<16xf32>,
          tpu.vector_store %arg8[%parallel_loop3A_282, %parallel_loop3A_283, %parallel_loop3A_284], %parallel_loop3A_277 {strides = array<i32>} : memref<2x1664x16xf32, #tpu.memory_space<vmem>>, vector<16xf32>,
        } {sc.loop_unroll_factor = 32 : i64, sc.parallel_access}
        %mul3A_252 = arith.constant 128 : i32
        %mul3A_253 = arith.muli %scan3A_245, %mul3A_252 : i32
        %and3A_254 = arith.constant 3 : i32
        %and3A_255 = arith.andi %mul3A_159, %and3A_254 : i32
        %dma_start3A_256 = arith.constant 0 : i32
        %dma_start3A_257 = arith.constant 0 : i32
        %dma_start3A_258 = tpu.memref_slice %arg8[%dma_start3A_256, %mul3A_253, %dma_start3A_257] : memref<2x1664x16xf32, #tpu.memory_space<vmem>> -> memref<1x128x16xf32, #tpu.memory_space<vmem>>
        %dma_start3A_259 = tpu.memref_squeeze %dma_start3A_258 : memref<1x128x16xf32, #tpu.memory_space<vmem>> -> memref<128x16xf32, #tpu.memory_space<vmem>>
        %dma_start3A_260 = arith.constant 0 : i32
        %dma_start3A_261 = arith.constant 0 : i32
        %dma_start3A_262 = tpu.memref_slice %arg6[%and3A_255, %dma_start3A_260, %dma_start3A_261] : memref<4x13x128xi32, #tpu.memory_space<vmem>> -> memref<1x13x128xi32, #tpu.memory_space<vmem>>
        %dma_start3A_263 = tpu.memref_squeeze %dma_start3A_262 : memref<1x13x128xi32, #tpu.memory_space<vmem>> -> memref<13x128xi32, #tpu.memory_space<vmem>>
        %dma_start3A_264 = arith.constant 0 : i32
        %dma_start3A_265 = tpu.memref_slice %dma_start3A_263[%scan3A_245, %dma_start3A_264] : memref<13x128xi32, #tpu.memory_space<vmem>> -> memref<1x128xi32, #tpu.memory_space<vmem>>
        %dma_start3A_266 = tpu.memref_squeeze %dma_start3A_265 : memref<1x128xi32, #tpu.memory_space<vmem>> -> memref<128xi32, #tpu.memory_space<vmem>>
        %dma_start3A_267 = arith.constant 0 : i32
        %dma_start3A_268 = arith.constant 0 : i32
        %dma_start3A_269 = tpu.memref_slice %arg11[%dma_start3A_267, %dma_start3A_268] : memref<10112x16xf32, #tpu.memory_space<vmem_shared>> -> memref<10112x16xf32, #tpu.memory_space<vmem_shared>>
        tpu.enqueue_indirect_dma source(%dma_start3A_259 : memref<128x16xf32, #tpu.memory_space<vmem>>) target(%dma_start3A_269 : memref<10112x16xf32, #tpu.memory_space<vmem_shared>>) offsets(%dma_start3A_266 : memref<128xi32, #tpu.memory_space<vmem>>) semaphore(%arg14 : memref<!tpu.dma_semaphore, #tpu.memory_space<semaphore_mem>>) {add = true}
      }
      %scan3A_193 = arith.constant 13 : i32
      %add3A_194 = arith.constant 2 : i32
      %add3A_195 = arith.addi %mul3A_159, %add3A_194 : i32
      %lt3A_196 = arith.constant 6 : i32
      %lt3A_197 = arith.cmpi slt, %add3A_195, %lt3A_196 : i32
      %convert_element_type3A_198 = arith.extui %lt3A_197 : i1 to i32
      %cond3A_199 = arith.constant 0 : i32
      %cond3A_200 = arith.cmpi ne, %convert_element_type3A_198, %cond3A_199 : i32
      scf.if %cond3A_200 {
        %add3A_245 = arith.constant 2 : i32
        %add3A_246 = arith.addi %mul3A_159, %add3A_245 : i32
        %mul3A_247 = arith.constant 13 : i32
        %mul3A_248 = arith.muli %add3A_246, %mul3A_247 : i32
        %add3A_249 = arith.addi %add3A_12, %mul3A_248 : i32
        %and3A_250 = arith.constant 3 : i32
        %and3A_251 = arith.andi %add3A_246, %and3A_250 : i32
        %dma_start3A_252 = arith.constant 0 : i32
        %dma_start3A_253 = arith.constant 0 : i32
        %dma_start3A_254 = tpu.memref_slice %arg6[%and3A_251, %dma_start3A_252, %dma_start3A_253] : memref<4x13x128xi32, #tpu.memory_space<vmem>> -> memref<1x13x128xi32, #tpu.memory_space<vmem>>
        %dma_start3A_255 = tpu.memref_squeeze %dma_start3A_254 : memref<1x13x128xi32, #tpu.memory_space<vmem>> -> memref<13x128xi32, #tpu.memory_space<vmem>>
        %dma_start3A_256 = arith.constant 0 : i32
        %dma_start3A_257 = tpu.memref_slice %arg3[%add3A_249, %dma_start3A_256] : memref<2500x128xi32, #tpu.memory_space<hbm>> -> memref<13x128xi32, #tpu.memory_space<hbm>>
        %dma_start3A_258 = arith.constant 0 : i32
        %dma_start3A_259 = arith.constant 0 : i32
        %dma_start3A_260 = tpu.memref_slice %arg6[%and3A_251, %dma_start3A_258, %dma_start3A_259] : memref<4x13x128xi32, #tpu.memory_space<vmem>> -> memref<1x13x128xi32, #tpu.memory_space<vmem>>
        %dma_start3A_261 = tpu.memref_squeeze %dma_start3A_260 : memref<1x13x128xi32, #tpu.memory_space<vmem>> -> memref<13x128xi32, #tpu.memory_space<vmem>>
        %dma_start3A_262 = arith.constant 0 : i32
        %dma_start3A_263 = tpu.memref_slice %arg3[%add3A_249, %dma_start3A_262] : memref<2500x128xi32, #tpu.memory_space<hbm>> -> memref<13x128xi32, #tpu.memory_space<hbm>>
        tpu.enqueue_dma source(%dma_start3A_263 : memref<13x128xi32, #tpu.memory_space<hbm>>) target(%dma_start3A_261 : memref<13x128xi32, #tpu.memory_space<vmem>>) target_semaphore(%arg12 : memref<!tpu.dma_semaphore, #tpu.memory_space<semaphore_mem>>)
        %mul3A_264 = arith.constant 8 : i32
        %mul3A_265 = arith.muli %add3A_249, %mul3A_264 : i32
        %add3A_266 = arith.constant 0 : i32
        %add3A_267 = arith.addi %add3A_266, %mul3A_265 : i32
        %dma_start3A_268 = arith.constant 0 : i32
        %dma_start3A_269 = arith.constant 0 : i32
        %dma_start3A_270 = arith.constant 0 : i32
        %dma_start3A_271 = tpu.memref_slice %arg7[%dma_start3A_268, %dma_start3A_269, %dma_start3A_270] : memref<2x208x129xf32, #tpu.memory_space<vmem>> -> memref<1x104x128xf32, #tpu.memory_space<vmem>>
        %dma_start3A_272 = tpu.memref_squeeze %dma_start3A_271 : memref<1x104x128xf32, #tpu.memory_space<vmem>> -> memref<104x128xf32, #tpu.memory_space<vmem>>
        %dma_start3A_273 = arith.constant 0 : i32
        %dma_start3A_274 = tpu.memref_slice %arg2[%add3A_267, %dma_start3A_273] : memref<40000x128xf32, #tpu.memory_space<hbm>> -> memref<104x128xf32, #tpu.memory_space<hbm>>
        %dma_start3A_275 = arith.constant 0 : i32
        %dma_start3A_276 = arith.constant 0 : i32
        %dma_start3A_277 = tpu.memref_slice %arg7[%dma_start3A_268, %dma_start3A_275, %dma_start3A_276] : memref<2x208x129xf32, #tpu.memory_space<vmem>> -> memref<1x104x128xf32, #tpu.memory_space<vmem>>
        %dma_start3A_278 = tpu.memref_squeeze %dma_start3A_277 : memref<1x104x128xf32, #tpu.memory_space<vmem>> -> memref<104x128xf32, #tpu.memory_space<vmem>>
        %dma_start3A_279 = arith.constant 0 : i32
        %dma_start3A_280 = tpu.memref_slice %arg2[%add3A_267, %dma_start3A_279] : memref<40000x128xf32, #tpu.memory_space<hbm>> -> memref<104x128xf32, #tpu.memory_space<hbm>>
        tpu.enqueue_dma source(%dma_start3A_280 : memref<104x128xf32, #tpu.memory_space<hbm>>) target(%dma_start3A_278 : memref<104x128xf32, #tpu.memory_space<vmem>>) target_semaphore(%arg12 : memref<!tpu.dma_semaphore, #tpu.memory_space<semaphore_mem>>)
        %mul3A_281 = arith.constant 8 : i32
        %mul3A_282 = arith.muli %add3A_249, %mul3A_281 : i32
        %add3A_283 = arith.constant 20000 : i32
        %add3A_284 = arith.addi %add3A_283, %mul3A_282 : i32
        %dma_start3A_285 = arith.constant 0 : i32
        %dma_start3A_286 = arith.constant 104 : i32
        %dma_start3A_287 = arith.constant 0 : i32
        %dma_start3A_288 = tpu.memref_slice %arg7[%dma_start3A_285, %dma_start3A_286, %dma_start3A_287] : memref<2x208x129xf32, #tpu.memory_space<vmem>> -> memref<1x104x128xf32, #tpu.memory_space<vmem>>
        %dma_start3A_289 = tpu.memref_squeeze %dma_start3A_288 : memref<1x104x128xf32, #tpu.memory_space<vmem>> -> memref<104x128xf32, #tpu.memory_space<vmem>>
        %dma_start3A_290 = arith.constant 0 : i32
        %dma_start3A_291 = tpu.memref_slice %arg2[%add3A_284, %dma_start3A_290] : memref<40000x128xf32, #tpu.memory_space<hbm>> -> memref<104x128xf32, #tpu.memory_space<hbm>>
        %dma_start3A_292 = arith.constant 104 : i32
        %dma_start3A_293 = arith.constant 0 : i32
        %dma_start3A_294 = tpu.memref_slice %arg7[%dma_start3A_285, %dma_start3A_292, %dma_start3A_293] : memref<2x208x129xf32, #tpu.memory_space<vmem>> -> memref<1x104x128xf32, #tpu.memory_space<vmem>>
        %dma_start3A_295 = tpu.memref_squeeze %dma_start3A_294 : memref<1x104x128xf32, #tpu.memory_space<vmem>> -> memref<104x128xf32, #tpu.memory_space<vmem>>
        %dma_start3A_296 = arith.constant 0 : i32
        %dma_start3A_297 = tpu.memref_slice %arg2[%add3A_284, %dma_start3A_296] : memref<40000x128xf32, #tpu.memory_space<hbm>> -> memref<104x128xf32, #tpu.memory_space<hbm>>
        tpu.enqueue_dma source(%dma_start3A_297 : memref<104x128xf32, #tpu.memory_space<hbm>>) target(%dma_start3A_295 : memref<104x128xf32, #tpu.memory_space<vmem>>) target_semaphore(%arg12 : memref<!tpu.dma_semaphore, #tpu.memory_space<semaphore_mem>>)
      } else {
      }
      %dma_wait3A_201 = arith.constant 0 : i32
      %dma_wait3A_202 = arith.constant 0 : i32
      %dma_wait3A_203 = arith.constant 0 : i32
      %dma_wait3A_204 = tpu.memref_slice %arg6[%dma_wait3A_201, %dma_wait3A_202, %dma_wait3A_203] : memref<4x13x128xi32, #tpu.memory_space<vmem>> -> memref<1x13x128xi32, #tpu.memory_space<vmem>>
      %dma_wait3A_205 = tpu.memref_squeeze %dma_wait3A_204 : memref<1x13x128xi32, #tpu.memory_space<vmem>> -> memref<13x128xi32, #tpu.memory_space<vmem>>
      %dma_wait3A_206 = arith.constant 0 : i32
      %dma_wait3A_207 = arith.constant 0 : i32
      %dma_wait3A_208 = tpu.memref_slice %arg3[%dma_wait3A_206, %dma_wait3A_207] : memref<2500x128xi32, #tpu.memory_space<hbm>> -> memref<13x128xi32, #tpu.memory_space<hbm>>
      %dma_wait3A_209 = arith.constant 0 : i32
      %dma_wait3A_210 = arith.constant 0 : i32
      %dma_wait3A_211 = tpu.memref_slice %arg6[%dma_wait3A_201, %dma_wait3A_209, %dma_wait3A_210] : memref<4x13x128xi32, #tpu.memory_space<vmem>> -> memref<1x13x128xi32, #tpu.memory_space<vmem>>
      %dma_wait3A_212 = tpu.memref_squeeze %dma_wait3A_211 : memref<1x13x128xi32, #tpu.memory_space<vmem>> -> memref<13x128xi32, #tpu.memory_space<vmem>>
      %dma_wait3A_213 = arith.constant 0 : i32
      %dma_wait3A_214 = arith.constant 0 : i32
      %dma_wait3A_215 = tpu.memref_slice %arg3[%dma_wait3A_213, %dma_wait3A_214] : memref<2500x128xi32, #tpu.memory_space<hbm>> -> memref<13x128xi32, #tpu.memory_space<hbm>>
      tpu.wait_dma2 semaphore(%arg13 : memref<!tpu.dma_semaphore, #tpu.memory_space<semaphore_mem>>) src(%dma_wait3A_215 : memref<13x128xi32, #tpu.memory_space<hbm>>) dst(%dma_wait3A_212 : memref<13x128xi32, #tpu.memory_space<vmem>>)
      %dma_wait3A_216 = arith.constant 0 : i32
      %dma_wait3A_217 = arith.constant 0 : i32
      %dma_wait3A_218 = arith.constant 0 : i32
      %dma_wait3A_219 = tpu.memref_slice %arg8[%dma_wait3A_216, %dma_wait3A_217, %dma_wait3A_218] : memref<2x1664x16xf32, #tpu.memory_space<vmem>> -> memref<1x1664x16xf32, #tpu.memory_space<vmem>>
      %dma_wait3A_220 = tpu.memref_squeeze %dma_wait3A_219 : memref<1x1664x16xf32, #tpu.memory_space<vmem>> -> memref<1664x16xf32, #tpu.memory_space<vmem>>
      %dma_wait3A_221 = arith.constant 0 : i32
      %dma_wait3A_222 = arith.constant 0 : i32
      %dma_wait3A_223 = tpu.memref_slice %arg8[%dma_wait3A_216, %dma_wait3A_221, %dma_wait3A_222] : memref<2x1664x16xf32, #tpu.memory_space<vmem>> -> memref<1x1664x16xf32, #tpu.memory_space<vmem>>
      %dma_wait3A_224 = tpu.memref_squeeze %dma_wait3A_223 : memref<1x1664x16xf32, #tpu.memory_space<vmem>> -> memref<1664x16xf32, #tpu.memory_space<vmem>>
      tpu.wait_dma2 semaphore(%arg13 : memref<!tpu.dma_semaphore, #tpu.memory_space<semaphore_mem>>) src(%arg5 : memref<1664x16xf32, #tpu.memory_space<hbm>>) dst(%dma_wait3A_224 : memref<1664x16xf32, #tpu.memory_space<vmem>>)
      %ge3A_225 = arith.constant 1 : i32
      %ge3A_226 = arith.cmpi sge, %scan3A_157, %ge3A_225 : i32
      %convert_element_type3A_227 = arith.extui %ge3A_226 : i1 to i32
      %cond3A_228 = arith.constant 0 : i32
      %cond3A_229 = arith.cmpi ne, %convert_element_type3A_227, %cond3A_228 : i32
      scf.if %cond3A_229 {
        %dma_wait3A_245 = arith.constant 1 : i32
        %dma_wait3A_246 = arith.constant 0 : i32
        %dma_wait3A_247 = arith.constant 0 : i32
        %dma_wait3A_248 = tpu.memref_slice %arg8[%dma_wait3A_245, %dma_wait3A_246, %dma_wait3A_247] : memref<2x1664x16xf32, #tpu.memory_space<vmem>> -> memref<1x1664x16xf32, #tpu.memory_space<vmem>>
        %dma_wait3A_249 = tpu.memref_squeeze %dma_wait3A_248 : memref<1x1664x16xf32, #tpu.memory_space<vmem>> -> memref<1664x16xf32, #tpu.memory_space<vmem>>
        %dma_wait3A_250 = arith.constant 0 : i32
        %dma_wait3A_251 = arith.constant 0 : i32
        %dma_wait3A_252 = tpu.memref_slice %arg8[%dma_wait3A_245, %dma_wait3A_250, %dma_wait3A_251] : memref<2x1664x16xf32, #tpu.memory_space<vmem>> -> memref<1x1664x16xf32, #tpu.memory_space<vmem>>
        %dma_wait3A_253 = tpu.memref_squeeze %dma_wait3A_252 : memref<1x1664x16xf32, #tpu.memory_space<vmem>> -> memref<1664x16xf32, #tpu.memory_space<vmem>>
        tpu.wait_dma2 semaphore(%arg15 : memref<!tpu.dma_semaphore, #tpu.memory_space<semaphore_mem>>) src(%arg5 : memref<1664x16xf32, #tpu.memory_space<hbm>>) dst(%dma_wait3A_253 : memref<1664x16xf32, #tpu.memory_space<vmem>>)
      } else {
      }
      %add3A_230 = arith.constant 1 : i32
      %add3A_231 = arith.addi %mul3A_159, %add3A_230 : i32
      %scan3A_232 = arith.constant 0 : i32
      %scan3A_233 = arith.constant 0 : i32
      %scan3A_234 = arith.constant 13 : i32
      %scan3A_235 = arith.addi %scan3A_233, %scan3A_234 : i32
      %scan3A_236 = arith.constant 1 : i32
      scf.for %scan3A_245 = %scan3A_233 to %scan3A_235 step %scan3A_236  : i32 {
        %mul3A_246 = arith.constant 8 : i32
        %mul3A_247 = arith.muli %scan3A_245, %mul3A_246 : i32
        %add3A_248 = vector.broadcast %mul3A_247 : i32 to vector<16xi32>
        %add3A_249 = arith.addi %add3A_20, %add3A_248 : vector<16xi32>
        %parallel_loop3A = arith.constant 0 : i32
        %parallel_loop3A_250 = arith.constant 128 : i32
        %parallel_loop3A_251 = arith.constant 1 : i32
        scf.for %parallel_loop3A_270 = %parallel_loop3A to %parallel_loop3A_250 step %parallel_loop3A_251  : i32 {
          %parallel_loop3A_271 = vector.broadcast %parallel_loop3A_270 : i32 to vector<16xi32>
          %parallel_loop3A_272 = arith.constant 1 : i32
          %parallel_loop3A_273 = arith.constant 0 : i32
          %parallel_loop3A_274 = arith.constant 0 : i32
          %parallel_loop3A_275 = tpu.memref_slice %arg7[%parallel_loop3A_272, %parallel_loop3A_273, %parallel_loop3A_274] : memref<2x208x129xf32, #tpu.memory_space<vmem>> -> memref<1x208x129xf32, #tpu.memory_space<vmem>>
          %parallel_loop3A_276 = tpu.memref_squeeze %parallel_loop3A_275 : memref<1x208x129xf32, #tpu.memory_space<vmem>> -> memref<208x129xf32, #tpu.memory_space<vmem>>
          %parallel_loop3A_277 = tpu.vector_load_idx %parallel_loop3A_276[%add3A_249, %parallel_loop3A_271] : memref<208x129xf32, #tpu.memory_space<vmem>>[vector<16xi32>, vector<16xi32>], vector<16xf32>,
          %parallel_loop3A_278 = arith.constant 128 : i32
          %parallel_loop3A_279 = arith.muli %scan3A_245, %parallel_loop3A_278 : i32
          %parallel_loop3A_280 = arith.addi %parallel_loop3A_279, %parallel_loop3A_270 : i32
          %parallel_loop3A_281 = arith.constant 1 : i32
          %parallel_loop3A_282 = arith.index_cast %parallel_loop3A_281 : i32 to index
          %parallel_loop3A_283 = arith.index_cast %parallel_loop3A_280 : i32 to index
          %parallel_loop3A_284 = arith.constant 0 : index
          %parallel_loop3A_285 = tpu.vector_load %arg8[%parallel_loop3A_282, %parallel_loop3A_283, %parallel_loop3A_284] {strides = array<i32>} : memref<2x1664x16xf32, #tpu.memory_space<vmem>>, vector<16xf32>,
          tpu.vector_store %arg8[%parallel_loop3A_282, %parallel_loop3A_283, %parallel_loop3A_284], %parallel_loop3A_277 {strides = array<i32>} : memref<2x1664x16xf32, #tpu.memory_space<vmem>>, vector<16xf32>,
        } {sc.loop_unroll_factor = 32 : i64, sc.parallel_access}
        %mul3A_252 = arith.constant 128 : i32
        %mul3A_253 = arith.muli %scan3A_245, %mul3A_252 : i32
        %and3A_254 = arith.constant 3 : i32
        %and3A_255 = arith.andi %add3A_231, %and3A_254 : i32
        %dma_start3A_256 = arith.constant 1 : i32
        %dma_start3A_257 = arith.constant 0 : i32
        %dma_start3A_258 = tpu.memref_slice %arg8[%dma_start3A_256, %mul3A_253, %dma_start3A_257] : memref<2x1664x16xf32, #tpu.memory_space<vmem>> -> memref<1x128x16xf32, #tpu.memory_space<vmem>>
        %dma_start3A_259 = tpu.memref_squeeze %dma_start3A_258 : memref<1x128x16xf32, #tpu.memory_space<vmem>> -> memref<128x16xf32, #tpu.memory_space<vmem>>
        %dma_start3A_260 = arith.constant 0 : i32
        %dma_start3A_261 = arith.constant 0 : i32
        %dma_start3A_262 = tpu.memref_slice %arg6[%and3A_255, %dma_start3A_260, %dma_start3A_261] : memref<4x13x128xi32, #tpu.memory_space<vmem>> -> memref<1x13x128xi32, #tpu.memory_space<vmem>>
        %dma_start3A_263 = tpu.memref_squeeze %dma_start3A_262 : memref<1x13x128xi32, #tpu.memory_space<vmem>> -> memref<13x128xi32, #tpu.memory_space<vmem>>
        %dma_start3A_264 = arith.constant 0 : i32
        %dma_start3A_265 = tpu.memref_slice %dma_start3A_263[%scan3A_245, %dma_start3A_264] : memref<13x128xi32, #tpu.memory_space<vmem>> -> memref<1x128xi32, #tpu.memory_space<vmem>>
        %dma_start3A_266 = tpu.memref_squeeze %dma_start3A_265 : memref<1x128xi32, #tpu.memory_space<vmem>> -> memref<128xi32, #tpu.memory_space<vmem>>
        %dma_start3A_267 = arith.constant 0 : i32
        %dma_start3A_268 = arith.constant 0 : i32
        %dma_start3A_269 = tpu.memref_slice %arg11[%dma_start3A_267, %dma_start3A_268] : memref<10112x16xf32, #tpu.memory_space<vmem_shared>> -> memref<10112x16xf32, #tpu.memory_space<vmem_shared>>
        tpu.enqueue_indirect_dma source(%dma_start3A_259 : memref<128x16xf32, #tpu.memory_space<vmem>>) target(%dma_start3A_269 : memref<10112x16xf32, #tpu.memory_space<vmem_shared>>) offsets(%dma_start3A_266 : memref<128xi32, #tpu.memory_space<vmem>>) semaphore(%arg15 : memref<!tpu.dma_semaphore, #tpu.memory_space<semaphore_mem>>) {add = true}
      }
      %scan3A_237 = arith.constant 13 : i32
      %add3A_238 = arith.constant 3 : i32
      %add3A_239 = arith.addi %mul3A_159, %add3A_238 : i32
      %lt3A_240 = arith.constant 6 : i32
      %lt3A_241 = arith.cmpi slt, %add3A_239, %lt3A_240 : i32
      %convert_element_type3A_242 = arith.extui %lt3A_241 : i1 to i32
      %cond3A_243 = arith.constant 0 : i32
      %cond3A_244 = arith.cmpi ne, %convert_element_type3A_242, %cond3A_243 : i32
      scf.if %cond3A_244 {
        %add3A_245 = arith.constant 3 : i32
        %add3A_246 = arith.addi %mul3A_159, %add3A_245 : i32
        %mul3A_247 = arith.constant 13 : i32
        %mul3A_248 = arith.muli %add3A_246, %mul3A_247 : i32
        %add3A_249 = arith.addi %add3A_12, %mul3A_248 : i32
        %and3A_250 = arith.constant 3 : i32
        %and3A_251 = arith.andi %add3A_246, %and3A_250 : i32
        %dma_start3A_252 = arith.constant 0 : i32
        %dma_start3A_253 = arith.constant 0 : i32
        %dma_start3A_254 = tpu.memref_slice %arg6[%and3A_251, %dma_start3A_252, %dma_start3A_253] : memref<4x13x128xi32, #tpu.memory_space<vmem>> -> memref<1x13x128xi32, #tpu.memory_space<vmem>>
        %dma_start3A_255 = tpu.memref_squeeze %dma_start3A_254 : memref<1x13x128xi32, #tpu.memory_space<vmem>> -> memref<13x128xi32, #tpu.memory_space<vmem>>
        %dma_start3A_256 = arith.constant 0 : i32
        %dma_start3A_257 = tpu.memref_slice %arg3[%add3A_249, %dma_start3A_256] : memref<2500x128xi32, #tpu.memory_space<hbm>> -> memref<13x128xi32, #tpu.memory_space<hbm>>
        %dma_start3A_258 = arith.constant 0 : i32
        %dma_start3A_259 = arith.constant 0 : i32
        %dma_start3A_260 = tpu.memref_slice %arg6[%and3A_251, %dma_start3A_258, %dma_start3A_259] : memref<4x13x128xi32, #tpu.memory_space<vmem>> -> memref<1x13x128xi32, #tpu.memory_space<vmem>>
        %dma_start3A_261 = tpu.memref_squeeze %dma_start3A_260 : memref<1x13x128xi32, #tpu.memory_space<vmem>> -> memref<13x128xi32, #tpu.memory_space<vmem>>
        %dma_start3A_262 = arith.constant 0 : i32
        %dma_start3A_263 = tpu.memref_slice %arg3[%add3A_249, %dma_start3A_262] : memref<2500x128xi32, #tpu.memory_space<hbm>> -> memref<13x128xi32, #tpu.memory_space<hbm>>
        tpu.enqueue_dma source(%dma_start3A_263 : memref<13x128xi32, #tpu.memory_space<hbm>>) target(%dma_start3A_261 : memref<13x128xi32, #tpu.memory_space<vmem>>) target_semaphore(%arg13 : memref<!tpu.dma_semaphore, #tpu.memory_space<semaphore_mem>>)
        %mul3A_264 = arith.constant 8 : i32
        %mul3A_265 = arith.muli %add3A_249, %mul3A_264 : i32
        %add3A_266 = arith.constant 0 : i32
        %add3A_267 = arith.addi %add3A_266, %mul3A_265 : i32
        %dma_start3A_268 = arith.constant 1 : i32
        %dma_start3A_269 = arith.constant 0 : i32
        %dma_start3A_270 = arith.constant 0 : i32
        %dma_start3A_271 = tpu.memref_slice %arg7[%dma_start3A_268, %dma_start3A_269, %dma_start3A_270] : memref<2x208x129xf32, #tpu.memory_space<vmem>> -> memref<1x104x128xf32, #tpu.memory_space<vmem>>
        %dma_start3A_272 = tpu.memref_squeeze %dma_start3A_271 : memref<1x104x128xf32, #tpu.memory_space<vmem>> -> memref<104x128xf32, #tpu.memory_space<vmem>>
        %dma_start3A_273 = arith.constant 0 : i32
        %dma_start3A_274 = tpu.memref_slice %arg2[%add3A_267, %dma_start3A_273] : memref<40000x128xf32, #tpu.memory_space<hbm>> -> memref<104x128xf32, #tpu.memory_space<hbm>>
        %dma_start3A_275 = arith.constant 0 : i32
        %dma_start3A_276 = arith.constant 0 : i32
        %dma_start3A_277 = tpu.memref_slice %arg7[%dma_start3A_268, %dma_start3A_275, %dma_start3A_276] : memref<2x208x129xf32, #tpu.memory_space<vmem>> -> memref<1x104x128xf32, #tpu.memory_space<vmem>>
        %dma_start3A_278 = tpu.memref_squeeze %dma_start3A_277 : memref<1x104x128xf32, #tpu.memory_space<vmem>> -> memref<104x128xf32, #tpu.memory_space<vmem>>
        %dma_start3A_279 = arith.constant 0 : i32
        %dma_start3A_280 = tpu.memref_slice %arg2[%add3A_267, %dma_start3A_279] : memref<40000x128xf32, #tpu.memory_space<hbm>> -> memref<104x128xf32, #tpu.memory_space<hbm>>
        tpu.enqueue_dma source(%dma_start3A_280 : memref<104x128xf32, #tpu.memory_space<hbm>>) target(%dma_start3A_278 : memref<104x128xf32, #tpu.memory_space<vmem>>) target_semaphore(%arg13 : memref<!tpu.dma_semaphore, #tpu.memory_space<semaphore_mem>>)
        %mul3A_281 = arith.constant 8 : i32
        %mul3A_282 = arith.muli %add3A_249, %mul3A_281 : i32
        %add3A_283 = arith.constant 20000 : i32
        %add3A_284 = arith.addi %add3A_283, %mul3A_282 : i32
        %dma_start3A_285 = arith.constant 1 : i32
        %dma_start3A_286 = arith.constant 104 : i32
        %dma_start3A_287 = arith.constant 0 : i32
        %dma_start3A_288 = tpu.memref_slice %arg7[%dma_start3A_285, %dma_start3A_286, %dma_start3A_287] : memref<2x208x129xf32, #tpu.memory_space<vmem>> -> memref<1x104x128xf32, #tpu.memory_space<vmem>>
        %dma_start3A_289 = tpu.memref_squeeze %dma_start3A_288 : memref<1x104x128xf32, #tpu.memory_space<vmem>> -> memref<104x128xf32, #tpu.memory_space<vmem>>
        %dma_start3A_290 = arith.constant 0 : i32
        %dma_start3A_291 = tpu.memref_slice %arg2[%add3A_284, %dma_start3A_290] : memref<40000x128xf32, #tpu.memory_space<hbm>> -> memref<104x128xf32, #tpu.memory_space<hbm>>
        %dma_start3A_292 = arith.constant 104 : i32
        %dma_start3A_293 = arith.constant 0 : i32
        %dma_start3A_294 = tpu.memref_slice %arg7[%dma_start3A_285, %dma_start3A_292, %dma_start3A_293] : memref<2x208x129xf32, #tpu.memory_space<vmem>> -> memref<1x104x128xf32, #tpu.memory_space<vmem>>
        %dma_start3A_295 = tpu.memref_squeeze %dma_start3A_294 : memref<1x104x128xf32, #tpu.memory_space<vmem>> -> memref<104x128xf32, #tpu.memory_space<vmem>>
        %dma_start3A_296 = arith.constant 0 : i32
        %dma_start3A_297 = tpu.memref_slice %arg2[%add3A_284, %dma_start3A_296] : memref<40000x128xf32, #tpu.memory_space<hbm>> -> memref<104x128xf32, #tpu.memory_space<hbm>>
        tpu.enqueue_dma source(%dma_start3A_297 : memref<104x128xf32, #tpu.memory_space<hbm>>) target(%dma_start3A_295 : memref<104x128xf32, #tpu.memory_space<vmem>>) target_semaphore(%arg13 : memref<!tpu.dma_semaphore, #tpu.memory_space<semaphore_mem>>)
      } else {
      }
    }
    %scan3A_123 = arith.constant 3 : i32
    %dma_wait3A = arith.constant 0 : i32
    %dma_wait3A_124 = arith.constant 0 : i32
    %dma_wait3A_125 = arith.constant 0 : i32
    %dma_wait3A_126 = tpu.memref_slice %arg8[%dma_wait3A, %dma_wait3A_124, %dma_wait3A_125] : memref<2x1664x16xf32, #tpu.memory_space<vmem>> -> memref<1x1664x16xf32, #tpu.memory_space<vmem>>
    %dma_wait3A_127 = tpu.memref_squeeze %dma_wait3A_126 : memref<1x1664x16xf32, #tpu.memory_space<vmem>> -> memref<1664x16xf32, #tpu.memory_space<vmem>>
    %dma_wait3A_128 = arith.constant 0 : i32
    %dma_wait3A_129 = arith.constant 0 : i32
    %dma_wait3A_130 = tpu.memref_slice %arg8[%dma_wait3A, %dma_wait3A_128, %dma_wait3A_129] : memref<2x1664x16xf32, #tpu.memory_space<vmem>> -> memref<1x1664x16xf32, #tpu.memory_space<vmem>>
    %dma_wait3A_131 = tpu.memref_squeeze %dma_wait3A_130 : memref<1x1664x16xf32, #tpu.memory_space<vmem>> -> memref<1664x16xf32, #tpu.memory_space<vmem>>
    tpu.wait_dma2 semaphore(%arg14 : memref<!tpu.dma_semaphore, #tpu.memory_space<semaphore_mem>>) src(%arg5 : memref<1664x16xf32, #tpu.memory_space<hbm>>) dst(%dma_wait3A_131 : memref<1664x16xf32, #tpu.memory_space<vmem>>)
    %dma_wait3A_132 = arith.constant 1 : i32
    %dma_wait3A_133 = arith.constant 0 : i32
    %dma_wait3A_134 = arith.constant 0 : i32
    %dma_wait3A_135 = tpu.memref_slice %arg8[%dma_wait3A_132, %dma_wait3A_133, %dma_wait3A_134] : memref<2x1664x16xf32, #tpu.memory_space<vmem>> -> memref<1x1664x16xf32, #tpu.memory_space<vmem>>
    %dma_wait3A_136 = tpu.memref_squeeze %dma_wait3A_135 : memref<1x1664x16xf32, #tpu.memory_space<vmem>> -> memref<1664x16xf32, #tpu.memory_space<vmem>>
    %dma_wait3A_137 = arith.constant 0 : i32
    %dma_wait3A_138 = arith.constant 0 : i32
    %dma_wait3A_139 = tpu.memref_slice %arg8[%dma_wait3A_132, %dma_wait3A_137, %dma_wait3A_138] : memref<2x1664x16xf32, #tpu.memory_space<vmem>> -> memref<1x1664x16xf32, #tpu.memory_space<vmem>>
    %dma_wait3A_140 = tpu.memref_squeeze %dma_wait3A_139 : memref<1x1664x16xf32, #tpu.memory_space<vmem>> -> memref<1664x16xf32, #tpu.memory_space<vmem>>
    tpu.wait_dma2 semaphore(%arg15 : memref<!tpu.dma_semaphore, #tpu.memory_space<semaphore_mem>>) src(%arg5 : memref<1664x16xf32, #tpu.memory_space<hbm>>) dst(%dma_wait3A_140 : memref<1664x16xf32, #tpu.memory_space<vmem>>)
    %lt3A = arith.constant 2 : i32
    %lt3A_141 = arith.cmpi slt, %arg1, %lt3A : i32
    %convert_element_type3A = arith.extui %lt3A_141 : i1 to i32
    %cond3A = arith.constant 0 : i32
    %cond3A_142 = arith.cmpi ne, %convert_element_type3A, %cond3A : i32
    scf.if %cond3A_142 {
      %add3A_157 = arith.constant 78 : i32
      %add3A_158 = arith.addi %add3A_12, %add3A_157 : i32
      %run_scoped3A_159 = arith.constant 0 : i32
      "tpu.region"() ({
        %run_scoped3A_175 = tpu.sem_alloc : memref<!tpu.dma_semaphore, #tpu.memory_space<semaphore_mem>>
        %dma_start3A_176 = arith.constant 0 : i32
        %dma_start3A_177 = arith.constant 0 : i32
        %dma_start3A_178 = tpu.memref_slice %arg6[%run_scoped3A_159, %dma_start3A_176, %dma_start3A_177] : memref<4x13x128xi32, #tpu.memory_space<vmem>> -> memref<1x1x128xi32, #tpu.memory_space<vmem>>
        %dma_start3A_179 = tpu.memref_squeeze %dma_start3A_178 : memref<1x1x128xi32, #tpu.memory_space<vmem>> -> memref<1x128xi32, #tpu.memory_space<vmem>>
        %dma_start3A_180 = arith.constant 0 : i32
        %dma_start3A_181 = tpu.memref_slice %arg3[%add3A_158, %dma_start3A_180] : memref<2500x128xi32, #tpu.memory_space<hbm>> -> memref<1x128xi32, #tpu.memory_space<hbm>>
        %dma_start3A_182 = arith.constant 0 : i32
        %dma_start3A_183 = arith.constant 0 : i32
        %dma_start3A_184 = tpu.memref_slice %arg6[%run_scoped3A_159, %dma_start3A_182, %dma_start3A_183] : memref<4x13x128xi32, #tpu.memory_space<vmem>> -> memref<1x1x128xi32, #tpu.memory_space<vmem>>
        %dma_start3A_185 = tpu.memref_squeeze %dma_start3A_184 : memref<1x1x128xi32, #tpu.memory_space<vmem>> -> memref<1x128xi32, #tpu.memory_space<vmem>>
        %dma_start3A_186 = arith.constant 0 : i32
        %dma_start3A_187 = tpu.memref_slice %arg3[%add3A_158, %dma_start3A_186] : memref<2500x128xi32, #tpu.memory_space<hbm>> -> memref<1x128xi32, #tpu.memory_space<hbm>>
        tpu.enqueue_dma source(%dma_start3A_187 : memref<1x128xi32, #tpu.memory_space<hbm>>) target(%dma_start3A_185 : memref<1x128xi32, #tpu.memory_space<vmem>>) target_semaphore(%run_scoped3A_175 : memref<!tpu.dma_semaphore, #tpu.memory_space<semaphore_mem>>)
        %dma_wait3A_188 = arith.constant 0 : i32
        %dma_wait3A_189 = arith.constant 0 : i32
        %dma_wait3A_190 = tpu.memref_slice %arg6[%run_scoped3A_159, %dma_wait3A_188, %dma_wait3A_189] : memref<4x13x128xi32, #tpu.memory_space<vmem>> -> memref<1x1x128xi32, #tpu.memory_space<vmem>>
        %dma_wait3A_191 = tpu.memref_squeeze %dma_wait3A_190 : memref<1x1x128xi32, #tpu.memory_space<vmem>> -> memref<1x128xi32, #tpu.memory_space<vmem>>
        %dma_wait3A_192 = arith.constant 0 : i32
        %dma_wait3A_193 = tpu.memref_slice %arg3[%add3A_158, %dma_wait3A_192] : memref<2500x128xi32, #tpu.memory_space<hbm>> -> memref<1x128xi32, #tpu.memory_space<hbm>>
        %dma_wait3A_194 = arith.constant 0 : i32
        %dma_wait3A_195 = arith.constant 0 : i32
        %dma_wait3A_196 = tpu.memref_slice %arg6[%run_scoped3A_159, %dma_wait3A_194, %dma_wait3A_195] : memref<4x13x128xi32, #tpu.memory_space<vmem>> -> memref<1x1x128xi32, #tpu.memory_space<vmem>>
        %dma_wait3A_197 = tpu.memref_squeeze %dma_wait3A_196 : memref<1x1x128xi32, #tpu.memory_space<vmem>> -> memref<1x128xi32, #tpu.memory_space<vmem>>
        %dma_wait3A_198 = arith.constant 0 : i32
        %dma_wait3A_199 = tpu.memref_slice %arg3[%add3A_158, %dma_wait3A_198] : memref<2500x128xi32, #tpu.memory_space<hbm>> -> memref<1x128xi32, #tpu.memory_space<hbm>>
        tpu.wait_dma2 semaphore(%run_scoped3A_175 : memref<!tpu.dma_semaphore, #tpu.memory_space<semaphore_mem>>) src(%dma_wait3A_199 : memref<1x128xi32, #tpu.memory_space<hbm>>) dst(%dma_wait3A_197 : memref<1x128xi32, #tpu.memory_space<vmem>>)
        tpu.yield
      }) : () -> ()
      %mul3A_160 = arith.constant 8 : i32
      %mul3A_161 = arith.muli %add3A_158, %mul3A_160 : i32
      %add3A_162 = arith.constant 0 : i32
      %add3A_163 = arith.addi %add3A_162, %mul3A_161 : i32
      %run_scoped3A_164 = arith.constant 0 : i32
      "tpu.region"() ({
        %run_scoped3A_175 = tpu.sem_alloc : memref<!tpu.dma_semaphore, #tpu.memory_space<semaphore_mem>>
        %dma_start3A_176 = arith.constant 0 : i32
        %dma_start3A_177 = arith.constant 0 : i32
        %dma_start3A_178 = tpu.memref_slice %arg7[%run_scoped3A_164, %dma_start3A_176, %dma_start3A_177] : memref<2x208x129xf32, #tpu.memory_space<vmem>> -> memref<1x8x128xf32, #tpu.memory_space<vmem>>
        %dma_start3A_179 = tpu.memref_squeeze %dma_start3A_178 : memref<1x8x128xf32, #tpu.memory_space<vmem>> -> memref<8x128xf32, #tpu.memory_space<vmem>>
        %dma_start3A_180 = arith.constant 0 : i32
        %dma_start3A_181 = tpu.memref_slice %arg2[%add3A_163, %dma_start3A_180] : memref<40000x128xf32, #tpu.memory_space<hbm>> -> memref<8x128xf32, #tpu.memory_space<hbm>>
        %dma_start3A_182 = arith.constant 0 : i32
        %dma_start3A_183 = arith.constant 0 : i32
        %dma_start3A_184 = tpu.memref_slice %arg7[%run_scoped3A_164, %dma_start3A_182, %dma_start3A_183] : memref<2x208x129xf32, #tpu.memory_space<vmem>> -> memref<1x8x128xf32, #tpu.memory_space<vmem>>
        %dma_start3A_185 = tpu.memref_squeeze %dma_start3A_184 : memref<1x8x128xf32, #tpu.memory_space<vmem>> -> memref<8x128xf32, #tpu.memory_space<vmem>>
        %dma_start3A_186 = arith.constant 0 : i32
        %dma_start3A_187 = tpu.memref_slice %arg2[%add3A_163, %dma_start3A_186] : memref<40000x128xf32, #tpu.memory_space<hbm>> -> memref<8x128xf32, #tpu.memory_space<hbm>>
        tpu.enqueue_dma source(%dma_start3A_187 : memref<8x128xf32, #tpu.memory_space<hbm>>) target(%dma_start3A_185 : memref<8x128xf32, #tpu.memory_space<vmem>>) target_semaphore(%run_scoped3A_175 : memref<!tpu.dma_semaphore, #tpu.memory_space<semaphore_mem>>)
        %dma_wait3A_188 = arith.constant 0 : i32
        %dma_wait3A_189 = arith.constant 0 : i32
        %dma_wait3A_190 = tpu.memref_slice %arg7[%run_scoped3A_164, %dma_wait3A_188, %dma_wait3A_189] : memref<2x208x129xf32, #tpu.memory_space<vmem>> -> memref<1x8x128xf32, #tpu.memory_space<vmem>>
        %dma_wait3A_191 = tpu.memref_squeeze %dma_wait3A_190 : memref<1x8x128xf32, #tpu.memory_space<vmem>> -> memref<8x128xf32, #tpu.memory_space<vmem>>
        %dma_wait3A_192 = arith.constant 0 : i32
        %dma_wait3A_193 = tpu.memref_slice %arg2[%add3A_163, %dma_wait3A_192] : memref<40000x128xf32, #tpu.memory_space<hbm>> -> memref<8x128xf32, #tpu.memory_space<hbm>>
        %dma_wait3A_194 = arith.constant 0 : i32
        %dma_wait3A_195 = arith.constant 0 : i32
        %dma_wait3A_196 = tpu.memref_slice %arg7[%run_scoped3A_164, %dma_wait3A_194, %dma_wait3A_195] : memref<2x208x129xf32, #tpu.memory_space<vmem>> -> memref<1x8x128xf32, #tpu.memory_space<vmem>>
        %dma_wait3A_197 = tpu.memref_squeeze %dma_wait3A_196 : memref<1x8x128xf32, #tpu.memory_space<vmem>> -> memref<8x128xf32, #tpu.memory_space<vmem>>
        %dma_wait3A_198 = arith.constant 0 : i32
        %dma_wait3A_199 = tpu.memref_slice %arg2[%add3A_163, %dma_wait3A_198] : memref<40000x128xf32, #tpu.memory_space<hbm>> -> memref<8x128xf32, #tpu.memory_space<hbm>>
        tpu.wait_dma2 semaphore(%run_scoped3A_175 : memref<!tpu.dma_semaphore, #tpu.memory_space<semaphore_mem>>) src(%dma_wait3A_199 : memref<8x128xf32, #tpu.memory_space<hbm>>) dst(%dma_wait3A_197 : memref<8x128xf32, #tpu.memory_space<vmem>>)
        tpu.yield
      }) : () -> ()
      %mul3A_165 = arith.constant 8 : i32
      %mul3A_166 = arith.muli %add3A_158, %mul3A_165 : i32
      %add3A_167 = arith.constant 20000 : i32
      %add3A_168 = arith.addi %add3A_167, %mul3A_166 : i32
      %run_scoped3A_169 = arith.constant 0 : i32
      "tpu.region"() ({
        %run_scoped3A_175 = tpu.sem_alloc : memref<!tpu.dma_semaphore, #tpu.memory_space<semaphore_mem>>
        %dma_start3A_176 = arith.constant 104 : i32
        %dma_start3A_177 = arith.constant 0 : i32
        %dma_start3A_178 = tpu.memref_slice %arg7[%run_scoped3A_169, %dma_start3A_176, %dma_start3A_177] : memref<2x208x129xf32, #tpu.memory_space<vmem>> -> memref<1x8x128xf32, #tpu.memory_space<vmem>>
        %dma_start3A_179 = tpu.memref_squeeze %dma_start3A_178 : memref<1x8x128xf32, #tpu.memory_space<vmem>> -> memref<8x128xf32, #tpu.memory_space<vmem>>
        %dma_start3A_180 = arith.constant 0 : i32
        %dma_start3A_181 = tpu.memref_slice %arg2[%add3A_168, %dma_start3A_180] : memref<40000x128xf32, #tpu.memory_space<hbm>> -> memref<8x128xf32, #tpu.memory_space<hbm>>
        %dma_start3A_182 = arith.constant 104 : i32
        %dma_start3A_183 = arith.constant 0 : i32
        %dma_start3A_184 = tpu.memref_slice %arg7[%run_scoped3A_169, %dma_start3A_182, %dma_start3A_183] : memref<2x208x129xf32, #tpu.memory_space<vmem>> -> memref<1x8x128xf32, #tpu.memory_space<vmem>>
        %dma_start3A_185 = tpu.memref_squeeze %dma_start3A_184 : memref<1x8x128xf32, #tpu.memory_space<vmem>> -> memref<8x128xf32, #tpu.memory_space<vmem>>
        %dma_start3A_186 = arith.constant 0 : i32
        %dma_start3A_187 = tpu.memref_slice %arg2[%add3A_168, %dma_start3A_186] : memref<40000x128xf32, #tpu.memory_space<hbm>> -> memref<8x128xf32, #tpu.memory_space<hbm>>
        tpu.enqueue_dma source(%dma_start3A_187 : memref<8x128xf32, #tpu.memory_space<hbm>>) target(%dma_start3A_185 : memref<8x128xf32, #tpu.memory_space<vmem>>) target_semaphore(%run_scoped3A_175 : memref<!tpu.dma_semaphore, #tpu.memory_space<semaphore_mem>>)
        %dma_wait3A_188 = arith.constant 104 : i32
        %dma_wait3A_189 = arith.constant 0 : i32
        %dma_wait3A_190 = tpu.memref_slice %arg7[%run_scoped3A_169, %dma_wait3A_188, %dma_wait3A_189] : memref<2x208x129xf32, #tpu.memory_space<vmem>> -> memref<1x8x128xf32, #tpu.memory_space<vmem>>
        %dma_wait3A_191 = tpu.memref_squeeze %dma_wait3A_190 : memref<1x8x128xf32, #tpu.memory_space<vmem>> -> memref<8x128xf32, #tpu.memory_space<vmem>>
        %dma_wait3A_192 = arith.constant 0 : i32
        %dma_wait3A_193 = tpu.memref_slice %arg2[%add3A_168, %dma_wait3A_192] : memref<40000x128xf32, #tpu.memory_space<hbm>> -> memref<8x128xf32, #tpu.memory_space<hbm>>
        %dma_wait3A_194 = arith.constant 104 : i32
        %dma_wait3A_195 = arith.constant 0 : i32
        %dma_wait3A_196 = tpu.memref_slice %arg7[%run_scoped3A_169, %dma_wait3A_194, %dma_wait3A_195] : memref<2x208x129xf32, #tpu.memory_space<vmem>> -> memref<1x8x128xf32, #tpu.memory_space<vmem>>
        %dma_wait3A_197 = tpu.memref_squeeze %dma_wait3A_196 : memref<1x8x128xf32, #tpu.memory_space<vmem>> -> memref<8x128xf32, #tpu.memory_space<vmem>>
        %dma_wait3A_198 = arith.constant 0 : i32
        %dma_wait3A_199 = tpu.memref_slice %arg2[%add3A_168, %dma_wait3A_198] : memref<40000x128xf32, #tpu.memory_space<hbm>> -> memref<8x128xf32, #tpu.memory_space<hbm>>
        tpu.wait_dma2 semaphore(%run_scoped3A_175 : memref<!tpu.dma_semaphore, #tpu.memory_space<semaphore_mem>>) src(%dma_wait3A_199 : memref<8x128xf32, #tpu.memory_space<hbm>>) dst(%dma_wait3A_197 : memref<8x128xf32, #tpu.memory_space<vmem>>)
        tpu.yield
      }) : () -> ()
      %parallel_loop3A = arith.constant 0 : i32
      %parallel_loop3A_170 = arith.constant 128 : i32
      %parallel_loop3A_171 = arith.constant 1 : i32
      scf.for %parallel_loop3A_175 = %parallel_loop3A to %parallel_loop3A_170 step %parallel_loop3A_171  : i32 {
        %parallel_loop3A_176 = vector.broadcast %parallel_loop3A_175 : i32 to vector<16xi32>
        %parallel_loop3A_177 = arith.constant 0 : i32
        %parallel_loop3A_178 = arith.constant 0 : i32
        %parallel_loop3A_179 = arith.constant 0 : i32
        %parallel_loop3A_180 = tpu.memref_slice %arg7[%parallel_loop3A_177, %parallel_loop3A_178, %parallel_loop3A_179] : memref<2x208x129xf32, #tpu.memory_space<vmem>> -> memref<1x208x129xf32, #tpu.memory_space<vmem>>
        %parallel_loop3A_181 = tpu.memref_squeeze %parallel_loop3A_180 : memref<1x208x129xf32, #tpu.memory_space<vmem>> -> memref<208x129xf32, #tpu.memory_space<vmem>>
        %parallel_loop3A_182 = tpu.vector_load_idx %parallel_loop3A_181[%add3A_20, %parallel_loop3A_176] : memref<208x129xf32, #tpu.memory_space<vmem>>[vector<16xi32>, vector<16xi32>], vector<16xf32>,
        %parallel_loop3A_183 = arith.constant 0 : i32
        %parallel_loop3A_184 = arith.index_cast %parallel_loop3A_183 : i32 to index
        %parallel_loop3A_185 = arith.index_cast %parallel_loop3A_175 : i32 to index
        %parallel_loop3A_186 = arith.constant 0 : index
        %parallel_loop3A_187 = tpu.vector_load %arg8[%parallel_loop3A_184, %parallel_loop3A_185, %parallel_loop3A_186] {strides = array<i32>} : memref<2x1664x16xf32, #tpu.memory_space<vmem>>, vector<16xf32>,
        tpu.vector_store %arg8[%parallel_loop3A_184, %parallel_loop3A_185, %parallel_loop3A_186], %parallel_loop3A_182 {strides = array<i32>} : memref<2x1664x16xf32, #tpu.memory_space<vmem>>, vector<16xf32>,
      } {sc.loop_unroll_factor = 16 : i64, sc.parallel_access}
      %run_scoped3A_172 = arith.constant 0 : i32
      %run_scoped3A_173 = arith.constant 0 : i32
      %run_scoped3A_174 = arith.constant 0 : i32
      "tpu.region"() ({
        %run_scoped3A_175 = tpu.sem_alloc : memref<!tpu.dma_semaphore, #tpu.memory_space<semaphore_mem>>
        %dma_start3A_176 = arith.constant 0 : i32
        %dma_start3A_177 = arith.constant 0 : i32
        %dma_start3A_178 = tpu.memref_slice %arg8[%run_scoped3A_172, %dma_start3A_176, %dma_start3A_177] : memref<2x1664x16xf32, #tpu.memory_space<vmem>> -> memref<1x128x16xf32, #tpu.memory_space<vmem>>
        %dma_start3A_179 = tpu.memref_squeeze %dma_start3A_178 : memref<1x128x16xf32, #tpu.memory_space<vmem>> -> memref<128x16xf32, #tpu.memory_space<vmem>>
        %dma_start3A_180 = arith.constant 0 : i32
        %dma_start3A_181 = arith.constant 0 : i32
        %dma_start3A_182 = tpu.memref_slice %arg6[%run_scoped3A_173, %dma_start3A_180, %dma_start3A_181] : memref<4x13x128xi32, #tpu.memory_space<vmem>> -> memref<1x13x128xi32, #tpu.memory_space<vmem>>
        %dma_start3A_183 = tpu.memref_squeeze %dma_start3A_182 : memref<1x13x128xi32, #tpu.memory_space<vmem>> -> memref<13x128xi32, #tpu.memory_space<vmem>>
        %dma_start3A_184 = arith.constant 0 : i32
        %dma_start3A_185 = tpu.memref_slice %dma_start3A_183[%run_scoped3A_174, %dma_start3A_184] : memref<13x128xi32, #tpu.memory_space<vmem>> -> memref<1x128xi32, #tpu.memory_space<vmem>>
        %dma_start3A_186 = tpu.memref_squeeze %dma_start3A_185 : memref<1x128xi32, #tpu.memory_space<vmem>> -> memref<128xi32, #tpu.memory_space<vmem>>
        %dma_start3A_187 = arith.constant 0 : i32
        %dma_start3A_188 = arith.constant 0 : i32
        %dma_start3A_189 = tpu.memref_slice %arg11[%dma_start3A_187, %dma_start3A_188] : memref<10112x16xf32, #tpu.memory_space<vmem_shared>> -> memref<10112x16xf32, #tpu.memory_space<vmem_shared>>
        tpu.enqueue_indirect_dma source(%dma_start3A_179 : memref<128x16xf32, #tpu.memory_space<vmem>>) target(%dma_start3A_189 : memref<10112x16xf32, #tpu.memory_space<vmem_shared>>) offsets(%dma_start3A_186 : memref<128xi32, #tpu.memory_space<vmem>>) semaphore(%run_scoped3A_175 : memref<!tpu.dma_semaphore, #tpu.memory_space<semaphore_mem>>) {add = true}
        %dma_wait3A_190 = arith.constant 0 : i32
        %dma_wait3A_191 = arith.constant 0 : i32
        %dma_wait3A_192 = tpu.memref_slice %arg8[%run_scoped3A_172, %dma_wait3A_190, %dma_wait3A_191] : memref<2x1664x16xf32, #tpu.memory_space<vmem>> -> memref<1x128x16xf32, #tpu.memory_space<vmem>>
        %dma_wait3A_193 = tpu.memref_squeeze %dma_wait3A_192 : memref<1x128x16xf32, #tpu.memory_space<vmem>> -> memref<128x16xf32, #tpu.memory_space<vmem>>
        %dma_wait3A_194 = arith.constant 0 : i32
        %dma_wait3A_195 = arith.constant 0 : i32
        %dma_wait3A_196 = tpu.memref_slice %arg6[%run_scoped3A_173, %dma_wait3A_194, %dma_wait3A_195] : memref<4x13x128xi32, #tpu.memory_space<vmem>> -> memref<1x13x128xi32, #tpu.memory_space<vmem>>
        %dma_wait3A_197 = tpu.memref_squeeze %dma_wait3A_196 : memref<1x13x128xi32, #tpu.memory_space<vmem>> -> memref<13x128xi32, #tpu.memory_space<vmem>>
        %dma_wait3A_198 = arith.constant 0 : i32
        %dma_wait3A_199 = tpu.memref_slice %dma_wait3A_197[%run_scoped3A_174, %dma_wait3A_198] : memref<13x128xi32, #tpu.memory_space<vmem>> -> memref<1x128xi32, #tpu.memory_space<vmem>>
        %dma_wait3A_200 = tpu.memref_squeeze %dma_wait3A_199 : memref<1x128xi32, #tpu.memory_space<vmem>> -> memref<128xi32, #tpu.memory_space<vmem>>
        %dma_wait3A_201 = arith.constant 0 : i32
        %dma_wait3A_202 = arith.constant 0 : i32
        %dma_wait3A_203 = tpu.memref_slice %arg11[%dma_wait3A_201, %dma_wait3A_202] : memref<10112x16xf32, #tpu.memory_space<vmem_shared>> -> memref<10112x16xf32, #tpu.memory_space<vmem_shared>>
        tpu.wait_indirect_dma semaphore(%run_scoped3A_175 : memref<!tpu.dma_semaphore, #tpu.memory_space<semaphore_mem>>) src(%dma_wait3A_193 : memref<128x16xf32, #tpu.memory_space<vmem>>) dst(%dma_wait3A_203 : memref<10112x16xf32, #tpu.memory_space<vmem_shared>>)
        tpu.yield
      }) : () -> ()
    } else {
    }
    %barrier3A_143 = arith.constant 0 : index
    tpu.barrier barrier_id(%barrier3A_143)
    %iota3A_144 = tpu.iota {dimensions = array<i32: 0>} : vector<16xi32>
    %lt3A_145 = arith.constant 15 : i32
    %lt3A_146 = arith.cmpi slt, %arg1, %lt3A_145 : i32
    %jit3A = arith.constant 5 : i32
    %jit3A_147 = arith.constant 4 : i32
    %select_n3A = arith.select %lt3A_146, %jit3A, %jit3A_147 : i32
    %while3A = arith.constant 0 : i32
    %while3A_148 = arith.constant 0 : i32
    %while3A_149 = arith.subi %select_n3A, %while3A_148 : i32
    %while3A_150 = arith.addi %while3A_148, %while3A_149 : i32
    %while3A_151 = arith.constant 1 : i32
    %while3A_152 = arith.divsi %while3A_149, %while3A_151 : i32
    %while3A_153 = arith.muli %while3A_152, %while3A_151 : i32
    %while3A_154 = arith.addi %while3A_148, %while3A_153 : i32
    %while3A_155 = arith.constant 1 : i32
    scf.for %while3A_157 = %while3A_148 to %while3A_154 step %while3A_155  : i32 {
      %mul3A_158 = arith.constant 5 : i32
      %mul3A_159 = arith.muli %arg1, %mul3A_158 : i32
      %add3A_160 = arith.addi %mul3A_159, %while3A_157 : i32
      %mul3A_161 = arith.constant 128 : i32
      %mul3A_162 = arith.muli %add3A_160, %mul3A_161 : i32
      "tpu.region"() ({
        %run_scoped3A_170 = tpu.sem_alloc : memref<!tpu.dma_semaphore, #tpu.memory_space<semaphore_mem>>
        %dma_start3A_171 = arith.constant 0 : i32
        %dma_start3A_172 = arith.constant 0 : i32
        %dma_start3A_173 = tpu.memref_slice %arg9[%dma_start3A_171, %dma_start3A_172] : memref<128x17xf32, #tpu.memory_space<vmem>> -> memref<128x16xf32, #tpu.memory_space<vmem>>
        %dma_start3A_174 = arith.constant 0 : i32
        %dma_start3A_175 = tpu.memref_slice %arg11[%mul3A_162, %dma_start3A_174] : memref<10112x16xf32, #tpu.memory_space<vmem_shared>> -> memref<128x16xf32, #tpu.memory_space<vmem_shared>>
        %dma_start3A_176 = arith.constant 0 : i32
        %dma_start3A_177 = arith.constant 0 : i32
        %dma_start3A_178 = tpu.memref_slice %arg9[%dma_start3A_176, %dma_start3A_177] : memref<128x17xf32, #tpu.memory_space<vmem>> -> memref<128x16xf32, #tpu.memory_space<vmem>>
        %dma_start3A_179 = arith.constant 0 : i32
        %dma_start3A_180 = tpu.memref_slice %arg11[%mul3A_162, %dma_start3A_179] : memref<10112x16xf32, #tpu.memory_space<vmem_shared>> -> memref<128x16xf32, #tpu.memory_space<vmem_shared>>
        tpu.enqueue_dma source(%dma_start3A_180 : memref<128x16xf32, #tpu.memory_space<vmem_shared>>) target(%dma_start3A_178 : memref<128x16xf32, #tpu.memory_space<vmem>>) target_semaphore(%run_scoped3A_170 : memref<!tpu.dma_semaphore, #tpu.memory_space<semaphore_mem>>)
        %dma_wait3A_181 = arith.constant 0 : i32
        %dma_wait3A_182 = arith.constant 0 : i32
        %dma_wait3A_183 = tpu.memref_slice %arg9[%dma_wait3A_181, %dma_wait3A_182] : memref<128x17xf32, #tpu.memory_space<vmem>> -> memref<128x16xf32, #tpu.memory_space<vmem>>
        %dma_wait3A_184 = arith.constant 0 : i32
        %dma_wait3A_185 = tpu.memref_slice %arg11[%mul3A_162, %dma_wait3A_184] : memref<10112x16xf32, #tpu.memory_space<vmem_shared>> -> memref<128x16xf32, #tpu.memory_space<vmem_shared>>
        %dma_wait3A_186 = arith.constant 0 : i32
        %dma_wait3A_187 = arith.constant 0 : i32
        %dma_wait3A_188 = tpu.memref_slice %arg9[%dma_wait3A_186, %dma_wait3A_187] : memref<128x17xf32, #tpu.memory_space<vmem>> -> memref<128x16xf32, #tpu.memory_space<vmem>>
        %dma_wait3A_189 = arith.constant 0 : i32
        %dma_wait3A_190 = tpu.memref_slice %arg11[%mul3A_162, %dma_wait3A_189] : memref<10112x16xf32, #tpu.memory_space<vmem_shared>> -> memref<128x16xf32, #tpu.memory_space<vmem_shared>>
        tpu.wait_dma2 semaphore(%run_scoped3A_170 : memref<!tpu.dma_semaphore, #tpu.memory_space<semaphore_mem>>) src(%dma_wait3A_190 : memref<128x16xf32, #tpu.memory_space<vmem_shared>>) dst(%dma_wait3A_188 : memref<128x16xf32, #tpu.memory_space<vmem>>)
        tpu.yield
      }) : () -> ()
      %parallel_loop3A = arith.constant 0 : i32
      %parallel_loop3A_163 = arith.constant 64 : i32
      %parallel_loop3A_164 = arith.constant 1 : i32
      scf.for %parallel_loop3A_170 = %parallel_loop3A to %parallel_loop3A_163 step %parallel_loop3A_164  : i32 {
        %parallel_loop3A_171 = arith.constant 3 : i32
        %parallel_loop3A_172 = arith.shrsi %parallel_loop3A_170, %parallel_loop3A_171 : i32
        %parallel_loop3A_173 = arith.constant 7 : i32
        %parallel_loop3A_174 = arith.andi %parallel_loop3A_170, %parallel_loop3A_173 : i32
        %parallel_loop3A_175 = arith.constant 4 : i32
        %parallel_loop3A_176 = arith.shli %parallel_loop3A_174, %parallel_loop3A_175 : i32
        %parallel_loop3A_177 = vector.broadcast %parallel_loop3A_176 : i32 to vector<16xi32>
        %parallel_loop3A_178 = arith.addi %parallel_loop3A_177, %iota3A_144 : vector<16xi32>
        %parallel_loop3A_179 = arith.constant 0 : i32
        %parallel_loop3A_180 = arith.addi %parallel_loop3A_179, %parallel_loop3A_172 : i32
        %parallel_loop3A_181 = vector.broadcast %parallel_loop3A_180 : i32 to vector<16xi32>
        %parallel_loop3A_182 = tpu.vector_load_idx %arg9[%parallel_loop3A_178, %parallel_loop3A_181] : memref<128x17xf32, #tpu.memory_space<vmem>>[vector<16xi32>, vector<16xi32>], vector<16xf32>,
        %parallel_loop3A_183 = arith.index_cast %parallel_loop3A_172 : i32 to index
        %parallel_loop3A_184 = arith.index_cast %parallel_loop3A_176 : i32 to index
        %parallel_loop3A_185 = tpu.vector_load %arg10[%parallel_loop3A_183, %parallel_loop3A_184] {strides = array<i32>} : memref<8x128xf32, #tpu.memory_space<vmem>>, vector<16xf32>,
        tpu.vector_store %arg10[%parallel_loop3A_183, %parallel_loop3A_184], %parallel_loop3A_182 {strides = array<i32>} : memref<8x128xf32, #tpu.memory_space<vmem>>, vector<16xf32>,
      } {sc.loop_unroll_factor = 8 : i64, sc.parallel_access}
      %run_scoped3A_165 = arith.constant 0 : i32
      "tpu.region"() ({
        %run_scoped3A_170 = tpu.sem_alloc : memref<!tpu.dma_semaphore, #tpu.memory_space<semaphore_mem>>
        %dma_start3A_171 = arith.constant 0 : i32
        %dma_start3A_172 = arith.constant 0 : i32
        %dma_start3A_173 = tpu.memref_slice %arg4[%arg0, %run_scoped3A_165, %add3A_160, %dma_start3A_171, %dma_start3A_172] : memref<2x2x79x8x128xf32, #tpu.memory_space<hbm>> -> memref<1x1x1x8x128xf32, #tpu.memory_space<hbm>>
        %dma_start3A_174 = tpu.memref_squeeze %dma_start3A_173 : memref<1x1x1x8x128xf32, #tpu.memory_space<hbm>> -> memref<8x128xf32, #tpu.memory_space<hbm>>
        %dma_start3A_175 = arith.constant 0 : i32
        %dma_start3A_176 = arith.constant 0 : i32
        %dma_start3A_177 = tpu.memref_slice %arg4[%arg0, %run_scoped3A_165, %add3A_160, %dma_start3A_175, %dma_start3A_176] : memref<2x2x79x8x128xf32, #tpu.memory_space<hbm>> -> memref<1x1x1x8x128xf32, #tpu.memory_space<hbm>>
        %dma_start3A_178 = tpu.memref_squeeze %dma_start3A_177 : memref<1x1x1x8x128xf32, #tpu.memory_space<hbm>> -> memref<8x128xf32, #tpu.memory_space<hbm>>
        tpu.enqueue_dma source(%arg10 : memref<8x128xf32, #tpu.memory_space<vmem>>) target(%dma_start3A_178 : memref<8x128xf32, #tpu.memory_space<hbm>>) target_semaphore(%run_scoped3A_170 : memref<!tpu.dma_semaphore, #tpu.memory_space<semaphore_mem>>)
        %dma_wait3A_179 = arith.constant 0 : i32
        %dma_wait3A_180 = arith.constant 0 : i32
        %dma_wait3A_181 = tpu.memref_slice %arg4[%arg0, %run_scoped3A_165, %add3A_160, %dma_wait3A_179, %dma_wait3A_180] : memref<2x2x79x8x128xf32, #tpu.memory_space<hbm>> -> memref<1x1x1x8x128xf32, #tpu.memory_space<hbm>>
        %dma_wait3A_182 = tpu.memref_squeeze %dma_wait3A_181 : memref<1x1x1x8x128xf32, #tpu.memory_space<hbm>> -> memref<8x128xf32, #tpu.memory_space<hbm>>
        %dma_wait3A_183 = arith.constant 0 : i32
        %dma_wait3A_184 = arith.constant 0 : i32
        %dma_wait3A_185 = tpu.memref_slice %arg4[%arg0, %run_scoped3A_165, %add3A_160, %dma_wait3A_183, %dma_wait3A_184] : memref<2x2x79x8x128xf32, #tpu.memory_space<hbm>> -> memref<1x1x1x8x128xf32, #tpu.memory_space<hbm>>
        %dma_wait3A_186 = tpu.memref_squeeze %dma_wait3A_185 : memref<1x1x1x8x128xf32, #tpu.memory_space<hbm>> -> memref<8x128xf32, #tpu.memory_space<hbm>>
        tpu.wait_dma2 semaphore(%run_scoped3A_170 : memref<!tpu.dma_semaphore, #tpu.memory_space<semaphore_mem>>) src(%arg10 : memref<8x128xf32, #tpu.memory_space<vmem>>) dst(%dma_wait3A_186 : memref<8x128xf32, #tpu.memory_space<hbm>>)
        tpu.yield
      }) : () -> ()
      %parallel_loop3A_166 = arith.constant 0 : i32
      %parallel_loop3A_167 = arith.constant 64 : i32
      %parallel_loop3A_168 = arith.constant 1 : i32
      scf.for %parallel_loop3A_170 = %parallel_loop3A_166 to %parallel_loop3A_167 step %parallel_loop3A_168  : i32 {
        %parallel_loop3A_171 = arith.constant 3 : i32
        %parallel_loop3A_172 = arith.shrsi %parallel_loop3A_170, %parallel_loop3A_171 : i32
        %parallel_loop3A_173 = arith.constant 7 : i32
        %parallel_loop3A_174 = arith.andi %parallel_loop3A_170, %parallel_loop3A_173 : i32
        %parallel_loop3A_175 = arith.constant 4 : i32
        %parallel_loop3A_176 = arith.shli %parallel_loop3A_174, %parallel_loop3A_175 : i32
        %parallel_loop3A_177 = vector.broadcast %parallel_loop3A_176 : i32 to vector<16xi32>
        %parallel_loop3A_178 = arith.addi %parallel_loop3A_177, %iota3A_144 : vector<16xi32>
        %parallel_loop3A_179 = arith.constant 8 : i32
        %parallel_loop3A_180 = arith.addi %parallel_loop3A_179, %parallel_loop3A_172 : i32
        %parallel_loop3A_181 = vector.broadcast %parallel_loop3A_180 : i32 to vector<16xi32>
        %parallel_loop3A_182 = tpu.vector_load_idx %arg9[%parallel_loop3A_178, %parallel_loop3A_181] : memref<128x17xf32, #tpu.memory_space<vmem>>[vector<16xi32>, vector<16xi32>], vector<16xf32>,
        %parallel_loop3A_183 = arith.index_cast %parallel_loop3A_172 : i32 to index
        %parallel_loop3A_184 = arith.index_cast %parallel_loop3A_176 : i32 to index
        %parallel_loop3A_185 = tpu.vector_load %arg10[%parallel_loop3A_183, %parallel_loop3A_184] {strides = array<i32>} : memref<8x128xf32, #tpu.memory_space<vmem>>, vector<16xf32>,
        tpu.vector_store %arg10[%parallel_loop3A_183, %parallel_loop3A_184], %parallel_loop3A_182 {strides = array<i32>} : memref<8x128xf32, #tpu.memory_space<vmem>>, vector<16xf32>,
      } {sc.loop_unroll_factor = 8 : i64, sc.parallel_access}
      %run_scoped3A_169 = arith.constant 1 : i32
      "tpu.region"() ({
        %run_scoped3A_170 = tpu.sem_alloc : memref<!tpu.dma_semaphore, #tpu.memory_space<semaphore_mem>>
        %dma_start3A_171 = arith.constant 0 : i32
        %dma_start3A_172 = arith.constant 0 : i32
        %dma_start3A_173 = tpu.memref_slice %arg4[%arg0, %run_scoped3A_169, %add3A_160, %dma_start3A_171, %dma_start3A_172] : memref<2x2x79x8x128xf32, #tpu.memory_space<hbm>> -> memref<1x1x1x8x128xf32, #tpu.memory_space<hbm>>
        %dma_start3A_174 = tpu.memref_squeeze %dma_start3A_173 : memref<1x1x1x8x128xf32, #tpu.memory_space<hbm>> -> memref<8x128xf32, #tpu.memory_space<hbm>>
        %dma_start3A_175 = arith.constant 0 : i32
        %dma_start3A_176 = arith.constant 0 : i32
        %dma_start3A_177 = tpu.memref_slice %arg4[%arg0, %run_scoped3A_169, %add3A_160, %dma_start3A_175, %dma_start3A_176] : memref<2x2x79x8x128xf32, #tpu.memory_space<hbm>> -> memref<1x1x1x8x128xf32, #tpu.memory_space<hbm>>
        %dma_start3A_178 = tpu.memref_squeeze %dma_start3A_177 : memref<1x1x1x8x128xf32, #tpu.memory_space<hbm>> -> memref<8x128xf32, #tpu.memory_space<hbm>>
        tpu.enqueue_dma source(%arg10 : memref<8x128xf32, #tpu.memory_space<vmem>>) target(%dma_start3A_178 : memref<8x128xf32, #tpu.memory_space<hbm>>) target_semaphore(%run_scoped3A_170 : memref<!tpu.dma_semaphore, #tpu.memory_space<semaphore_mem>>)
        %dma_wait3A_179 = arith.constant 0 : i32
        %dma_wait3A_180 = arith.constant 0 : i32
        %dma_wait3A_181 = tpu.memref_slice %arg4[%arg0, %run_scoped3A_169, %add3A_160, %dma_wait3A_179, %dma_wait3A_180] : memref<2x2x79x8x128xf32, #tpu.memory_space<hbm>> -> memref<1x1x1x8x128xf32, #tpu.memory_space<hbm>>
        %dma_wait3A_182 = tpu.memref_squeeze %dma_wait3A_181 : memref<1x1x1x8x128xf32, #tpu.memory_space<hbm>> -> memref<8x128xf32, #tpu.memory_space<hbm>>
        %dma_wait3A_183 = arith.constant 0 : i32
        %dma_wait3A_184 = arith.constant 0 : i32
        %dma_wait3A_185 = tpu.memref_slice %arg4[%arg0, %run_scoped3A_169, %add3A_160, %dma_wait3A_183, %dma_wait3A_184] : memref<2x2x79x8x128xf32, #tpu.memory_space<hbm>> -> memref<1x1x1x8x128xf32, #tpu.memory_space<hbm>>
        %dma_wait3A_186 = tpu.memref_squeeze %dma_wait3A_185 : memref<1x1x1x8x128xf32, #tpu.memory_space<hbm>> -> memref<8x128xf32, #tpu.memory_space<hbm>>
        tpu.wait_dma2 semaphore(%run_scoped3A_170 : memref<!tpu.dma_semaphore, #tpu.memory_space<semaphore_mem>>) src(%arg10 : memref<8x128xf32, #tpu.memory_space<vmem>>) dst(%dma_wait3A_186 : memref<8x128xf32, #tpu.memory_space<hbm>>)
        tpu.yield
      }) : () -> ()
    }
    %while3A_156 = arith.constant 1 : i32
    scf.for %while3A_157 = %while3A_154 to %while3A_150 step %while3A_156  : i32 {
      %mul3A_158 = arith.constant 5 : i32
      %mul3A_159 = arith.muli %arg1, %mul3A_158 : i32
      %add3A_160 = arith.addi %mul3A_159, %while3A_157 : i32
      %mul3A_161 = arith.constant 128 : i32
      %mul3A_162 = arith.muli %add3A_160, %mul3A_161 : i32
      "tpu.region"() ({
        %run_scoped3A_170 = tpu.sem_alloc : memref<!tpu.dma_semaphore, #tpu.memory_space<semaphore_mem>>
        %dma_start3A_171 = arith.constant 0 : i32
        %dma_start3A_172 = arith.constant 0 : i32
        %dma_start3A_173 = tpu.memref_slice %arg9[%dma_start3A_171, %dma_start3A_172] : memref<128x17xf32, #tpu.memory_space<vmem>> -> memref<128x16xf32, #tpu.memory_space<vmem>>
        %dma_start3A_174 = arith.constant 0 : i32
        %dma_start3A_175 = tpu.memref_slice %arg11[%mul3A_162, %dma_start3A_174] : memref<10112x16xf32, #tpu.memory_space<vmem_shared>> -> memref<128x16xf32, #tpu.memory_space<vmem_shared>>
        %dma_start3A_176 = arith.constant 0 : i32
        %dma_start3A_177 = arith.constant 0 : i32
        %dma_start3A_178 = tpu.memref_slice %arg9[%dma_start3A_176, %dma_start3A_177] : memref<128x17xf32, #tpu.memory_space<vmem>> -> memref<128x16xf32, #tpu.memory_space<vmem>>
        %dma_start3A_179 = arith.constant 0 : i32
        %dma_start3A_180 = tpu.memref_slice %arg11[%mul3A_162, %dma_start3A_179] : memref<10112x16xf32, #tpu.memory_space<vmem_shared>> -> memref<128x16xf32, #tpu.memory_space<vmem_shared>>
        tpu.enqueue_dma source(%dma_start3A_180 : memref<128x16xf32, #tpu.memory_space<vmem_shared>>) target(%dma_start3A_178 : memref<128x16xf32, #tpu.memory_space<vmem>>) target_semaphore(%run_scoped3A_170 : memref<!tpu.dma_semaphore, #tpu.memory_space<semaphore_mem>>)
        %dma_wait3A_181 = arith.constant 0 : i32
        %dma_wait3A_182 = arith.constant 0 : i32
        %dma_wait3A_183 = tpu.memref_slice %arg9[%dma_wait3A_181, %dma_wait3A_182] : memref<128x17xf32, #tpu.memory_space<vmem>> -> memref<128x16xf32, #tpu.memory_space<vmem>>
        %dma_wait3A_184 = arith.constant 0 : i32
        %dma_wait3A_185 = tpu.memref_slice %arg11[%mul3A_162, %dma_wait3A_184] : memref<10112x16xf32, #tpu.memory_space<vmem_shared>> -> memref<128x16xf32, #tpu.memory_space<vmem_shared>>
        %dma_wait3A_186 = arith.constant 0 : i32
        %dma_wait3A_187 = arith.constant 0 : i32
        %dma_wait3A_188 = tpu.memref_slice %arg9[%dma_wait3A_186, %dma_wait3A_187] : memref<128x17xf32, #tpu.memory_space<vmem>> -> memref<128x16xf32, #tpu.memory_space<vmem>>
        %dma_wait3A_189 = arith.constant 0 : i32
        %dma_wait3A_190 = tpu.memref_slice %arg11[%mul3A_162, %dma_wait3A_189] : memref<10112x16xf32, #tpu.memory_space<vmem_shared>> -> memref<128x16xf32, #tpu.memory_space<vmem_shared>>
        tpu.wait_dma2 semaphore(%run_scoped3A_170 : memref<!tpu.dma_semaphore, #tpu.memory_space<semaphore_mem>>) src(%dma_wait3A_190 : memref<128x16xf32, #tpu.memory_space<vmem_shared>>) dst(%dma_wait3A_188 : memref<128x16xf32, #tpu.memory_space<vmem>>)
        tpu.yield
      }) : () -> ()
      %parallel_loop3A = arith.constant 0 : i32
      %parallel_loop3A_163 = arith.constant 64 : i32
      %parallel_loop3A_164 = arith.constant 1 : i32
      scf.for %parallel_loop3A_170 = %parallel_loop3A to %parallel_loop3A_163 step %parallel_loop3A_164  : i32 {
        %parallel_loop3A_171 = arith.constant 3 : i32
        %parallel_loop3A_172 = arith.shrsi %parallel_loop3A_170, %parallel_loop3A_171 : i32
        %parallel_loop3A_173 = arith.constant 7 : i32
        %parallel_loop3A_174 = arith.andi %parallel_loop3A_170, %parallel_loop3A_173 : i32
        %parallel_loop3A_175 = arith.constant 4 : i32
        %parallel_loop3A_176 = arith.shli %parallel_loop3A_174, %parallel_loop3A_175 : i32
        %parallel_loop3A_177 = vector.broadcast %parallel_loop3A_176 : i32 to vector<16xi32>
        %parallel_loop3A_178 = arith.addi %parallel_loop3A_177, %iota3A_144 : vector<16xi32>
        %parallel_loop3A_179 = arith.constant 0 : i32
        %parallel_loop3A_180 = arith.addi %parallel_loop3A_179, %parallel_loop3A_172 : i32
        %parallel_loop3A_181 = vector.broadcast %parallel_loop3A_180 : i32 to vector<16xi32>
        %parallel_loop3A_182 = tpu.vector_load_idx %arg9[%parallel_loop3A_178, %parallel_loop3A_181] : memref<128x17xf32, #tpu.memory_space<vmem>>[vector<16xi32>, vector<16xi32>], vector<16xf32>,
        %parallel_loop3A_183 = arith.index_cast %parallel_loop3A_172 : i32 to index
        %parallel_loop3A_184 = arith.index_cast %parallel_loop3A_176 : i32 to index
        %parallel_loop3A_185 = tpu.vector_load %arg10[%parallel_loop3A_183, %parallel_loop3A_184] {strides = array<i32>} : memref<8x128xf32, #tpu.memory_space<vmem>>, vector<16xf32>,
        tpu.vector_store %arg10[%parallel_loop3A_183, %parallel_loop3A_184], %parallel_loop3A_182 {strides = array<i32>} : memref<8x128xf32, #tpu.memory_space<vmem>>, vector<16xf32>,
      } {sc.loop_unroll_factor = 8 : i64, sc.parallel_access}
      %run_scoped3A_165 = arith.constant 0 : i32
      "tpu.region"() ({
        %run_scoped3A_170 = tpu.sem_alloc : memref<!tpu.dma_semaphore, #tpu.memory_space<semaphore_mem>>
        %dma_start3A_171 = arith.constant 0 : i32
        %dma_start3A_172 = arith.constant 0 : i32
        %dma_start3A_173 = tpu.memref_slice %arg4[%arg0, %run_scoped3A_165, %add3A_160, %dma_start3A_171, %dma_start3A_172] : memref<2x2x79x8x128xf32, #tpu.memory_space<hbm>> -> memref<1x1x1x8x128xf32, #tpu.memory_space<hbm>>
        %dma_start3A_174 = tpu.memref_squeeze %dma_start3A_173 : memref<1x1x1x8x128xf32, #tpu.memory_space<hbm>> -> memref<8x128xf32, #tpu.memory_space<hbm>>
        %dma_start3A_175 = arith.constant 0 : i32
        %dma_start3A_176 = arith.constant 0 : i32
        %dma_start3A_177 = tpu.memref_slice %arg4[%arg0, %run_scoped3A_165, %add3A_160, %dma_start3A_175, %dma_start3A_176] : memref<2x2x79x8x128xf32, #tpu.memory_space<hbm>> -> memref<1x1x1x8x128xf32, #tpu.memory_space<hbm>>
        %dma_start3A_178 = tpu.memref_squeeze %dma_start3A_177 : memref<1x1x1x8x128xf32, #tpu.memory_space<hbm>> -> memref<8x128xf32, #tpu.memory_space<hbm>>
        tpu.enqueue_dma source(%arg10 : memref<8x128xf32, #tpu.memory_space<vmem>>) target(%dma_start3A_178 : memref<8x128xf32, #tpu.memory_space<hbm>>) target_semaphore(%run_scoped3A_170 : memref<!tpu.dma_semaphore, #tpu.memory_space<semaphore_mem>>)
        %dma_wait3A_179 = arith.constant 0 : i32
        %dma_wait3A_180 = arith.constant 0 : i32
        %dma_wait3A_181 = tpu.memref_slice %arg4[%arg0, %run_scoped3A_165, %add3A_160, %dma_wait3A_179, %dma_wait3A_180] : memref<2x2x79x8x128xf32, #tpu.memory_space<hbm>> -> memref<1x1x1x8x128xf32, #tpu.memory_space<hbm>>
        %dma_wait3A_182 = tpu.memref_squeeze %dma_wait3A_181 : memref<1x1x1x8x128xf32, #tpu.memory_space<hbm>> -> memref<8x128xf32, #tpu.memory_space<hbm>>
        %dma_wait3A_183 = arith.constant 0 : i32
        %dma_wait3A_184 = arith.constant 0 : i32
        %dma_wait3A_185 = tpu.memref_slice %arg4[%arg0, %run_scoped3A_165, %add3A_160, %dma_wait3A_183, %dma_wait3A_184] : memref<2x2x79x8x128xf32, #tpu.memory_space<hbm>> -> memref<1x1x1x8x128xf32, #tpu.memory_space<hbm>>
        %dma_wait3A_186 = tpu.memref_squeeze %dma_wait3A_185 : memref<1x1x1x8x128xf32, #tpu.memory_space<hbm>> -> memref<8x128xf32, #tpu.memory_space<hbm>>
        tpu.wait_dma2 semaphore(%run_scoped3A_170 : memref<!tpu.dma_semaphore, #tpu.memory_space<semaphore_mem>>) src(%arg10 : memref<8x128xf32, #tpu.memory_space<vmem>>) dst(%dma_wait3A_186 : memref<8x128xf32, #tpu.memory_space<hbm>>)
        tpu.yield
      }) : () -> ()
      %parallel_loop3A_166 = arith.constant 0 : i32
      %parallel_loop3A_167 = arith.constant 64 : i32
      %parallel_loop3A_168 = arith.constant 1 : i32
      scf.for %parallel_loop3A_170 = %parallel_loop3A_166 to %parallel_loop3A_167 step %parallel_loop3A_168  : i32 {
        %parallel_loop3A_171 = arith.constant 3 : i32
        %parallel_loop3A_172 = arith.shrsi %parallel_loop3A_170, %parallel_loop3A_171 : i32
        %parallel_loop3A_173 = arith.constant 7 : i32
        %parallel_loop3A_174 = arith.andi %parallel_loop3A_170, %parallel_loop3A_173 : i32
        %parallel_loop3A_175 = arith.constant 4 : i32
        %parallel_loop3A_176 = arith.shli %parallel_loop3A_174, %parallel_loop3A_175 : i32
        %parallel_loop3A_177 = vector.broadcast %parallel_loop3A_176 : i32 to vector<16xi32>
        %parallel_loop3A_178 = arith.addi %parallel_loop3A_177, %iota3A_144 : vector<16xi32>
        %parallel_loop3A_179 = arith.constant 8 : i32
        %parallel_loop3A_180 = arith.addi %parallel_loop3A_179, %parallel_loop3A_172 : i32
        %parallel_loop3A_181 = vector.broadcast %parallel_loop3A_180 : i32 to vector<16xi32>
        %parallel_loop3A_182 = tpu.vector_load_idx %arg9[%parallel_loop3A_178, %parallel_loop3A_181] : memref<128x17xf32, #tpu.memory_space<vmem>>[vector<16xi32>, vector<16xi32>], vector<16xf32>,
        %parallel_loop3A_183 = arith.index_cast %parallel_loop3A_172 : i32 to index
        %parallel_loop3A_184 = arith.index_cast %parallel_loop3A_176 : i32 to index
        %parallel_loop3A_185 = tpu.vector_load %arg10[%parallel_loop3A_183, %parallel_loop3A_184] {strides = array<i32>} : memref<8x128xf32, #tpu.memory_space<vmem>>, vector<16xf32>,
        tpu.vector_store %arg10[%parallel_loop3A_183, %parallel_loop3A_184], %parallel_loop3A_182 {strides = array<i32>} : memref<8x128xf32, #tpu.memory_space<vmem>>, vector<16xf32>,
      } {sc.loop_unroll_factor = 8 : i64, sc.parallel_access}
      %run_scoped3A_169 = arith.constant 1 : i32
      "tpu.region"() ({
        %run_scoped3A_170 = tpu.sem_alloc : memref<!tpu.dma_semaphore, #tpu.memory_space<semaphore_mem>>
        %dma_start3A_171 = arith.constant 0 : i32
        %dma_start3A_172 = arith.constant 0 : i32
        %dma_start3A_173 = tpu.memref_slice %arg4[%arg0, %run_scoped3A_169, %add3A_160, %dma_start3A_171, %dma_start3A_172] : memref<2x2x79x8x128xf32, #tpu.memory_space<hbm>> -> memref<1x1x1x8x128xf32, #tpu.memory_space<hbm>>
        %dma_start3A_174 = tpu.memref_squeeze %dma_start3A_173 : memref<1x1x1x8x128xf32, #tpu.memory_space<hbm>> -> memref<8x128xf32, #tpu.memory_space<hbm>>
        %dma_start3A_175 = arith.constant 0 : i32
        %dma_start3A_176 = arith.constant 0 : i32
        %dma_start3A_177 = tpu.memref_slice %arg4[%arg0, %run_scoped3A_169, %add3A_160, %dma_start3A_175, %dma_start3A_176] : memref<2x2x79x8x128xf32, #tpu.memory_space<hbm>> -> memref<1x1x1x8x128xf32, #tpu.memory_space<hbm>>
        %dma_start3A_178 = tpu.memref_squeeze %dma_start3A_177 : memref<1x1x1x8x128xf32, #tpu.memory_space<hbm>> -> memref<8x128xf32, #tpu.memory_space<hbm>>
        tpu.enqueue_dma source(%arg10 : memref<8x128xf32, #tpu.memory_space<vmem>>) target(%dma_start3A_178 : memref<8x128xf32, #tpu.memory_space<hbm>>) target_semaphore(%run_scoped3A_170 : memref<!tpu.dma_semaphore, #tpu.memory_space<semaphore_mem>>)
        %dma_wait3A_179 = arith.constant 0 : i32
        %dma_wait3A_180 = arith.constant 0 : i32
        %dma_wait3A_181 = tpu.memref_slice %arg4[%arg0, %run_scoped3A_169, %add3A_160, %dma_wait3A_179, %dma_wait3A_180] : memref<2x2x79x8x128xf32, #tpu.memory_space<hbm>> -> memref<1x1x1x8x128xf32, #tpu.memory_space<hbm>>
        %dma_wait3A_182 = tpu.memref_squeeze %dma_wait3A_181 : memref<1x1x1x8x128xf32, #tpu.memory_space<hbm>> -> memref<8x128xf32, #tpu.memory_space<hbm>>
        %dma_wait3A_183 = arith.constant 0 : i32
        %dma_wait3A_184 = arith.constant 0 : i32
        %dma_wait3A_185 = tpu.memref_slice %arg4[%arg0, %run_scoped3A_169, %add3A_160, %dma_wait3A_183, %dma_wait3A_184] : memref<2x2x79x8x128xf32, #tpu.memory_space<hbm>> -> memref<1x1x1x8x128xf32, #tpu.memory_space<hbm>>
        %dma_wait3A_186 = tpu.memref_squeeze %dma_wait3A_185 : memref<1x1x1x8x128xf32, #tpu.memory_space<hbm>> -> memref<8x128xf32, #tpu.memory_space<hbm>>
        tpu.wait_dma2 semaphore(%run_scoped3A_170 : memref<!tpu.dma_semaphore, #tpu.memory_space<semaphore_mem>>) src(%arg10 : memref<8x128xf32, #tpu.memory_space<vmem>>) dst(%dma_wait3A_186 : memref<8x128xf32, #tpu.memory_space<hbm>>)
        tpu.yield
      }) : () -> ()
    }
    return
  }
}

module attributes {stable_mosaic.version = 14 : i64} {
  func.func @body(%arg0: i32, %arg1: memref<2048x128xf32, #tpu.memory_space<vmem>>, %arg2: memref<2x16x2048xf32, #tpu.memory_space<vmem>>, %arg3: memref<1x32xf32, #tpu.memory_space<vmem>>, %arg4: memref<176x128xf32, #tpu.memory_space<vmem>>, %arg5: memref<1x128xf32, #tpu.memory_space<vmem>>, %arg6: memref<128x128xf32, #tpu.memory_space<vmem>>, %arg7: memref<1x128xf32, #tpu.memory_space<vmem>>, %arg8: memref<1x128xf32, #tpu.memory_space<vmem>>, %arg9: memref<1x128xf32, #tpu.memory_space<vmem>>, %arg10: memref<2048x128xf32, #tpu.memory_space<vmem>>) attributes {dimension_semantics = [#tpu.dimension_semantics<arbitrary>], iteration_bounds = array<i64: 5>, scalar_prefetch = 0 : i64, scratch_operands = 0 : i64, tpu.core_type = #tpu.core_type<tc>, window_params = [{transform_indices = @transform_0, window_bounds = array<i64: 2048, 128>}, {transform_indices = @transform_1, window_bounds = array<i64: 2, 16, 2048>}, {pipeline_mode = #tpu.pipeline_mode<synchronous>, transform_indices = @transform_2, window_bounds = array<i64: 1, 32>}, {pipeline_mode = #tpu.pipeline_mode<synchronous>, transform_indices = @transform_3, window_bounds = array<i64: 176, 128>}, {pipeline_mode = #tpu.pipeline_mode<synchronous>, transform_indices = @transform_4, window_bounds = array<i64: 1, 128>}, {pipeline_mode = #tpu.pipeline_mode<synchronous>, transform_indices = @transform_5, window_bounds = array<i64: 128, 128>}, {pipeline_mode = #tpu.pipeline_mode<synchronous>, transform_indices = @transform_6, window_bounds = array<i64: 1, 128>}, {pipeline_mode = #tpu.pipeline_mode<synchronous>, transform_indices = @transform_7, window_bounds = array<i64: 1, 128>}, {pipeline_mode = #tpu.pipeline_mode<synchronous>, transform_indices = @transform_8, window_bounds = array<i64: 1, 128>}, {transform_indices = @transform_9, window_bounds = array<i64: 2048, 128>}]} {
    %get3A = arith.constant 0 : index
    %get3A_0 = arith.constant 0 : index
    %get3A_1 = arith.constant 0 : index
    %get3A_2 = vector.load %arg2[%get3A, %get3A_0, %get3A_1] : memref<2x16x2048xf32, #tpu.memory_space<vmem>>, vector<1x16x2048xf32>
    %get3A_3 = vector.shape_cast %get3A_2 : vector<1x16x2048xf32> to vector<16x2048xf32>
    %get3A_4 = arith.constant 1 : index
    %get3A_5 = arith.constant 0 : index
    %get3A_6 = arith.constant 0 : index
    %get3A_7 = vector.load %arg2[%get3A_4, %get3A_5, %get3A_6] : memref<2x16x2048xf32, #tpu.memory_space<vmem>>, vector<1x16x2048xf32>
    %get3A_8 = vector.shape_cast %get3A_7 : vector<1x16x2048xf32> to vector<16x2048xf32>
    %add3A = arith.addf %get3A_3, %get3A_8 : vector<16x2048xf32>
    %get3A_9 = arith.constant 0 : index
    %get3A_10 = arith.constant 0 : index
    %get3A_11 = vector.load %arg4[%get3A_9, %get3A_10] : memref<176x128xf32, #tpu.memory_space<vmem>>, vector<128x128xf32>
    %get3A_12 = arith.constant 128 : index
    %get3A_13 = arith.constant 0 : index
    %get3A_14 = vector.load %arg4[%get3A_12, %get3A_13] : memref<176x128xf32, #tpu.memory_space<vmem>>, vector<32x128xf32>
    %get3A_15 = arith.constant 160 : index
    %get3A_16 = arith.constant 0 : index
    %get3A_17 = vector.load %arg4[%get3A_15, %get3A_16] : memref<176x128xf32, #tpu.memory_space<vmem>>, vector<16x128xf32>
    %get3A_18 = arith.constant 0 : index
    %get3A_19 = arith.constant 0 : index
    %get3A_20 = vector.load %arg5[%get3A_18, %get3A_19] : memref<1x128xf32, #tpu.memory_space<vmem>>, vector<1x128xf32>
    %get3A_21 = arith.constant 0 : index
    %get3A_22 = arith.constant 0 : index
    %get3A_23 = vector.load %arg3[%get3A_21, %get3A_22] : memref<1x32xf32, #tpu.memory_space<vmem>>, vector<1x32xf32>
    %dot_general3A = arith.constant dense<0.000000e+00> : vector<1x128xf32>
    %dot_general3A_24 = tpu.matmul %get3A_23, %get3A_14, %dot_general3A {dimension_numbers = #tpu.dot_dimension_numbers<[1], [0], [0], [1], [0, 0, 1, 1], [], []>, transpose_lhs_hint = false} : vector<1x32xf32>, vector<32x128xf32>, vector<1x128xf32> -> vector<1x128xf32>
    %add3A_25 = arith.addf %get3A_20, %dot_general3A_24 : vector<1x128xf32>
    %dot_general3A_26 = arith.constant dense<0.000000e+00> : vector<2048x128xf32>
    %dot_general3A_27 = tpu.matmul %add3A, %get3A_17, %dot_general3A_26 {dimension_numbers = #tpu.dot_dimension_numbers<[0], [0], [1], [1], [0, 1, 1, 1], [], []>, transpose_lhs_hint = false} : vector<16x2048xf32>, vector<16x128xf32>, vector<2048x128xf32> -> vector<2048x128xf32>
    %get3A_28 = arith.constant 0 : index
    %get3A_29 = arith.constant 0 : index
    %get3A_30 = vector.load %arg1[%get3A_28, %get3A_29] : memref<2048x128xf32, #tpu.memory_space<vmem>>, vector<2048x128xf32>
    %dot_general3A_31 = arith.constant dense<0.000000e+00> : vector<2048x128xf32>
    %dot_general3A_32 = tpu.matmul %get3A_30, %get3A_11, %dot_general3A_31 {dimension_numbers = #tpu.dot_dimension_numbers<[1], [0], [0], [1], [0, 0, 1, 1], [], []>, transpose_lhs_hint = false} : vector<2048x128xf32>, vector<128x128xf32>, vector<2048x128xf32> -> vector<2048x128xf32>
    %add3A_33 = arith.addf %dot_general3A_32, %dot_general3A_27 : vector<2048x128xf32>
    %add3A_34 = vector.broadcast %add3A_25 : vector<1x128xf32> to vector<2048x128xf32>
    %add3A_35 = arith.addf %add3A_33, %add3A_34 : vector<2048x128xf32>
    %max3A = arith.constant 0.000000e+00 : f32
    %max3A_36 = vector.broadcast %max3A : f32 to vector<2048x128xf32>
    %max3A_37 = arith.maximumf %add3A_35, %max3A_36 : vector<2048x128xf32>
    %get3A_38 = arith.constant 0 : index
    %get3A_39 = arith.constant 0 : index
    %get3A_40 = vector.load %arg6[%get3A_38, %get3A_39] : memref<128x128xf32, #tpu.memory_space<vmem>>, vector<128x128xf32>
    %dot_general3A_41 = arith.constant dense<0.000000e+00> : vector<2048x128xf32>
    %dot_general3A_42 = tpu.matmul %max3A_37, %get3A_40, %dot_general3A_41 {dimension_numbers = #tpu.dot_dimension_numbers<[1], [0], [0], [1], [0, 0, 1, 1], [], []>, transpose_lhs_hint = false} : vector<2048x128xf32>, vector<128x128xf32>, vector<2048x128xf32> -> vector<2048x128xf32>
    %get3A_43 = arith.constant 0 : index
    %get3A_44 = arith.constant 0 : index
    %get3A_45 = vector.load %arg7[%get3A_43, %get3A_44] : memref<1x128xf32, #tpu.memory_space<vmem>>, vector<1x128xf32>
    %add3A_46 = vector.broadcast %get3A_45 : vector<1x128xf32> to vector<2048x128xf32>
    %add3A_47 = arith.addf %dot_general3A_42, %add3A_46 : vector<2048x128xf32>
    %max3A_48 = arith.constant 0.000000e+00 : f32
    %max3A_49 = vector.broadcast %max3A_48 : f32 to vector<2048x128xf32>
    %max3A_50 = arith.maximumf %add3A_47, %max3A_49 : vector<2048x128xf32>
    %reduce_sum3A = arith.constant dense<0.000000e+00> : vector<2048xf32>
    %reduce_sum3A_51 = vector.multi_reduction <add>, %max3A_50, %reduce_sum3A [1] : vector<2048x128xf32> to vector<2048xf32>
    %broadcast_in_dim3A = vector.shape_cast %reduce_sum3A_51 : vector<2048xf32> to vector<2048x1xf32>
    %div3A = arith.constant 1.280000e+02 : f32
    %div3A_52 = vector.broadcast %div3A : f32 to vector<2048x1xf32>
    %div3A_53 = arith.divf %broadcast_in_dim3A, %div3A_52 : vector<2048x1xf32>
    %sub3A = vector.broadcast %div3A_53 : vector<2048x1xf32> to vector<2048x128xf32>
    %sub3A_54 = arith.subf %max3A_50, %sub3A : vector<2048x128xf32>
    %mul3A = arith.mulf %sub3A_54, %sub3A_54 : vector<2048x128xf32>
    %reduce_sum3A_55 = arith.constant dense<0.000000e+00> : vector<2048xf32>
    %reduce_sum3A_56 = vector.multi_reduction <add>, %mul3A, %reduce_sum3A_55 [1] : vector<2048x128xf32> to vector<2048xf32>
    %broadcast_in_dim3A_57 = vector.shape_cast %reduce_sum3A_56 : vector<2048xf32> to vector<2048x1xf32>
    %div3A_58 = arith.constant 1.280000e+02 : f32
    %div3A_59 = vector.broadcast %div3A_58 : f32 to vector<2048x1xf32>
    %div3A_60 = arith.divf %broadcast_in_dim3A_57, %div3A_59 : vector<2048x1xf32>
    %get3A_61 = arith.constant 0 : index
    %get3A_62 = arith.constant 0 : index
    %get3A_63 = vector.load %arg8[%get3A_61, %get3A_62] : memref<1x128xf32, #tpu.memory_space<vmem>>, vector<1x128xf32>
    %mul3A_64 = vector.broadcast %get3A_63 : vector<1x128xf32> to vector<2048x128xf32>
    %mul3A_65 = arith.mulf %mul3A_64, %sub3A_54 : vector<2048x128xf32>
    %add3A_66 = arith.constant 1.000000e-03 : f32
    %add3A_67 = vector.broadcast %add3A_66 : f32 to vector<2048x1xf32>
    %add3A_68 = arith.addf %div3A_60, %add3A_67 : vector<2048x1xf32>
    %rsqrt3A = math.rsqrt %add3A_68 : vector<2048x1xf32>
    %mul3A_69 = vector.broadcast %rsqrt3A : vector<2048x1xf32> to vector<2048x128xf32>
    %mul3A_70 = arith.mulf %mul3A_65, %mul3A_69 : vector<2048x128xf32>
    %get3A_71 = arith.constant 0 : index
    %get3A_72 = arith.constant 0 : index
    %get3A_73 = vector.load %arg9[%get3A_71, %get3A_72] : memref<1x128xf32, #tpu.memory_space<vmem>>, vector<1x128xf32>
    %add3A_74 = vector.broadcast %get3A_73 : vector<1x128xf32> to vector<2048x128xf32>
    %add3A_75 = arith.addf %mul3A_70, %add3A_74 : vector<2048x128xf32>
    %swap3A = arith.constant 0 : index
    %swap3A_76 = arith.constant 0 : index
    %swap3A_77 = vector.load %arg10[%swap3A, %swap3A_76] : memref<2048x128xf32, #tpu.memory_space<vmem>>, vector<2048x128xf32>
    tpu.vector_store %arg10[%swap3A, %swap3A_76], %add3A_75 {strides = array<i32>} : memref<2048x128xf32, #tpu.memory_space<vmem>>, vector<2048x128xf32>,
    return
  }
  func.func @transform_0(%arg0: i32) -> (i32, i32) {
    %c0_i32 = arith.constant 0 : i32
    %c0_i32_0 = arith.constant 0 : i32
    return %arg0, %c0_i32 : i32, i32
  }
  func.func @transform_1(%arg0: i32) -> (i32, i32, i32) {
    %c0_i32 = arith.constant 0 : i32
    %c0_i32_0 = arith.constant 0 : i32
    %c0_i32_1 = arith.constant 0 : i32
    return %c0_i32, %c0_i32_0, %arg0 : i32, i32, i32
  }
  func.func @transform_2(%arg0: i32) -> (i32, i32) {
    %c0_i32 = arith.constant 0 : i32
    %c0_i32_0 = arith.constant 0 : i32
    %c0_i32_1 = arith.constant 0 : i32
    return %c0_i32, %c0_i32_0 : i32, i32
  }
  func.func @transform_3(%arg0: i32) -> (i32, i32) {
    %c0_i32 = arith.constant 0 : i32
    %c0_i32_0 = arith.constant 0 : i32
    %c0_i32_1 = arith.constant 0 : i32
    return %c0_i32, %c0_i32_0 : i32, i32
  }
  func.func @transform_4(%arg0: i32) -> (i32, i32) {
    %c0_i32 = arith.constant 0 : i32
    %c0_i32_0 = arith.constant 0 : i32
    %c0_i32_1 = arith.constant 0 : i32
    return %c0_i32, %c0_i32_0 : i32, i32
  }
  func.func @transform_5(%arg0: i32) -> (i32, i32) {
    %c0_i32 = arith.constant 0 : i32
    %c0_i32_0 = arith.constant 0 : i32
    %c0_i32_1 = arith.constant 0 : i32
    return %c0_i32, %c0_i32_0 : i32, i32
  }
  func.func @transform_6(%arg0: i32) -> (i32, i32) {
    %c0_i32 = arith.constant 0 : i32
    %c0_i32_0 = arith.constant 0 : i32
    %c0_i32_1 = arith.constant 0 : i32
    return %c0_i32, %c0_i32_0 : i32, i32
  }
  func.func @transform_7(%arg0: i32) -> (i32, i32) {
    %c0_i32 = arith.constant 0 : i32
    %c0_i32_0 = arith.constant 0 : i32
    %c0_i32_1 = arith.constant 0 : i32
    return %c0_i32, %c0_i32_0 : i32, i32
  }
  func.func @transform_8(%arg0: i32) -> (i32, i32) {
    %c0_i32 = arith.constant 0 : i32
    %c0_i32_0 = arith.constant 0 : i32
    %c0_i32_1 = arith.constant 0 : i32
    return %c0_i32, %c0_i32_0 : i32, i32
  }
  func.func @transform_9(%arg0: i32) -> (i32, i32) {
    %c0_i32 = arith.constant 0 : i32
    %c0_i32_0 = arith.constant 0 : i32
    return %arg0, %c0_i32 : i32, i32
  }
}

</mosaic_0001>

<sc_bundles>
// kernel: kernel.4.cloned.1.call-start
scs
__scs_entry_jumppad:
0x0: {  	(pc) =	sbr.rel $0x88, $3  }
0x1: {  	(tag) =	ssettag $0x0;
	lr =	simm.s32 $0x1  }
0x2: {  	[smem:$0x3F97] =	sst lr;
	_ =	strace $0xD0000000  }
0x3: {  	_ = 	snop  }
0x4: {  	_ = 	snop  }
0x5: {  	_ = 	snop  }
0x6: {  	_ = 	snop  }
0x7: {  	_ = 	snop  }
__scs_overlays_trampoline_lowered:
0x8: {  	[smem:$0x3FA6] =	sst s0  }
0x9: {  	[smem:$0x3FA7] =	sst s1  }
0xa: {  	[smem:$0x3FA8] =	sst s2  }
0xb: {  	[smem:$0x3FA9] =	sst s3  }
0xc: {  	[smem:$0x3FAA] =	sst s4  }
0xd: {  	[smem:$0x3FAB] =	sst s5  }
0xe: {  	[smem:$0x3FAC] =	sst s6  }
0xf: {  	[smem:$0x3FAD] =	sst s7  }
0x10: {  	[smem:$0x3FAE] =	sst s8  }
0x11: {  	[smem:$0x3FAF] =	sst s9;
	s0 =	simm.s32 @!p0 $0x0  }
0x12: {  	s1 =	sld [smem:$0x3F95];
	s0 =	simm.s32 @p0 $0x1  }
0x13: {  	[smem:$0x3FB0] =	sst s0;
	s0 =	simm.s32 @!p1 $0x0  }
0x14: {  	s2 =	sld [smem:$0x3F94];
	s0 =	simm.s32 @p1 $0x1  }
0x15: {  	[smem:$0x3FB1] =	sst s0;
	s0 =	simm.s32 @!p2 $0x0  }
0x16: {  	s3 =	sld [smem:$0x3FDB];
	s0 =	simm.s32 @p2 $0x1  }
0x17: {  	s4 =	simm.s32 $0x1BF5;
	[smem:$0x3FB3] =	sst s0  }
0x18: {  	s0 =	sld [smem:$0x3F96];
	_ =	swait.ge [sflag:s4], $0x0  }
0x19: {  	s7 =	sld [smem:$0x3F97]  }
0x1a: {  	s8 =	sadd.s32 $0xFFFFE003, lr  }
0x1b: {  	s9 =	sadd.s32 $0xFFFFFEF7, lr;
	s5 =	simm.s32 $0xFFFFFFFF;
	p2 =	slt.u32 s8, $0xFFFFF086  }
0x1c: {  	p1 =	slt.u32 s9, $0xF7A;
	s5 =	simm.s32 @!p2 $0x0  }
0x1d: {  	s5 =	simm.s32 @p1 $0x1;
	p0 =	seq.s32 s7, s2  }
0x1e: {  	s7 =	smul.u32 @!p0 $0xF7A, s2;
	p2 =	seq.s32 @!p0 s5, $0x0  }
0x1f: {  	s9 =	smul.u32 $0xF7A, s1;
	s8 =	simm.s32 @!p0 $0x1BF5;
	p2 =	por !p2, p0  }
0x20: {  	[sflag:s8] =	ssyncset.s32 @!p0 $0xFFFFF086;
	s6 =	sadd.s32 @!p0 s3, s7;
	s7 =	simm.s32 @!p0 $0x108  }
0x21: {  	s3 =	sadd.s32 s3, s9;
	s6 =	sadd.s32 @!p0 $0x88, s6;
	s7 =	simm.s32 @p2 $0x1082  }
0x22: {  	[simem:s7], [sflag:s8] =	dma.local @!p0 [hbm:s6], $0xF7A  }
0x23: {  	s9 =	sor.u32 $0xD0000000, s2;
	s6 =	simm.s32 $0x108;
	_ =	swait.ge @!p0 [sflag:s8], $0x0  }
0x24: {  	s3 =	sadd.s32 $0x88, s3;
	s6 =	simm.s32 @!p1 $0x1082;
	[sflag:s4] =	ssyncset.s32 $0xFFFFF086  }
0x25: {  	[simem:s6], [sflag:s4] =	dma.local [hbm:s3], $0xF7A  }
0x26: {  	[smem:$0x3F97] =	sst s1;
	(tag) =	ssettag s2;
	_ =	strace s9  }
0x27: {  	s1 =	sld [smem:$0x3FA7]  }
0x28: {  	s2 =	sld [smem:$0x3FA8]  }
0x29: {  	s4 =	sld [smem:$0x3FAA]  }
0x2a: {  	p0 =	seq.s32 s5, $0x0;
	s5 =	sld [smem:$0x3FAB]  }
0x2b: {  	s6 =	sld [smem:$0x3FAC]  }
0x2c: {  	s7 =	sld [smem:$0x3FAD]  }
0x2d: {  	s3 =	simm.s32 $0x108;
	s8 =	sld [smem:$0x3FAE]  }
0x2e: {  	s3 =	simm.s32 @!p0 $0x1082;
	s9 =	sld [smem:$0x3FAF]  }
0x2f: {  	lr =	sadd.s32 s0, s3;
	s0 =	sld [smem:$0x3FA6]  }
0x30: {  	s3 =	sld [smem:$0x3FA9]  }
0x31: {  	[smem:$0x3FB2] =	sst s10  }
0x32: {  	s10 =	sld [smem:$0x3FB0];
	_ =	sdelay $0x3  }
0x33: {  	p0 =	seq.s32 s10, $0x1;
	s10 =	sld [smem:$0x3FB2];
	_ =	sdelay $0x3  }
0x34: {  	[smem:$0x3FB2] =	sst s10  }
0x35: {  	s10 =	sld [smem:$0x3FB1];
	_ =	sdelay $0x3  }
0x36: {  	p1 =	seq.s32 s10, $0x1;
	s10 =	sld [smem:$0x3FB2];
	_ =	sdelay $0x3  }
0x37: {  	[smem:$0x3FB2] =	sst s10  }
0x38: {  	s10 =	sld [smem:$0x3FB3]  }
0x39: {  	_ = 	snop;
	(pc) =	sbr.ind lr, $3  }
0x3a: {  	_ = 	snop  }
0x3b: {  	_ = 	snop  }
0x3c: {  	p2 =	seq.s32 s10, $0x1;
	s10 =	sld [smem:$0x3FB2]  }
0x3d: {  	_ =	shalt  }
0x3e: {  	_ =	shalt  }
0x3f: {  	_ =	shalt  }
0x40: {  	_ =	shalt  }
0x41: {  	_ =	shalt  }
0x42: {  	_ =	shalt  }
0x43: {  	_ =	shalt  }
0x44: {  	_ =	shalt  }
0x45: {  	_ =	shalt  }
0x46: {  	_ =	shalt  }
0x47: {  	_ =	shalt  }
0x48: {  	_ =	shalt  }
0x49: {  	_ =	shalt  }
0x4a: {  	_ =	shalt  }
0x4b: {  	_ =	shalt  }
0x4c: {  	_ =	shalt  }
0x4d: {  	_ =	shalt  }
0x4e: {  	_ =	shalt  }
0x4f: {  	_ =	shalt  }
0x50: {  	_ =	shalt  }
0x51: {  	_ =	shalt  }
0x52: {  	_ =	shalt  }
0x53: {  	_ =	shalt  }
0x54: {  	_ =	shalt  }
0x55: {  	_ =	shalt  }
0x56: {  	_ =	shalt  }
0x57: {  	_ =	shalt  }
0x58: {  	_ =	shalt  }
0x59: {  	_ =	shalt  }
0x5a: {  	_ =	shalt  }
0x5b: {  	_ =	shalt  }
0x5c: {  	_ =	shalt  }
0x5d: {  	_ =	shalt  }
0x5e: {  	_ =	shalt  }
0x5f: {  	_ =	shalt  }
0x60: {  	_ =	shalt  }
0x61: {  	_ =	shalt  }
0x62: {  	_ =	shalt  }
0x63: {  	_ =	shalt  }
0x64: {  	_ =	shalt  }
0x65: {  	_ =	shalt  }
0x66: {  	_ =	shalt  }
0x67: {  	_ =	shalt  }
0x68: {  	_ =	shalt  }
0x69: {  	_ =	shalt  }
0x6a: {  	_ =	shalt  }
0x6b: {  	_ =	shalt  }
0x6c: {  	_ =	shalt  }
0x6d: {  	_ =	shalt  }
0x6e: {  	_ =	shalt  }
0x6f: {  	_ =	shalt  }
0x70: {  	_ =	shalt  }
0x71: {  	_ =	shalt  }
0x72: {  	_ =	shalt  }
0x73: {  	_ =	shalt  }
0x74: {  	_ =	shalt  }
0x75: {  	_ =	shalt  }
0x76: {  	_ =	shalt  }
0x77: {  	_ =	shalt  }
0x78: {  	_ =	shalt  }
0x79: {  	_ =	shalt  }
0x7a: {  	_ =	shalt  }
0x7b: {  	_ =	shalt  }
0x7c: {  	_ =	shalt  }
0x7d: {  	_ =	shalt  }
0x7e: {  	_ =	shalt  }
0x7f: {  	_ =	shalt  }
0x80: {  	_ =	shalt  }
0x81: {  	_ =	shalt  }
0x82: {  	_ =	shalt  }
0x83: {  	_ =	shalt  }
0x84: {  	_ =	shalt  }
0x85: {  	_ =	shalt  }
0x86: {  	_ =	shalt  }
0x87: {  	_ =	shalt  }
.Lfunc_end0:
.L_simem_size_0:
called_computation_lowered:
.L_overlay_start_0:
0x88: {  	s2 =	sld [smem:$0x3FD9]  }
0x89: {  	s3 =	sld [smem:$0x3FFE];
	_ =	sdelay $0x1  }
0x8a: {  	s1 =	srdreg.scid  }
0x8b: {  	s0 =	sand.u32 $0x1, s1  }
0x8c: {  	s18 =	sshll.u32 s0, $0xA;
	s2 =	sadd.s32 s3, s2  }
0x8d: {  	s2 =	sadd.s32 s2, s18  }
0x8e: {  	[smem:$0x3FBE] =	sst s2  }
0x8f: {  	_ = 	snop  }
0x90: {  	s2 =	sld [smem:$0x3FC7]  }
0x91: {  	s19 =	sld [smem:$0x3FC6]  }
0x92: {  	s4 =	sld [smem:$0x3FD0];
	(tm) =	ssettm $0x1  }
0x93: {  	s5 =	sld [smem:$0x3FFB];
	_ =	sdelay $0x3  }
0x94: {  	_ =	strace s5  }
0x95: {  	s5 =	sld [smem:$0x3FFC];
	_ =	sdelay $0x3  }
0x96: {  	_ =	strace s5  }
0x97: {  	s5 =	sld [smem:$0x3FFD];
	_ =	sdelay $0x3  }
0x98: {  	_ =	strace s5  }
0x99: {  	_ =	strace $0x8FFFFFFF  }
0x9a: {  	s20 =	sld [smem:$0x3FDB];
	_ =	sdelay $0x1  }
0x9b: {  	s6 =	simm.s32 $_scs_section_size  }
0x9c: {  	s7 =	simm.s32 $_size__tile_overlayer_lowered;
	s8 =	simm.s32 $_tile_overlayer_lowered  }
0x9d: {  	s23 =	simm.s32 $0x1BFF;
	s22 =	sshll.u32 s8, $0x1;
	s5 =	sadd.s32 s6, s20  }
0x9e: {  	s9 =	simm.s32 $0x0;
	s21 =	sshll.u32 s7, $0x1;
	s7 =	sadd.s32 s22, s5  }
0x9f: {  	[timem:s9], [sflag:s23] =	dma.local [hbm:s7], s21  }
0xa0: {  	_ =	swait.ge [sflag:s23], s21  }
0xa1: {  	s6 =	ssub.s32 $0x0, s21;
	[sflag:s23] =	ssyncset.done $0x0  }
0xa2: {  	[sflag:s23] =	ssyncadd.s32 s6;
	_ =	sdelay $0x1  }
0xa3: {  	s24 =	simm.s32 $0x1B8B  }
0xa4: {  	_ =	swait.ge [sflag:s24], $0x1  }
0xa5: {  	[sflag:s24] =	ssyncset.done $0x0  }
0xa6: {  	s25 =	simm.s32 $0x1B8E;
	[sflag:s24] =	ssyncadd.s32 $0xFFFFFFFF  }
0xa7: {  	s26 =	simm.s32 $execute0_lowered;
	[smem:$0x3FD2] =	sst s25  }
0xa8: {  	s6 =	sshll.u32 s26, $0x1;
	_ =	strace $0x80000046;
	[dreg:$0x1] =	wrdreg $0xFFFFFFFF  }
0xa9: {  	s28 =	simm.s32 $_size_execute0_lowered;
	s5 =	sadd.s32 s5, s6;
	[dreg:$0x0] =	wrdreg $0x0  }
0xaa: {  	s6 =	sshll.u32 s28, $0x1;
	[dreg:$0x2] =	wrdreg s5  }
0xab: {  	[dreg:$0x3] =	wrdreg s6  }
0xac: {  	[dreg:$0x4] =	wrdreg $0xC0  }
0xad: {  	_ =	task [dreg:s9], $0x5FFFF  }
0xae: {  	[dreg:$0x1] =	wrdreg $0xFFFFFFFF  }
0xaf: {  	[dreg:$0x0] =	wrdreg $0x60  }
0xb0: {  	[dreg:$0x2] =	wrdreg s2  }
0xb1: {  	[dreg:$0x3] =	wrdreg s19  }
0xb2: {  	[dreg:$0x4] =	wrdreg s4  }
0xb3: {  	[dreg:$0x5] =	wrdreg $0x1D7000  }
0xb4: {  	[dreg:$0x6] =	wrdreg $0x9  }
0xb5: {  	_ =	task.clear_ibuf [dreg:s9], $0x7FFFF;
	_ =	strace $0x90000046  }
0xb6: {  	s29 =	simm.s32 $0x9;
	_ =	strace $0x80000048  }
0xb7: {  	_ =	swait.ge [sflag:s29], $0x1  }
0xb8: {  	[sflag:s29] =	ssyncadd.s32 $0xFFFFFFFF  }
0xb9: {  	_ =	strace $0x90000048  }
0xba: {  	_ =	sfence  }
0xbb: {  	s30 =	sld [smem:$0x0];
	_ =	sdelay $0x2  }
0xbc: {  	s31 =	sshll.u32 s1, $0xD;
	s1 =	sshrl.u32 s1, $0x2  }
0xbd: {  	s3 =	sand.u32 $0x4000, s31;
	s1 =	sadd.s32 s1, s30  }
0xbe: {  	s0 =	sor.u32 s3, s0;
	s1 =	sshll.u32 s1, $0x11  }
0xbf: {  	s0 =	sor.u32 s1, s0  }
0xc0: {  	s0 =	sadd.s32 $0x8F2B, s0  }
0xc1: {  	[sflag:s0] =	ssyncadd.remote.s32 $0x1  }
0xc2: {  	_ =	sfence.sel $0xFFFF  }
0xc3: {  	[dreg:$0x0] =	wrdreg $0xFFFFFFFF;
	(pc) =	sbr.abs _section_cstart, $3  }
0xc4: {  	[dreg:$0x1] =	wrdreg $0xFFFFFFFF  }
0xc5: {  	_ =	task.clear_ibuf [dreg:s9], $0x2FFFF;
	_ =	strace $0x9FFFFFFF  }
0xc6: {  	(tm) =	ssettm $0x7FFFFFFF  }
0xc7: {  	_ =	shalt  }
tec
execute0_lowered:
.L_overlay_start_1:
0x0: {  	(tag) =	ssettag $0x1  }
0x1: {  	v0 =	vimm.s32 $0x3AF8  }
0x2: {  	vm14 =	vcmask $0x300;
	vm13 =	vcmask $0x704;
	vm12 =	vcmask $0xB08  }
0x3: {  	v1 =	vimm.s32 $0x3AF9;
	vm11 =	vcmask $0xF0C;
	vm10 =	vcmask $0x1310  }
0x4: {  	vm9 =	vcmask $0x1714;
	vm8 =	vcmask $0x1B18;
	vm7 =	vcmask $0x1F1C  }
0x5: {  	vm6 =	vcmask $0x2320;
	vm5 =	vcmask $0x2724;
	vm3 =	vcmask $0x2B28  }
0x6: {  	vm4 =	vcmask $0x2F2C;
	vm2 =	vcmask $0x3330;
	vm1 =	vcmask $0x3734  }
0x7: {  	vm0 =	vcmask $0x3B38;
	v5 =	vimm.s32 $0x3AFA;
	v6 =	vimm.s32 $0x3AFC  }
0x8: {  	v7 =	vimm.s32 $0x3AFD;
	v8 =	vimm.s32 $0x3AFE;
	v9 =	vimm.s32 $0x3AFF  }
0x9: {  	v0 =	vsel vm14, $0x0, v0;
	v1 =	vsel vm14, $0x1, v1;
	v6 =	vsel vm14, $0x4, v6  }
0xa: {  	v7 =	vsel vm14, $0x5, v7;
	v8 =	vsel vm14, $0x6, v8;
	v9 =	vsel vm14, $0x7, v9  }
0xb: {  	v0 =	vsel vm13, $0x88, v0;
	v1 =	vsel vm13, $0x89, v1;
	v6 =	vsel vm13, $0x8C, v6  }
0xc: {  	v7 =	vsel vm13, $0x8D, v7;
	v8 =	vsel vm13, $0x8E, v8;
	v9 =	vsel vm13, $0x8F, v9  }
0xd: {  	v0 =	vsel vm12, $0x110, v0;
	v1 =	vsel vm12, $0x111, v1;
	v6 =	vsel vm12, $0x114, v6  }
0xe: {  	v7 =	vsel vm12, $0x115, v7;
	v8 =	vsel vm12, $0x116, v8;
	v9 =	vsel vm12, $0x117, v9  }
0xf: {  	v0 =	vsel vm11, $0x198, v0;
	v1 =	vsel vm11, $0x199, v1;
	v6 =	vsel vm11, $0x19C, v6  }
0x10: {  	v7 =	vsel vm11, $0x19D, v7;
	v8 =	vsel vm11, $0x19E, v8;
	v9 =	vsel vm11, $0x19F, v9  }
0x11: {  	v0 =	vsel vm10, $0x220, v0;
	v1 =	vsel vm10, $0x221, v1;
	v6 =	vsel vm10, $0x224, v6  }
0x12: {  	v7 =	vsel vm10, $0x225, v7;
	v8 =	vsel vm10, $0x226, v8;
	v9 =	vsel vm10, $0x227, v9  }
0x13: {  	v0 =	vsel vm9, $0x2A8, v0;
	v1 =	vsel vm9, $0x2A9, v1;
	v6 =	vsel vm9, $0x2AC, v6  }
0x14: {  	v7 =	vsel vm9, $0x2AD, v7;
	v8 =	vsel vm9, $0x2AE, v8;
	v9 =	vsel vm9, $0x2AF, v9  }
0x15: {  	v0 =	vsel vm8, $0x330, v0;
	v1 =	vsel vm8, $0x331, v1;
	v6 =	vsel vm8, $0x334, v6  }
0x16: {  	v7 =	vsel vm8, $0x335, v7;
	v8 =	vsel vm8, $0x336, v8;
	v9 =	vsel vm8, $0x337, v9  }
0x17: {  	v0 =	vsel vm7, $0x3B8, v0;
	v1 =	vsel vm7, $0x3B9, v1;
	v6 =	vsel vm7, $0x3BC, v6  }
0x18: {  	v7 =	vsel vm7, $0x3BD, v7;
	v8 =	vsel vm7, $0x3BE, v8;
	v9 =	vsel vm7, $0x3BF, v9  }
0x19: {  	v0 =	vsel vm6, $0x3740, v0;
	v1 =	vsel vm6, $0x3741, v1;
	v6 =	vsel vm6, $0x3744, v6  }
0x1a: {  	v7 =	vsel vm6, $0x3745, v7;
	v8 =	vsel vm6, $0x3746, v8;
	v9 =	vsel vm6, $0x3747, v9  }
0x1b: {  	v0 =	vsel vm5, $0x37C8, v0;
	v1 =	vsel vm5, $0x37C9, v1;
	v6 =	vsel vm5, $0x37CC, v6  }
0x1c: {  	v7 =	vsel vm5, $0x37CD, v7;
	v8 =	vsel vm5, $0x37CE, v8;
	v9 =	vsel vm5, $0x37CF, v9  }
0x1d: {  	v0 =	vsel vm3, $0x3850, v0;
	v1 =	vsel vm3, $0x3851, v1;
	v6 =	vsel vm3, $0x3854, v6  }
0x1e: {  	v7 =	vsel vm3, $0x3855, v7;
	v8 =	vsel vm3, $0x3856, v8;
	v9 =	vsel vm3, $0x3857, v9  }
0x1f: {  	v0 =	vsel vm4, $0x38D8, v0;
	v3 =	vsel vm4, $0x38D9, v1;
	v6 =	vsel vm4, $0x38DC, v6  }
0x20: {  	s7 =	rddreg [dreg:$0x0];
	v7 =	vsel vm4, $0x38DD, v7;
	v0 =	vsel vm2, $0x3960, v0;
	v6 =	vsel vm2, $0x3964, v6  }
0x21: {  	s8 =	rddreg [dreg:$0x1];
	s0 =	srdreg.scid;
	v7 =	vsel vm2, $0x3965, v7;
	v2 =	vsel vm1, $0x39E8, v0;
	v0 =	vimm.f32 $0.0e+00  }
0x22: {  	s3 =	rddreg [dreg:$0x3];
	s9 =	stileid.u32;
	s6 =	simm.s32 $0x0;
	v6 =	vsel vm1, $0x39EC, v6;
	v10 =	vsel vm1, $0x39ED, v7;
	v7 =	vsel vm4, $0x38DE, v8  }
0x23: {  	s29 =	simm.s32 $0x1;
	s30 =	simm.s32 $0x1A00;
	s2 =	smul.u32 $0x4E, s9;
	v8 =	vsel vm4, $0x38DF, v9;
	v9 =	vlaneseq.u32;
	v1 =	vsel vm0, $0x3A70, v2  }
0x24: {  	s31 =	simm.s32 $0x80;
	s0 =	sand.u32 $0x1, s0;
	s4 =	smul.u32 $0x9E00, s9;
	v2 =	vsel vm2, $0x3961, v3;
	v3 =	vimm.s32 $0x0;
	v6 =	vsel vm0, $0x3A74, v6  }
0x25: {  	[smem:$0x7FF] =	sst s6;
	s28 =	smin.u32 s9, $0x2;
	s25 =	smul.u32 $0xA000, s9;
	v7 =	vsel vm2, $0x3966, v7;
	v8 =	vsel vm2, $0x3967, v8;
	v4 =	vsel vm1, $0x39E9, v2  }
0x26: {  	s16 =	sadd.s32 $0x4E200, s7;
	p0 =	seq.s32 s9, $0xF;
	s26 =	smul.u32 $0x5, s9;
	v2 =	vsel vm14, $0x3, v3;
	v11 =	vsel vm1, $0x39EE, v7;
	v12 =	vsel vm1, $0x39EF, v8  }
0x27: {  	s1 =	smul.u32 $0x4E2, s0;
	_ =	strace $0x80000047;
	s5 =	ssub.s32 $0x2, s0;
	v7 =	vmul.u32 $0x18, v9;
	v8 =	vsel vm0, $0x3A75, v10;
	v3 =	vsel vm0, $0x3A71, v4  }
0x28: {  	s0 =	smul.u32 $0x27800, s0;
	s10 =	sshrl.u32 s5, $0x1;
	s11 =	sshrl.u32 s4, $0x2;
	v4 =	vsel vm14, $0x2, v5;
	v5 =	vimm.s32 $0x3AFB;
	v9 =	vsel vm0, $0x3A76, v11  }
0x29: {  	[dreg:$0xd] =	wrdreg s26;
	s26 =	simm.s32 $0x5;
	s1 =	sadd.s32 s2, s1;
	v10 =	vsel vm0, $0x3A77, v12;
	v4 =	vsel vm13, $0x8A, v4;
	v5 =	vsel vm14, $0x3, v5  }
0x2a: {  	s2 =	sadd.s32 s11, s3;
	[dreg:$0xe] =	wrdreg s0;
	s13 =	sadd.s32 s28, s1;
	v11 =	vadd.s32 $0x180, v7;
	v12 =	vadd.s32 $0x300, v7;
	v5 =	vsel vm13, $0x8B, v5  }
0x2b: {  	s1 =	ssub.s32 s5, s10;
	[dreg:$0x5] =	wrdreg s2;
	s10 =	smov.u32 s16;
	v13 =	vadd.s32 $0x480, v7;
	v4 =	vsel vm12, $0x112, v4;
	v5 =	vsel vm12, $0x113, v5  }
0x2c: {  	s28 =	sshrl.u32 s25, $0x2;
	s5 =	simm.s32 $0x2;
	s12 =	sshll.u32 s13, $0x4;
	v14 =	vor.u32 $0x600, v7;
	v4 =	vsel vm11, $0x19A, v4;
	v5 =	vsel vm11, $0x19B, v5  }
0x2d: {  	s15 =	sshll.u32 s13, $0x7;
	s17 =	sadd.s32 $0xD, s13;
	[dreg:$0x7] =	wrdreg s13;
	v15 =	vadd.s32 $0x780, v7;
	v4 =	vsel vm10, $0x222, v4;
	v5 =	vsel vm10, $0x223, v5  }
0x2e: {  	s20 =	sadd.s32 $0x4E, s13;
	s1 =	smax.u32 s1, $0x1;
	s0 =	sadd.s32 s28, s3;
	v16 =	vadd.s32 $0x900, v7;
	v4 =	vsel vm9, $0x2AA, v4;
	v5 =	vsel vm9, $0x2AB, v5  }
0x2f: {  	s14 =	sadd.s32 s8, s12;
	s11 =	sadd.s32 s7, s15;
	s12 =	sadd.s32 s15, s16;
	v17 =	vadd.s32 $0xA80, v7;
	v4 =	vsel vm8, $0x332, v4;
	v5 =	vsel vm8, $0x333, v5  }
0x30: {  	s18 =	sshll.u32 s17, $0x4;
	s19 =	sshll.u32 s17, $0x7;
	[dreg:$0xf] =	wrdreg s1;
	v18 =	vadd.s32 $0x8, v7;
	v4 =	vsel vm7, $0x3BA, v4;
	v5 =	vsel vm7, $0x3BB, v5  }
0x31: {  	s21 =	sshll.u32 s20, $0x4;
	s4 =	sshll.u32 s20, $0x7;
	[dreg:$0x10] =	wrdreg s0;
	v19 =	vadd.s32 $0x188, v7;
	v4 =	vsel vm6, $0x3742, v4;
	v5 =	vsel vm6, $0x3743, v5  }
0x32: {  	s1 =	simm.s32 $0x0;
	[dreg:$0x6] =	wrdreg s14;
	s2 =	sadd.s32 s8, s18;
	v20 =	vadd.s32 $0x308, v7;
	v4 =	vsel vm5, $0x37CA, v4;
	v5 =	vsel vm5, $0x37CB, v5  }
0x33: {  	s14 =	sadd.s32 s7, s19;
	s22 =	sadd.s32 s8, s21;
	[dreg:$0x8] =	wrdreg s2;
	v21 =	vadd.s32 $0x488, v7;
	v4 =	vsel vm3, $0x3852, v4;
	v5 =	vsel vm3, $0x3853, v5  }
0x34: {  	s15 =	sadd.s32 s19, s16;
	s23 =	sadd.s32 s7, s4;
	[dreg:$0x9] =	wrdreg s22;
	v22 =	vadd.s32 $0x608, v7;
	v4 =	vsel vm4, $0x38DA, v4;
	v5 =	vsel vm4, $0x38DB, v5  }
0x35: {  	s24 =	sadd.s32 s4, s16;
	s4 =	simm.s32 $0x4;
	[dreg:$0xa] =	wrdreg s23;
	v23 =	vadd.s32 $0x788, v7;
	v4 =	vsel vm2, $0x3962, v4;
	v5 =	vsel vm2, $0x3963, v5  }
0x36: {  	s16 =	simm.s32 $0x1C700;
	[dreg:$0xb] =	wrdreg s24;
	s4 =	simm.s32 @!p0 $0x5;
	v24 =	vadd.s32 $0x908, v7;
	v4 =	vsel vm1, $0x39EA, v4;
	v5 =	vsel vm1, $0x39EB, v5  }
0x37: {  	p0 =	sgt.u32 s9, $0x1;
	[dreg:$0xc] =	wrdreg s4;
	s4 =	simm.s32 $0x8880;
	v25 =	vadd.s32 $0xA88, v7;
	v4 =	vsel vm0, $0x3A72, v4;
	v5 =	vsel vm0, $0x3A73, v5  }
.LBB2_1:
0x38: {  	[dreg:$0x11] =	wrdreg s1;
	s0 =	simm.s32 $0x40;
	s1 =	simm.s32 $0x0  }
.LBB2_2:
0x39: {  	p1 =	sne.s32 s0, $0x9DC0;
	[tilespmem:s1+$0xF700] =	vst v0;
	s1 =	smov.u32 s0;
	s0 =	sadd.s32 $0x40, s0  }
.Ltmp0:
0x3a: {  	(pc) =	sbr.rel @p1 .LBB2_2-.Ltmp0, $2  }
0x3b: {  	_ =	sdelay $0x2  }
0x3c: {  	s1 =	sshra.s32 s1, $0x2  }
0x3d: {  	[tilespmem:s1+$0xF700] =	vst v0;
	s0 =	rddreg [dreg:$0x5];
	s24 =	simm.s32 $0xF700  }
0x3e: {  	[spmem:s0] =	stream.linear.scatter [tilespmem:s24], [sflag:$0x5], $0x2780, $0x38;
	[tilespmem:$0x1FE80] =	vst v63  }
0x3f: {  	_ =	swait.ge [sflag:s26], $0x2780  }
0x40: {  	[sflag:s26] =	ssyncset.done $0x0  }
0x41: {  	s25 =	simm.s32 $0x0;
	[sflag:s26] =	ssyncadd.s32 $0xFFFFD880  }
0x42: {  	s1 =	simm.s32 $0x10;
	s8 =	sadd.s32 $0x0, s11;
	[bflag:$0x0] =	sbarrier.arrive $0xFFFF  }
0x43: {  	s2 =	simm.s32 $0x1A88;
	s0 =	simm.s32 $0x1A00;
	s28 =	rddreg [dreg:$0x6]  }
0x44: {  	[tilespmem:s25], [sflag:$0x1] =	stream.linear.gather [hbm4b:s28+s25], $0x680, $0x38;
	[tilespmem:$0x1FE80] =	vst v63  }
.LBB2_4:
0x45: {  	[tilespmem:s0], [sflag:$0x1] =	stream.linear.gather [hbm4b:s8+s6], $0x80, $0x38;
	[tilespmem:$0x1FE80] =	vst v63  }
0x46: {  	s8 =	smov.u32 s1;
	s0 =	smov.u32 s2;
	p1 =	sne.s32 s1, $0x670  }
.Ltmp1:
0x47: {  	s1 =	sadd.s32 $0x10, s1;
	(pc) =	sbr.rel @p1 .LBB2_4-.Ltmp1, $2  }
0x48: {  	_ =	sdelay $0x2  }
0x49: {  	s2 =	sadd.s32 $0x88, s2;
	s8 =	sadd.s32 s8, s11  }
0x4a: {  	[tilespmem:s0], [sflag:$0x1] =	stream.linear.gather [hbm4b:s8+s6], $0x80, $0x38;
	[tilespmem:$0x1FE80] =	vst v63  }
0x4b: {  	s0 =	simm.s32 $0x5140  }
0x4c: {  	s1 =	simm.s32 $0x10;
	s8 =	sadd.s32 $0x0, s12;
	s2 =	simm.s32 $0x51C8  }
.LBB2_6:
0x4d: {  	[tilespmem:s0], [sflag:$0x1] =	stream.linear.gather [hbm4b:s8+s6], $0x80, $0x38;
	[tilespmem:$0x1FE80] =	vst v63  }
0x4e: {  	s8 =	smov.u32 s1;
	s0 =	smov.u32 s2;
	p1 =	sne.s32 s1, $0x670  }
.Ltmp2:
0x4f: {  	s1 =	sadd.s32 $0x10, s1;
	(pc) =	sbr.rel @p1 .LBB2_6-.Ltmp2, $2  }
0x50: {  	_ =	sdelay $0x2  }
0x51: {  	s2 =	sadd.s32 $0x88, s2;
	s8 =	sadd.s32 s8, s12  }
0x52: {  	[tilespmem:s0], [sflag:$0x1] =	stream.linear.gather [hbm4b:s8+s6], $0x80, $0x38;
	[tilespmem:$0x1FE80] =	vst v63  }
0x53: {  	s28 =	simm.s32 $0x0  }
0x54: {  	s1 =	rddreg [dreg:$0x8];
	s2 =	simm.s32 $0x680;
	s0 =	simm.s32 $0x8880  }
0x55: {  	[tilespmem:s2], [sflag:$0x2] =	stream.linear.gather [hbm4b:s1+s28], $0x680, $0x38;
	[tilespmem:$0x1FE80] =	vst v63  }
0x56: {  	s8 =	sadd.s32 $0x0, s14;
	s1 =	simm.s32 $0x10;
	s2 =	simm.s32 $0x8908  }
.LBB2_8:
0x57: {  	[tilespmem:s0], [sflag:$0x2] =	stream.linear.gather [hbm4b:s8+s6], $0x80, $0x38;
	[tilespmem:$0x1FE80] =	vst v63  }
0x58: {  	s8 =	smov.u32 s1;
	s0 =	smov.u32 s2;
	p1 =	sne.s32 s1, $0x670  }
.Ltmp3:
0x59: {  	s1 =	sadd.s32 $0x10, s1;
	(pc) =	sbr.rel @p1 .LBB2_8-.Ltmp3, $2  }
0x5a: {  	_ =	sdelay $0x2  }
0x5b: {  	s2 =	sadd.s32 $0x88, s2;
	s8 =	sadd.s32 s8, s14  }
0x5c: {  	[tilespmem:s0], [sflag:$0x2] =	stream.linear.gather [hbm4b:s8+s6], $0x80, $0x38;
	[tilespmem:$0x1FE80] =	vst v63  }
0x5d: {  	s9 =	simm.s32 $0x0;
	s0 =	simm.s32 $0xBFC0  }
0x5e: {  	s1 =	simm.s32 $0x10;
	s8 =	sadd.s32 $0x0, s15;
	s2 =	simm.s32 $0xC048  }
.LBB2_10:
0x5f: {  	[tilespmem:s0], [sflag:$0x2] =	stream.linear.gather [hbm4b:s8+s9], $0x80, $0x38;
	[tilespmem:$0x1FE80] =	vst v63  }
0x60: {  	s8 =	smov.u32 s1;
	s0 =	smov.u32 s2;
	p1 =	sne.s32 s1, $0x670  }
.Ltmp4:
0x61: {  	s1 =	sadd.s32 $0x10, s1;
	(pc) =	sbr.rel @p1 .LBB2_10-.Ltmp4, $2  }
0x62: {  	_ =	sdelay $0x2  }
0x63: {  	s2 =	sadd.s32 $0x88, s2;
	s8 =	sadd.s32 s8, s15  }
0x64: {  	[tilespmem:s0], [sflag:$0x2] =	stream.linear.gather [hbm4b:s8+s9], $0x80, $0x38;
	[tilespmem:$0x1FE80] =	vst v63  }
.LBB2_12:
0x65: {  	_ =	swait.ge [sflag:s29], $0x680  }
0x66: {  	[sflag:s29] =	ssyncset.done $0x0  }
0x67: {  	[sflag:s29] =	ssyncadd.s32 $0xFFFFF980  }
0x68: {  	_ =	swait.ge [sflag:s29], $0x6800  }
0x69: {  	s13 =	sshll.u32 s9, $0x1;
	p1 =	seq.s32 s9, $0x0;
	[sflag:s29] =	ssyncset.done $0x0  }
0x6a: {  	s0 =	simm.s32 @!p1 $0x3;
	s1 =	sand.u32 $0x2, s13;
	[sflag:s29] =	ssyncadd.s32 $0xFFFF9800  }
0x6b: {  	s1 =	smul.u32 $0x1A00, s1;
	_ =	swait.ge @!p1 [sflag:s0], $0x6800  }
0x6c: {  	s24 =	simm.s32 $0x0;
	s17 =	simm.s32 $0xF800;
	[sflag:s0] =	ssyncset.done @!p1 $0x0  }
0x6d: {  	s28 =	simm.s32 $0x0;
	s23 =	sshrl.u32 s1, $0x2;
	[sflag:s0] =	ssyncadd.s32 @!p1 $0xFFFF9800  }
.LBB2_13:
0x6e: {  	s0 =	sshll.u32 s28, $0x3;
	v28 =	vmov s24;
	s25 =	simm.s32 $0x1;
	s1 =	simm.s32 $0x2  }
0x6f: {  	s2 =	simm.s32 $0x4;
	s8 =	simm.s32 $0x9;
	v26 =	vmov s0;
	v34 =	vmov s25;
	v35 =	vmov s1  }
0x70: {  	s7 =	simm.s32 $0x3;
	s18 =	simm.s32 $0xB;
	s19 =	simm.s32 $0xC;
	v29 =	vmov s2;
	v28 =	vshrl.u32 v28, $0x3;
	v31 =	vmov s8  }
0x71: {  	s20 =	simm.s32 $0xE;
	s22 =	simm.s32 $0xF;
	v36 =	vmov s7;
	v37 =	vmov s18;
	v38 =	vmov s19  }
0x72: {  	s1 =	simm.s32 $0x5;
	s2 =	simm.s32 $0x7;
	v39 =	vmov s20;
	v40 =	vmov s22;
	v27 =	vmul.u32 $0x88, v26  }
0x73: {  	s21 =	simm.s32 $0x8;
	s25 =	simm.s32 $0x12;
	s7 =	simm.s32 $0x13;
	v32 =	vmov s1;
	v33 =	vmov s2;
	v30 =	vshll.u32 v28, v2  }
0x74: {  	s8 =	simm.s32 $0x18;
	v28 =	vmov s21;
	v41 =	vmov s25;
	v42 =	vmov s7  }
0x75: {  	s18 =	simm.s32 $0x14;
	v43 =	vshrl.u32 v31, $0x3;
	v51 =	vmov s8;
	v29 =	vshrl.u32 v29, $0x3  }
0x76: {  	s19 =	simm.s32 $0xA;
	s20 =	simm.s32 $0x15;
	s22 =	simm.s32 $0x17;
	v40 =	vshrl.u32 v40, $0x3;
	v54 =	vmov s18;
	v38 =	vshrl.u32 v38, $0x3  }
0x77: {  	v46 =	vmov s20;
	v47 =	vmov s19;
	v48 =	vmov s22  }
0x78: {  	v37 =	vshrl.u32 v37, $0x3;
	v36 =	vshrl.u32 v36, $0x3;
	v39 =	vshrl.u32 v39, $0x3  }
0x79: {  	v34 =	vshrl.u32 v34, $0x3;
	v35 =	vshrl.u32 v35, $0x3;
	v31 =	vshrl.u32 v41, $0x3  }
0x7a: {  	s21 =	simm.s32 $0x16;
	v42 =	vshrl.u32 v42, $0x3;
	v53 =	vshrl.u32 v32, $0x3;
	v45 =	vshrl.u32 v54, $0x3  }
0x7b: {  	v55 =	vmov s21;
	v33 =	vshrl.u32 v33, $0x3;
	v37 =	vshll.u32 v37, v2  }
0x7c: {  	s25 =	simm.s32 $0x19;
	v43 =	vshll.u32 v43, v2;
	v36 =	vshll.u32 v36, v2;
	v40 =	vshll.u32 v40, v2  }
0x7d: {  	s1 =	simm.s32 $0x1A;
	v58 =	vmov s25;
	v46 =	vshrl.u32 v46, $0x3;
	v59 =	vshll.u32 v38, v2  }
0x7e: {  	s2 =	simm.s32 $0xD;
	s18 =	simm.s32 $0x1C;
	v61 =	vmov s1;
	v48 =	vshrl.u32 v48, $0x3;
	v39 =	vshll.u32 v39, v2  }
0x7f: {  	v47 =	vshrl.u32 v47, $0x3;
	v63 =	vmov s2;
	v54 =	vmov s18  }
0x80: {  	v34 =	vshll.u32 v34, v2;
	v35 =	vshll.u32 v35, v2;
	v30 =	vbroadcast v30, $0x0  }
0x81: {  	v29 =	vshll.u32 v29, v2;
	v26 =	vbroadcast v27, $0x0;
	v44 =	vshll.u32 v31, v2  }
0x82: {  	v31 =	vshrl.u32 v51, $0x3;
	v32 =	vshrl.u32 v55, $0x3;
	v56 =	vadd.s32 v27, v37  }
0x83: {  	v60 =	vshrl.u32 v58, $0x3;
	v51 =	vadd.s32 v27, v59;
	v46 =	vshll.u32 v46, v2  }
0x84: {  	v45 =	vshll.u32 v45, v2;
	v48 =	vshll.u32 v48, v2;
	v42 =	vshll.u32 v42, v2  }
0x85: {  	s19 =	simm.s32 $0x1D;
	v36 =	vadd.s32 v27, v36;
	v43 =	vadd.s32 v27, v43;
	v39 =	vadd.s32 v27, v39  }
0x86: {  	v47 =	vshll.u32 v47, v2;
	v55 =	vmov s19;
	v54 =	vshrl.u32 v54, $0x3  }
0x87: {  	v34 =	vadd.s32 v27, v34;
	v35 =	vadd.s32 v27, v35;
	v40 =	vadd.s32 v27, v40  }
0x88: {  	v29 =	vadd.s32 v27, v29;
	v52 =	vadd.s32 v27, v44;
	v49 =	vshll.u32 v32, v2  }
0x89: {  	v32 =	vshll.u32 v33, v2;
	v33 =	vbroadcast v56, $0x0;
	v44 =	vshll.u32 v53, v2  }
0x8a: {  	v38 =	vshll.u32 v60, v2;
	v46 =	vadd.s32 v27, v46;
	v48 =	vadd.s32 v27, v48  }
0x8b: {  	s8 =	simm.s32 $0x1B;
	s20 =	simm.s32 $0x1E;
	v45 =	vadd.s32 v27, v45;
	v42 =	vadd.s32 v27, v42;
	v39 =	vbroadcast v39, $0x0  }
0x8c: {  	v47 =	vadd.s32 v27, v47;
	v53 =	vmov s8;
	v56 =	vmov s20  }
0x8d: {  	v55 =	vshrl.u32 v55, $0x3;
	v60 =	vshll.u32 v54, v2;
	v34 =	vbroadcast v34, $0x0  }
0x8e: {  	v35 =	vbroadcast v35, $0x0;
	v43 =	vbroadcast v43, $0x0;
	v31 =	vshll.u32 v31, v2  }
0x8f: {  	v41 =	vbroadcast v52, $0x0;
	v57 =	vadd.s32 v27, v49;
	v49 =	vshrl.u32 v61, $0x3  }
0x90: {  	v38 =	vadd.s32 v27, v38;
	v37 =	vbroadcast v57, $0x0;
	v50 =	vadd.s32 v5, v33  }
0x91: {  	s7 =	simm.s32 $0x11;
	v45 =	vbroadcast v45, $0x0;
	v42 =	vbroadcast v42, $0x0;
	v39 =	vadd.s32 v9, v39  }
0x92: {  	v52 =	vmov s7;
	v47 =	vbroadcast v47, $0x0;
	v37 =	vadd.s32 v9, v37  }
0x93: {  	v56 =	vshrl.u32 v56, $0x3;
	v49 =	vshll.u32 v49, v2;
	v35 =	vadd.s32 v4, v35  }
0x94: {  	v55 =	vshll.u32 v55, v2;
	v43 =	vadd.s32 v3, v43;
	v62 =	vadd.s32 v27, v49  }
0x95: {  	s21 =	simm.s32 $0x1F;
	v33 =	vadd.s32 v27, v44;
	v41 =	vadd.s32 v4, v41;
	v44 =	vbroadcast v62, $0x0;
	v50 =	vld.idx.msk [tilespmem:v50+s30+$0x0], $0xffff  }
0x96: {  	v38 =	vbroadcast v38, $0x0;
	v57 =	vmov s21;
	v42 =	vadd.s32 v5, v42;
	v39 =	vld.idx.msk [tilespmem:v39+s30+$0x0], $0xffff  }
0x97: {  	v56 =	vshll.u32 v56, v2;
	v55 =	vadd.s32 v27, v55;
	v44 =	vadd.s32 v4, v44;
	v37 =	vld.idx.msk [tilespmem:v37+s30+$0x0], $0xffff  }
0x98: {  	v34 =	vadd.s32 v3, v34;
	v45 =	vadd.s32 v6, v45;
	v57 =	vshrl.u32 v57, $0x3;
	v35 =	vld.idx.msk [tilespmem:v35+s30+$0x0], $0xffff  }
0x99: {  	v56 =	vadd.s32 v27, v56;
	v49 =	vshrl.u32 v63, $0x3;
	v55 =	vbroadcast v55, $0x0;
	v43 =	vld.idx.msk [tilespmem:v43+s30+$0x0], $0xffff  }
0x9a: {  	v38 =	vadd.s32 v3, v38;
	v57 =	vshll.u32 v57, v2;
	v49 =	vshll.u32 v49, v2;
	v41 =	vld.idx.msk [tilespmem:v41+s30+$0x0], $0xffff  }
0x9b: {  	v56 =	vbroadcast v56, $0x0;
	v49 =	vadd.s32 v27, v49;
	v55 =	vadd.s32 v8, v55;
	v42 =	vld.idx.msk [tilespmem:v42+s30+$0x0], $0xffff  }
0x9c: {  	v47 =	vadd.s32 v4, v47;
	v57 =	vadd.s32 v27, v57;
	v49 =	vbroadcast v49, $0x0;
	[tilespmem:s17+$0x60] =	vst v37;
	v37 =	vld.idx.msk [tilespmem:v44+s30+$0x0], $0xffff  }
0x9d: {  	v63 =	vshrl.u32 v52, $0x3;
	v57 =	vbroadcast v57, $0x0;
	v61 =	vld.idx.msk [tilespmem:v45+s30+$0x0], $0xffff;
	[tilespmem:s17+$0xFFFFFFB0] =	vst v50;
	v44 =	vadd.s32 v9, v56  }
0x9e: {  	v40 =	vbroadcast v40, $0x0;
	v62 =	vadd.s32 v8, v49;
	v49 =	vshll.u32 v63, v2;
	v63 =	vld.idx.msk [tilespmem:v34+s30+$0x0], $0xffff;
	[tilespmem:s17+$0xFFFFFFE0] =	vst v39  }
0x9f: {  	v36 =	vbroadcast v36, $0x0;
	v38 =	vld.idx.msk [tilespmem:v38+s30+$0x0], $0xffff;
	v50 =	vadd.s32 v27, v60;
	[tilespmem:s17+$0xFFFFFF20] =	vst v35;
	v56 =	vadd.s32 v10, v57  }
0xa0: {  	v53 =	vshrl.u32 v53, $0x3;
	v49 =	vadd.s32 v27, v49;
	v60 =	vld.idx.msk [tilespmem:v55+s30+$0x0], $0xffff;
	[tilespmem:s17+$0xFFFFFF90] =	vst v43;
	v52 =	vbroadcast v50, $0x0  }
0xa1: {  	v58 =	vshll.u32 v53, v2;
	v40 =	vadd.s32 v10, v40;
	v57 =	vbroadcast v49, $0x0;
	[tilespmem:s17+$0xA0] =	vst v37;
	v37 =	vld.idx.msk [tilespmem:v47+s30+$0x0], $0xffff  }
0xa2: {  	v48 =	vbroadcast v48, $0x0;
	[tilespmem:s17+$0x20] =	vst v41;
	v49 =	vadd.s32 v27, v58;
	v54 =	vld.idx.msk [tilespmem:v44+s30+$0x0], $0xffff;
	v47 =	vadd.s32 v6, v52  }
0xa3: {  	v53 =	vbroadcast v51, $0x0;
	[tilespmem:s17+$0x40] =	vst v61;
	v61 =	vld.idx.msk [tilespmem:v62+s30+$0x0], $0xffff;
	v62 =	vbroadcast v49, $0x0;
	v44 =	vadd.s32 v3, v57  }
0xa4: {  	v26 =	vadd.s32 v1, v26;
	v46 =	vbroadcast v46, $0x0;
	v48 =	vadd.s32 v10, v48;
	[tilespmem:s17+$0x30] =	vst v42;
	v59 =	vld.idx.msk [tilespmem:v56+s30+$0x0], $0xffff  }
0xa5: {  	v32 =	vadd.s32 v27, v32;
	v45 =	vadd.s32 v6, v53;
	[tilespmem:s17+$0xFFFFFF10] =	vst v63;
	v52 =	vadd.s32 v5, v62  }
0xa6: {  	s25 =	simm.s32 $0x6;
	v55 =	vadd.s32 v8, v46;
	v63 =	vshrl.u32 v28, $0x3;
	v28 =	vld.idx.msk [tilespmem:v40+s30+$0x0], $0xffff;
	v40 =	vbroadcast v29, $0x0;
	[tilespmem:s17+$0x90] =	vst v38  }
0xa7: {  	s22 =	simm.s32 $0x10;
	v38 =	vadd.s32 v26, v30;
	v49 =	vbroadcast v32, $0x0;
	v57 =	vmov s25;
	[tilespmem:s17+$0xE0] =	vst v54;
	v54 =	vld.idx.msk [tilespmem:v47+s30+$0x0], $0xffff  }
0xa8: {  	v32 =	vbroadcast v33, $0x0;
	[tilespmem:s17+$0xD0] =	vst v60;
	v56 =	vmov s22;
	v46 =	vshrl.u32 v57, $0x3;
	v44 =	vld.idx.msk [tilespmem:v44+s30+$0x0], $0xffff  }
0xa9: {  	v35 =	vld.idx.msk [tilespmem:v48+s30+$0x0], $0xffff;
	v33 =	vadd.s32 v5, v36;
	v58 =	vshrl.u32 v56, $0x3;
	[tilespmem:s17+$0xF0] =	vst v59;
	v59 =	vshll.u32 v46, v2  }
0xaa: {  	[tilespmem:s17+$0xFFFFFFD0] =	vst v61;
	v61 =	vbroadcast v31, $0x0;
	v60 =	vshll.u32 v58, v2;
	v36 =	vld.idx.msk [tilespmem:v52+s30+$0x0], $0xffff;
	v30 =	vadd.s32 v27, v59  }
0xab: {  	v29 =	vld.idx.msk [tilespmem:v45+s30+$0x0], $0xffff;
	v62 =	vbroadcast v60, $0x0;
	[tilespmem:s17+$0xFFFFFFA0] =	vst v37;
	v30 =	vbroadcast v30, $0x0  }
0xac: {  	v41 =	vshll.u32 v63, v2;
	v31 =	vld.idx.msk [tilespmem:v55+s30+$0x0], $0xffff;
	v39 =	vadd.s32 v26, v61;
	[tilespmem:s17+$0xC0] =	vst v54  }
0xad: {  	s18 =	sadd.s32 $0x200, s17;
	s19 =	smov.u32 s17;
	s8 =	simm.s32 $0x20;
	v34 =	vadd.s32 v10, v49;
	v37 =	vadd.s32 v26, v62;
	v30 =	vadd.s32 v9, v30;
	[tilespmem:s17+$0x10] =	vst v44  }
.LBB2_14:
0xae: {  	s0 =	sadd.s32 $0x1, s8  }
0xaf: {  	v42 =	vmov s8;
	s2 =	sadd.s32 $0x2, s8;
	s21 =	sadd.s32 $0x3, s8;
	v43 =	vld.idx.msk [tilespmem:v33+s30+$0x0], $0xffff;
	v44 =	vadd.s32 v8, v32;
	v41 =	vbroadcast v41, $0x0;
	[tilespmem:s19+$0xB0] =	vst v36;
	s1 =	smov.u32 s8  }
0xb0: {  	s20 =	sadd.s32 $0x18, s8;
	v32 =	vmov s0;
	v33 =	vmov s2;
	s0 =	sadd.s32 $0x4, s8;
	s2 =	sadd.s32 $0x5, s8;
	v36 =	vld.idx.msk [tilespmem:v38+s30+$0x0], $0xffff;
	v38 =	vadd.s32 v6, v40;
	[tilespmem:s19+$0x70] =	vst v35  }
0xb1: {  	s22 =	sadd.s32 $0x9, s8;
	v35 =	vmov s0;
	v40 =	vmov s2;
	s0 =	sadd.s32 $0x7, s8;
	s2 =	sadd.s32 $0x10, s8;
	v41 =	vadd.s32 v26, v41;
	[tilespmem:s19+$0x50] =	vst v31;
	v39 =	vld.idx.msk [tilespmem:v39+s30+$0x0], $0xffff  }
0xb2: {  	s25 =	sadd.s32 $0x8, s8;
	s7 =	sadd.s32 $0xC, s8;
	v45 =	vmov s22;
	s22 =	sadd.s32 $0xB, s8;
	v31 =	vshrl.u32 v42, $0x3;
	v42 =	vmov s0;
	v37 =	vld.idx.msk [tilespmem:v37+s30+$0x0], $0xffff  }
0xb3: {  	v46 =	vmov s21;
	v48 =	vmov s7;
	s7 =	sadd.s32 $0xE, s8;
	s21 =	sadd.s32 $0xF, s8;
	v47 =	vmov s22;
	s0 =	sadd.s32 $0x6, s8;
	[tilespmem:s19+$0xFFFFFFF0] =	vst v28  }
0xb4: {  	v49 =	vmov s7;
	v50 =	vmov s21;
	s7 =	sadd.s32 $0x12, s1;
	s22 =	sadd.s32 $0x13, s1;
	s21 =	sadd.s32 $0x20, s8;
	v28 =	vshll.u32 v31, v2;
	v44 =	vld.idx.msk [tilespmem:v44+s30+$0x0], $0xffff;
	[tilespmem:s19+$0xFFFFFFC0] =	vst v29  }
0xb5: {  	p2 =	slt.u32 s8, $0x60;
	v51 =	vmov s22;
	v31 =	vmov s7;
	v29 =	vmov s25;
	v38 =	vld.idx.msk [tilespmem:v38+s30+$0x0], $0xffff  }
0xb6: {  	v52 =	vmov s20;
	v45 =	vshrl.u32 v45, $0x3;
	v31 =	vshrl.u32 v31, $0x3;
	[tilespmem:s19+$0xFFFFFF00] =	vst v36;
	v36 =	vld.idx.msk [tilespmem:v41+s30+$0x0], $0xffff  }
0xb7: {  	v51 =	vshrl.u32 v51, $0x3;
	v41 =	vshll.u32 v31, v2;
	v31 =	vshrl.u32 v52, $0x3;
	v52 =	vld.idx.msk [tilespmem:v30+s30+$0x0], $0xffff  }
0xb8: {  	s8 =	sadd.s32 $0x14, s1;
	s7 =	sadd.s32 $0xA, s1;
	v30 =	vshrl.u32 v35, $0x3;
	v35 =	vshrl.u32 v50, $0x3;
	v41 =	vadd.s32 v27, v41;
	v50 =	vld.idx.msk [tilespmem:v34+s30+$0x0], $0xffff;
	[tilespmem:s19+$0x80] =	vst v39  }
0xb9: {  	v39 =	vshrl.u32 v40, $0x3;
	v40 =	vbroadcast v41, $0x0;
	v34 =	vmov s8;
	s8 =	sadd.s32 $0x15, s1;
	[tilespmem:s19+$0xFFFFFF30] =	vst v43  }
0xba: {  	s20 =	sadd.s32 $0x17, s1;
	v41 =	vshrl.u32 v48, $0x3;
	v43 =	vshrl.u32 v34, $0x3;
	v48 =	vmov s8;
	s8 =	sadd.s32 $0x16, s1;
	[tilespmem:s19+$0xFFFFFF50] =	vst v44  }
0xbb: {  	v53 =	vmov s20;
	v44 =	vmov s7;
	v34 =	vmov s8;
	[tilespmem:s19+$0x0] =	vst v37  }
0xbc: {  	v37 =	vshrl.u32 v42, $0x3;
	v42 =	vshrl.u32 v47, $0x3;
	v34 =	vshrl.u32 v34, $0x3;
	[tilespmem:s19+$0xFFFFFF40] =	vst v38  }
0xbd: {  	v38 =	vshrl.u32 v46, $0x3;
	v42 =	vshll.u32 v42, v2;
	v46 =	vshll.u32 v34, v2;
	[tilespmem:s19+$0xFFFFFF80] =	vst v36  }
0xbe: {  	v34 =	vshll.u32 v37, v2;
	v36 =	vadd.s32 v27, v42;
	v37 =	vadd.s32 v27, v46;
	[tilespmem:s19+$0xFFFFFF60] =	vst v52  }
0xbf: {  	s7 =	sadd.s32 $0x19, s1;
	v42 =	vshll.u32 v45, v2;
	v36 =	vbroadcast v36, $0x0;
	v45 =	vbroadcast v37, $0x0;
	[tilespmem:s19+$0xFFFFFF70] =	vst v50;
	s19 =	smov.u32 s18  }
0xc0: {  	v38 =	vshll.u32 v38, v2;
	v37 =	vshll.u32 v35, v2;
	v35 =	vmov s7  }
0xc1: {  	v47 =	vshrl.u32 v48, $0x3;
	s7 =	sadd.s32 $0x1A, s1;
	v46 =	vadd.s32 v5, v36;
	v45 =	vadd.s32 v9, v45  }
0xc2: {  	v35 =	vshrl.u32 v35, $0x3;
	v36 =	vshll.u32 v41, v2;
	v41 =	vmov s7  }
0xc3: {  	v39 =	vshll.u32 v39, v2;
	v35 =	vshll.u32 v35, v2;
	v41 =	vshrl.u32 v41, $0x3  }
0xc4: {  	v36 =	vadd.s32 v27, v36;
	v48 =	vadd.s32 v27, v35;
	v41 =	vshll.u32 v41, v2  }
0xc5: {  	v35 =	vadd.s32 v27, v39;
	v39 =	vbroadcast v48, $0x0;
	v41 =	vadd.s32 v27, v41  }
0xc6: {  	v47 =	vshll.u32 v47, v2;
	v48 =	vshrl.u32 v53, $0x3;
	v41 =	vbroadcast v41, $0x0;
	v46 =	vld.idx.msk [tilespmem:v46+s30+$0x0], $0xffff  }
0xc7: {  	v43 =	vshll.u32 v43, v2;
	v48 =	vshll.u32 v48, v2;
	v50 =	vadd.s32 v3, v39;
	v45 =	vld.idx.msk [tilespmem:v45+s30+$0x0], $0xffff  }
0xc8: {  	v39 =	vadd.s32 v27, v47;
	v47 =	vadd.s32 v27, v48;
	v41 =	vadd.s32 v4, v41  }
0xc9: {  	v43 =	vadd.s32 v27, v43;
	v38 =	vadd.s32 v27, v38;
	v48 =	vshll.u32 v51, v2  }
0xca: {  	v43 =	vbroadcast v43, $0x0;
	v48 =	vadd.s32 v27, v48;
	v47 =	vbroadcast v47, $0x0  }
0xcb: {  	v49 =	vshrl.u32 v49, $0x3;
	v42 =	vadd.s32 v27, v42;
	v48 =	vbroadcast v48, $0x0  }
0xcc: {  	v49 =	vshll.u32 v49, v2;
	v40 =	vadd.s32 v4, v40;
	v43 =	vadd.s32 v6, v43;
	v50 =	vld.idx.msk [tilespmem:v50+s30+$0x0], $0xffff  }
0xcd: {  	v49 =	vadd.s32 v27, v49;
	v44 =	vshrl.u32 v44, $0x3;
	s7 =	sadd.s32 $0xD, s1;
	v48 =	vadd.s32 v5, v48;
	[tilespmem:s18+$0x60] =	vst v45;
	v41 =	vld.idx.msk [tilespmem:v41+s30+$0x0], $0xffff  }
0xce: {  	s8 =	sadd.s32 $0x1B, s1;
	v44 =	vshll.u32 v44, v2;
	v45 =	vmov s7;
	s7 =	sadd.s32 $0x11, s1;
	[tilespmem:s18+$0xFFFFFFB0] =	vst v46;
	v46 =	vbroadcast v49, $0x0  }
0xcf: {  	v44 =	vadd.s32 v27, v44;
	v51 =	vmov s8;
	v49 =	vmov s7;
	s7 =	sadd.s32 $0x1C, s1  }
0xd0: {  	v44 =	vbroadcast v44, $0x0;
	s8 =	sadd.s32 $0x1E, s1;
	v52 =	vmov s7;
	s7 =	sadd.s32 $0x1D, s1;
	s1 =	sadd.s32 $0x1F, s1;
	v46 =	vadd.s32 v9, v46  }
0xd1: {  	v54 =	vmov s8;
	v53 =	vmov s7;
	v55 =	vmov s1;
	v40 =	vld.idx.msk [tilespmem:v40+s30+$0x0], $0xffff  }
0xd2: {  	v32 =	vshrl.u32 v32, $0x3;
	v33 =	vshrl.u32 v33, $0x3;
	v44 =	vadd.s32 v4, v44;
	v48 =	vld.idx.msk [tilespmem:v48+s30+$0x0], $0xffff;
	[tilespmem:s18+$0x90] =	vst v50  }
0xd3: {  	v50 =	vshrl.u32 v54, $0x3;
	v43 =	vld.idx.msk [tilespmem:v43+s30+$0x0], $0xffff;
	[tilespmem:s18+$0xA0] =	vst v41;
	v41 =	vshrl.u32 v53, $0x3;
	v53 =	vshrl.u32 v55, $0x3  }
0xd4: {  	v50 =	vshll.u32 v50, v2;
	v41 =	vshll.u32 v41, v2;
	v53 =	vshll.u32 v53, v2  }
0xd5: {  	v50 =	vadd.s32 v27, v50;
	v46 =	vld.idx.msk [tilespmem:v46+s30+$0x0], $0xffff;
	v41 =	vadd.s32 v27, v41;
	v53 =	vadd.s32 v27, v53  }
0xd6: {  	v45 =	vshrl.u32 v45, $0x3;
	v50 =	vbroadcast v50, $0x0;
	v41 =	vbroadcast v41, $0x0  }
0xd7: {  	v45 =	vshll.u32 v45, v2;
	v44 =	vld.idx.msk [tilespmem:v44+s30+$0x0], $0xffff;
	[tilespmem:s18+$0x20] =	vst v40;
	v40 =	vshrl.u32 v52, $0x3;
	v52 =	vbroadcast v53, $0x0  }
0xd8: {  	v45 =	vadd.s32 v27, v45;
	[tilespmem:s18+$0x30] =	vst v48;
	v41 =	vadd.s32 v8, v41;
	v48 =	vadd.s32 v9, v50  }
0xd9: {  	v32 =	vshll.u32 v32, v2;
	v45 =	vbroadcast v45, $0x0;
	[tilespmem:s18+$0x40] =	vst v43;
	v43 =	vadd.s32 v10, v52  }
0xda: {  	v33 =	vshll.u32 v33, v2;
	v32 =	vadd.s32 v27, v32;
	v40 =	vshll.u32 v40, v2  }
0xdb: {  	v33 =	vadd.s32 v27, v33;
	v32 =	vbroadcast v32, $0x0;
	v45 =	vadd.s32 v8, v45;
	[tilespmem:s18+$0xFFFFFFE0] =	vst v46  }
0xdc: {  	v33 =	vbroadcast v33, $0x0;
	v40 =	vadd.s32 v27, v40;
	v46 =	vshrl.u32 v49, $0x3  }
0xdd: {  	v32 =	vadd.s32 v3, v32;
	v40 =	vbroadcast v40, $0x0;
	[tilespmem:s18+$0xFFFFFFA0] =	vst v44;
	v44 =	vshll.u32 v46, v2;
	v46 =	vld.idx.msk [tilespmem:v48+s30+$0x0], $0xffff  }
0xde: {  	v33 =	vadd.s32 v4, v33;
	v48 =	vshrl.u32 v51, $0x3;
	v44 =	vadd.s32 v27, v44;
	v43 =	vld.idx.msk [tilespmem:v43+s30+$0x0], $0xffff  }
0xdf: {  	v40 =	vadd.s32 v6, v40;
	v48 =	vshll.u32 v48, v2;
	v44 =	vbroadcast v44, $0x0;
	v41 =	vld.idx.msk [tilespmem:v41+s30+$0x0], $0xffff  }
0xe0: {  	v42 =	vbroadcast v42, $0x0;
	v37 =	vadd.s32 v27, v37;
	v48 =	vadd.s32 v27, v48;
	v45 =	vld.idx.msk [tilespmem:v45+s30+$0x0], $0xffff  }
0xe1: {  	v47 =	vadd.s32 v10, v47;
	v48 =	vbroadcast v48, $0x0;
	v44 =	vadd.s32 v3, v44  }
0xe2: {  	v42 =	vadd.s32 v3, v42;
	v49 =	vld.idx.msk [tilespmem:v32+s30+$0x0], $0xffff;
	v32 =	vadd.s32 v27, v34;
	v34 =	vbroadcast v37, $0x0  }
0xe3: {  	v39 =	vbroadcast v39, $0x0;
	v48 =	vadd.s32 v5, v48;
	v37 =	vld.idx.msk [tilespmem:v33+s30+$0x0], $0xffff;
	v33 =	vbroadcast v32, $0x0;
	[tilespmem:s18+$0xE0] =	vst v46  }
0xe4: {  	v38 =	vbroadcast v38, $0x0;
	v36 =	vbroadcast v36, $0x0;
	v46 =	vadd.s32 v10, v34;
	v40 =	vld.idx.msk [tilespmem:v40+s30+$0x0], $0xffff;
	[tilespmem:s18+$0xF0] =	vst v43  }
0xe5: {  	v39 =	vadd.s32 v8, v39;
	v32 =	vbroadcast v35, $0x0;
	v34 =	vadd.s32 v10, v33;
	[tilespmem:s18+$0xD0] =	vst v41  }
0xe6: {  	v35 =	vmov s2;
	v43 =	vadd.s32 v6, v36;
	v33 =	vadd.s32 v5, v38;
	[tilespmem:s18+$0xFFFFFFD0] =	vst v45;
	v41 =	vld.idx.msk [tilespmem:v44+s30+$0x0], $0xffff  }
0xe7: {  	v28 =	vbroadcast v28, $0x0;
	v36 =	vmov s0;
	v35 =	vshrl.u32 v35, $0x3;
	v42 =	vld.idx.msk [tilespmem:v42+s30+$0x0], $0xffff  }
0xe8: {  	v29 =	vshrl.u32 v29, $0x3;
	v31 =	vshll.u32 v31, v2;
	v38 =	vshrl.u32 v36, $0x3;
	[tilespmem:s18+$0xFFFFFF10] =	vst v49;
	v36 =	vld.idx.msk [tilespmem:v48+s30+$0x0], $0xffff  }
.Ltmp5:
0xe9: {  	v44 =	vshll.u32 v35, v2;
	v45 =	vbroadcast v31, $0x0;
	[tilespmem:s18+$0xFFFFFF20] =	vst v37;
	v37 =	vshll.u32 v38, v2;
	v35 =	vld.idx.msk [tilespmem:v47+s30+$0x0], $0xffff;
	(pc) =	sbr.rel @p2 .LBB2_14-.Ltmp5, $4  }
0xea: {  	v38 =	vadd.s32 v26, v28;
	v28 =	vadd.s32 v27, v37;
	v37 =	vbroadcast v44, $0x0;
	v31 =	vld.idx.msk [tilespmem:v39+s30+$0x0], $0xffff;
	[tilespmem:s18+$0xC0] =	vst v40  }
0xeb: {  	v30 =	vshll.u32 v30, v2;
	v39 =	vadd.s32 v26, v45;
	v44 =	vbroadcast v28, $0x0  }
0xec: {  	v30 =	vadd.s32 v27, v30;
	v28 =	vld.idx.msk [tilespmem:v46+s30+$0x0], $0xffff;
	v37 =	vadd.s32 v26, v37;
	[tilespmem:s18+$0x10] =	vst v41  }
0xed: {  	s8 =	smov.u32 s21;
	v40 =	vbroadcast v30, $0x0;
	v41 =	vshll.u32 v29, v2;
	s18 =	sadd.s32 $0x200, s18;
	v30 =	vadd.s32 v9, v44;
	[tilespmem:s19+$0xFFFFFF90] =	vst v42;
	v29 =	vld.idx.msk [tilespmem:v43+s30+$0x0], $0xffff  }
0xee: {  	_ =	sdelay $0x3  }
0xef: {  	[tilespmem:s19+$0xB0] =	vst v36;
	v58 =	vld.idx.msk [tilespmem:v38+s30+$0x0], $0xffff  }
0xf0: {  	v27 =	vadd.s32 v8, v32;
	v57 =	vbroadcast v41, $0x0;
	[tilespmem:s19+$0x70] =	vst v35;
	v60 =	vld.idx.msk [tilespmem:v39+s30+$0x0], $0xffff  }
0xf1: {  	v33 =	vld.idx.msk [tilespmem:v33+s30+$0x0], $0xffff;
	v59 =	vadd.s32 v6, v40;
	[tilespmem:s19+$0x50] =	vst v31  }
0xf2: {  	v61 =	vld.idx.msk [tilespmem:v37+s30+$0x0], $0xffff;
	v26 =	vadd.s32 v26, v57;
	[tilespmem:s19+$0xFFFFFFF0] =	vst v28  }
0xf3: {  	v30 =	vld.idx.msk [tilespmem:v30+s30+$0x0], $0xffff;
	[tilespmem:s19+$0xFFFFFFC0] =	vst v29  }
0xf4: {  	v63 =	vld.idx.msk [tilespmem:v34+s30+$0x0], $0xffff;
	[tilespmem:s19+$0xFFFFFF00] =	vst v58  }
0xf5: {  	v27 =	vld.idx.msk [tilespmem:v27+s30+$0x0], $0xffff;
	[tilespmem:s19+$0x80] =	vst v60  }
0xf6: {  	[tilespmem:s19+$0xFFFFFF30] =	vst v33;
	v62 =	vld.idx.msk [tilespmem:v59+s30+$0x0], $0xffff  }
0xf7: {  	s0 =	sshll.u32 s28, $0xB;
	s1 =	sshll.u32 s28, $0x7;
	s28 =	sadd.s32 $0x1, s28;
	[tilespmem:s19+$0x0] =	vst v61;
	v26 =	vld.idx.msk [tilespmem:v26+s30+$0x0], $0xffff  }
0xf8: {  	p2 =	sne.s32 s28, $0xD;
	[tilespmem:s19+$0xFFFFFF60] =	vst v30  }
.Ltmp6:
0xf9: {  	[tilespmem:s19+$0xFFFFFF70] =	vst v63;
	(pc) =	sbr.rel @p2 .LBB2_13-.Ltmp6, $4  }
0xfa: {  	[tilespmem:s19+$0xFFFFFF50] =	vst v27  }
0xfb: {  	s0 =	sand.u32 $0x3FFFF800, s0;
	s1 =	sand.u32 $0x3FFFFF80, s1;
	[tilespmem:s19+$0xFFFFFF40] =	vst v62  }
0xfc: {  	s17 =	sadd.s32 $0x800, s17;
	s0 =	sadd.s32 $0xF700, s0;
	s1 =	sadd.s32 s1, s23;
	[tilespmem:s19+$0xFFFFFF80] =	vst v26  }
0xfd: {  	[spmem:s3] =	stream.indirect.scatter.add.f32 [tilespmem:s0], [sflag:$0x3], $0x10, s1, s31, $0xb8;
	[tilespmem:$0x1FE80] =	vst v63  }
0xfe: {  	p2 =	seq.s32 s9, $0x2  }
.Ltmp7:
0xff: {  	_ = 	snop;
	(pc) =	sbr.rel @p2 .LBB2_22-.Ltmp7, $1  }
0x100: {  	_ =	sdelay $0x3  }
0x101: {  	s0 =	sadd.s32 $0x2, s13  }
0x102: {  	s1 =	smul.u32 $0xD, s0  }
0x103: {  	s2 =	rddreg [dreg:$0x7]  }
0x104: {  	s0 =	sand.u32 $0x2, s0;
	s1 =	sadd.s32 s2, s1  }
0x105: {  	s0 =	smul.u32 $0x1A00, s0;
	s2 =	sshll.u32 s1, $0x4  }
0x106: {  	s7 =	rddreg [dreg:$0x1];
	s2 =	sand.u32 $0x1FFFFFF0, s2  }
0x107: {  	s25 =	simm.s32 $0x0;
	s0 =	sshrl.u32 s0, $0x2;
	s2 =	sadd.s32 s7, s2  }
0x108: {  	[tilespmem:s0], [sflag:$0x1] =	stream.linear.gather [hbm4b:s2+s25], $0x680, $0x38;
	[tilespmem:$0x1FE80] =	vst v63  }
0x109: {  	s0 =	sshll.u32 s1, $0x7  }
0x10a: {  	s28 =	rddreg [dreg:$0x0];
	s1 =	sand.u32 $0x1FFFFF80, s0  }
0x10b: {  	s8 =	simm.s32 $0x10;
	s1 =	sadd.s32 s28, s1  }
0x10c: {  	s17 =	simm.s32 $0x1A88;
	s2 =	simm.s32 $0x1A00;
	s18 =	sadd.s32 $0x0, s1  }
.LBB2_18:
0x10d: {  	[tilespmem:s2], [sflag:$0x1] =	stream.linear.gather [hbm4b:s18+s6], $0x80, $0x38;
	[tilespmem:$0x1FE80] =	vst v63  }
0x10e: {  	s7 =	smov.u32 s8;
	s2 =	smov.u32 s17;
	p3 =	sne.s32 s8, $0x670  }
.Ltmp8:
0x10f: {  	s8 =	sadd.s32 $0x10, s8;
	(pc) =	sbr.rel @p3 .LBB2_18-.Ltmp8, $2  }
0x110: {  	_ =	sdelay $0x2  }
0x111: {  	s17 =	sadd.s32 $0x88, s17;
	s18 =	sadd.s32 s7, s1  }
0x112: {  	[tilespmem:s2], [sflag:$0x1] =	stream.linear.gather [hbm4b:s18+s6], $0x80, $0x38;
	[tilespmem:$0x1FE80] =	vst v63  }
0x113: {  	s0 =	sadd.s32 s0, s10;
	s1 =	simm.s32 $0x5140  }
0x114: {  	s2 =	simm.s32 $0x10;
	s8 =	simm.s32 $0x51C8;
	s17 =	sadd.s32 $0x0, s0  }
.LBB2_20:
0x115: {  	[tilespmem:s1], [sflag:$0x1] =	stream.linear.gather [hbm4b:s17+s6], $0x80, $0x38;
	[tilespmem:$0x1FE80] =	vst v63  }
0x116: {  	s7 =	smov.u32 s2;
	s1 =	smov.u32 s8;
	p3 =	sne.s32 s2, $0x670  }
.Ltmp9:
0x117: {  	s2 =	sadd.s32 $0x10, s2;
	(pc) =	sbr.rel @p3 .LBB2_20-.Ltmp9, $2  }
0x118: {  	_ =	sdelay $0x2  }
0x119: {  	s8 =	sadd.s32 $0x88, s8;
	s17 =	sadd.s32 s7, s0  }
0x11a: {  	[tilespmem:s1], [sflag:$0x1] =	stream.linear.gather [hbm4b:s17+s6], $0x80, $0x38;
	[tilespmem:$0x1FE80] =	vst v63  }
.LBB2_22:
0x11b: {  	_ =	swait.ge [sflag:s5], $0x680  }
0x11c: {  	[sflag:s5] =	ssyncset.done $0x0  }
0x11d: {  	[sflag:s5] =	ssyncadd.s32 $0xFFFFF980  }
0x11e: {  	_ =	swait.ge [sflag:s5], $0x6800  }
0x11f: {  	[sflag:s5] =	ssyncset.done $0x0  }
0x120: {  	s0 =	simm.s32 @!p1 $0x4;
	[sflag:s5] =	ssyncadd.s32 $0xFFFF9800  }
0x121: {  	_ =	swait.ge @!p1 [sflag:s0], $0x6800  }
0x122: {  	s23 =	sadd.s32 $0x680, s23;
	s24 =	simm.s32 $0x0;
	[sflag:s0] =	ssyncset.done @!p1 $0x0  }
0x123: {  	s19 =	simm.s32 $0x160F0;
	s28 =	simm.s32 $0x0;
	[sflag:s0] =	ssyncadd.s32 @!p1 $0xFFFF9800  }
.LBB2_23:
0x124: {  	s0 =	sshll.u32 s28, $0x3;
	v28 =	vmov s24;
	s25 =	simm.s32 $0x1;
	s1 =	simm.s32 $0x2  }
0x125: {  	s2 =	simm.s32 $0x4;
	s8 =	simm.s32 $0x9;
	v26 =	vmov s0;
	v34 =	vmov s25;
	v35 =	vmov s1  }
0x126: {  	s7 =	simm.s32 $0x3;
	s17 =	simm.s32 $0xB;
	s18 =	simm.s32 $0xC;
	v29 =	vmov s2;
	v28 =	vshrl.u32 v28, $0x3;
	v31 =	vmov s8  }
0x127: {  	s20 =	simm.s32 $0xE;
	s22 =	simm.s32 $0xF;
	v36 =	vmov s7;
	v37 =	vmov s17;
	v38 =	vmov s18  }
0x128: {  	s1 =	simm.s32 $0x5;
	s2 =	simm.s32 $0x7;
	v39 =	vmov s20;
	v40 =	vmov s22;
	v27 =	vmul.u32 $0x88, v26  }
0x129: {  	s21 =	simm.s32 $0x8;
	s25 =	simm.s32 $0x12;
	s7 =	simm.s32 $0x13;
	v32 =	vmov s1;
	v33 =	vmov s2;
	v30 =	vshll.u32 v28, v2  }
0x12a: {  	s8 =	simm.s32 $0x18;
	v28 =	vmov s21;
	v41 =	vmov s25;
	v42 =	vmov s7  }
0x12b: {  	s17 =	simm.s32 $0x14;
	v43 =	vshrl.u32 v31, $0x3;
	v51 =	vmov s8;
	v29 =	vshrl.u32 v29, $0x3  }
0x12c: {  	s18 =	simm.s32 $0xA;
	s20 =	simm.s32 $0x15;
	s22 =	simm.s32 $0x17;
	v40 =	vshrl.u32 v40, $0x3;
	v54 =	vmov s17;
	v38 =	vshrl.u32 v38, $0x3  }
0x12d: {  	v46 =	vmov s20;
	v47 =	vmov s18;
	v48 =	vmov s22  }
0x12e: {  	v37 =	vshrl.u32 v37, $0x3;
	v36 =	vshrl.u32 v36, $0x3;
	v39 =	vshrl.u32 v39, $0x3  }
0x12f: {  	v34 =	vshrl.u32 v34, $0x3;
	v35 =	vshrl.u32 v35, $0x3;
	v31 =	vshrl.u32 v41, $0x3  }
0x130: {  	s21 =	simm.s32 $0x16;
	v42 =	vshrl.u32 v42, $0x3;
	v53 =	vshrl.u32 v32, $0x3;
	v45 =	vshrl.u32 v54, $0x3  }
0x131: {  	v55 =	vmov s21;
	v33 =	vshrl.u32 v33, $0x3;
	v37 =	vshll.u32 v37, v2  }
0x132: {  	s25 =	simm.s32 $0x19;
	v43 =	vshll.u32 v43, v2;
	v36 =	vshll.u32 v36, v2;
	v40 =	vshll.u32 v40, v2  }
0x133: {  	s1 =	simm.s32 $0x1A;
	v58 =	vmov s25;
	v46 =	vshrl.u32 v46, $0x3;
	v59 =	vshll.u32 v38, v2  }
0x134: {  	s2 =	simm.s32 $0xD;
	s17 =	simm.s32 $0x1C;
	v61 =	vmov s1;
	v48 =	vshrl.u32 v48, $0x3;
	v39 =	vshll.u32 v39, v2  }
0x135: {  	v47 =	vshrl.u32 v47, $0x3;
	v63 =	vmov s2;
	v54 =	vmov s17  }
0x136: {  	v34 =	vshll.u32 v34, v2;
	v35 =	vshll.u32 v35, v2;
	v30 =	vbroadcast v30, $0x0  }
0x137: {  	v29 =	vshll.u32 v29, v2;
	v26 =	vbroadcast v27, $0x0;
	v44 =	vshll.u32 v31, v2  }
0x138: {  	v31 =	vshrl.u32 v51, $0x3;
	v32 =	vshrl.u32 v55, $0x3;
	v56 =	vadd.s32 v27, v37  }
0x139: {  	v60 =	vshrl.u32 v58, $0x3;
	v51 =	vadd.s32 v27, v59;
	v46 =	vshll.u32 v46, v2  }
0x13a: {  	v45 =	vshll.u32 v45, v2;
	v48 =	vshll.u32 v48, v2;
	v42 =	vshll.u32 v42, v2  }
0x13b: {  	s18 =	simm.s32 $0x1D;
	v36 =	vadd.s32 v27, v36;
	v43 =	vadd.s32 v27, v43;
	v39 =	vadd.s32 v27, v39  }
0x13c: {  	v47 =	vshll.u32 v47, v2;
	v55 =	vmov s18;
	v54 =	vshrl.u32 v54, $0x3  }
0x13d: {  	v34 =	vadd.s32 v27, v34;
	v35 =	vadd.s32 v27, v35;
	v40 =	vadd.s32 v27, v40  }
0x13e: {  	v29 =	vadd.s32 v27, v29;
	v52 =	vadd.s32 v27, v44;
	v49 =	vshll.u32 v32, v2  }
0x13f: {  	v32 =	vshll.u32 v33, v2;
	v33 =	vbroadcast v56, $0x0;
	v44 =	vshll.u32 v53, v2  }
0x140: {  	v38 =	vshll.u32 v60, v2;
	v46 =	vadd.s32 v27, v46;
	v48 =	vadd.s32 v27, v48  }
0x141: {  	s8 =	simm.s32 $0x1B;
	s20 =	simm.s32 $0x1E;
	v45 =	vadd.s32 v27, v45;
	v42 =	vadd.s32 v27, v42;
	v39 =	vbroadcast v39, $0x0  }
0x142: {  	v47 =	vadd.s32 v27, v47;
	v53 =	vmov s8;
	v56 =	vmov s20  }
0x143: {  	v55 =	vshrl.u32 v55, $0x3;
	v60 =	vshll.u32 v54, v2;
	v34 =	vbroadcast v34, $0x0  }
0x144: {  	v35 =	vbroadcast v35, $0x0;
	v43 =	vbroadcast v43, $0x0;
	v31 =	vshll.u32 v31, v2  }
0x145: {  	v41 =	vbroadcast v52, $0x0;
	v57 =	vadd.s32 v27, v49;
	v49 =	vshrl.u32 v61, $0x3  }
0x146: {  	v38 =	vadd.s32 v27, v38;
	v37 =	vbroadcast v57, $0x0;
	v50 =	vadd.s32 v5, v33  }
0x147: {  	s7 =	simm.s32 $0x11;
	v45 =	vbroadcast v45, $0x0;
	v42 =	vbroadcast v42, $0x0;
	v39 =	vadd.s32 v9, v39  }
0x148: {  	v52 =	vmov s7;
	v47 =	vbroadcast v47, $0x0;
	v37 =	vadd.s32 v9, v37  }
0x149: {  	v56 =	vshrl.u32 v56, $0x3;
	v49 =	vshll.u32 v49, v2;
	v35 =	vadd.s32 v4, v35  }
0x14a: {  	v55 =	vshll.u32 v55, v2;
	v43 =	vadd.s32 v3, v43;
	v62 =	vadd.s32 v27, v49  }
0x14b: {  	s21 =	simm.s32 $0x1F;
	v33 =	vadd.s32 v27, v44;
	v41 =	vadd.s32 v4, v41;
	v44 =	vbroadcast v62, $0x0;
	v50 =	vld.idx.msk [tilespmem:v50+s4+$0x0], $0xffff  }
0x14c: {  	v38 =	vbroadcast v38, $0x0;
	v57 =	vmov s21;
	v42 =	vadd.s32 v5, v42;
	v39 =	vld.idx.msk [tilespmem:v39+s4+$0x0], $0xffff  }
0x14d: {  	v56 =	vshll.u32 v56, v2;
	v55 =	vadd.s32 v27, v55;
	v44 =	vadd.s32 v4, v44;
	v37 =	vld.idx.msk [tilespmem:v37+s4+$0x0], $0xffff  }
0x14e: {  	v34 =	vadd.s32 v3, v34;
	v45 =	vadd.s32 v6, v45;
	v57 =	vshrl.u32 v57, $0x3;
	v35 =	vld.idx.msk [tilespmem:v35+s4+$0x0], $0xffff  }
0x14f: {  	v56 =	vadd.s32 v27, v56;
	v49 =	vshrl.u32 v63, $0x3;
	v55 =	vbroadcast v55, $0x0;
	v43 =	vld.idx.msk [tilespmem:v43+s4+$0x0], $0xffff  }
0x150: {  	v38 =	vadd.s32 v3, v38;
	v57 =	vshll.u32 v57, v2;
	v49 =	vshll.u32 v49, v2;
	v41 =	vld.idx.msk [tilespmem:v41+s4+$0x0], $0xffff  }
0x151: {  	v56 =	vbroadcast v56, $0x0;
	v49 =	vadd.s32 v27, v49;
	v55 =	vadd.s32 v8, v55;
	v42 =	vld.idx.msk [tilespmem:v42+s4+$0x0], $0xffff  }
0x152: {  	v47 =	vadd.s32 v4, v47;
	v57 =	vadd.s32 v27, v57;
	v49 =	vbroadcast v49, $0x0;
	[tilespmem:s19+$0xFFFFFF70] =	vst v37;
	v37 =	vld.idx.msk [tilespmem:v44+s4+$0x0], $0xffff  }
0x153: {  	v63 =	vshrl.u32 v52, $0x3;
	v57 =	vbroadcast v57, $0x0;
	v61 =	vld.idx.msk [tilespmem:v45+s4+$0x0], $0xffff;
	[tilespmem:s19+$0xFFFFFEC0] =	vst v50;
	v44 =	vadd.s32 v9, v56  }
0x154: {  	v40 =	vbroadcast v40, $0x0;
	v62 =	vadd.s32 v8, v49;
	v49 =	vshll.u32 v63, v2;
	v63 =	vld.idx.msk [tilespmem:v34+s4+$0x0], $0xffff;
	[tilespmem:s19+$0xFFFFFEF0] =	vst v39  }
0x155: {  	v36 =	vbroadcast v36, $0x0;
	v38 =	vld.idx.msk [tilespmem:v38+s4+$0x0], $0xffff;
	v50 =	vadd.s32 v27, v60;
	[tilespmem:s19+$0xFFFFFE30] =	vst v35;
	v56 =	vadd.s32 v10, v57  }
0x156: {  	v53 =	vshrl.u32 v53, $0x3;
	v49 =	vadd.s32 v27, v49;
	v60 =	vld.idx.msk [tilespmem:v55+s4+$0x0], $0xffff;
	[tilespmem:s19+$0xFFFFFEA0] =	vst v43;
	v52 =	vbroadcast v50, $0x0  }
0x157: {  	v58 =	vshll.u32 v53, v2;
	v40 =	vadd.s32 v10, v40;
	v57 =	vbroadcast v49, $0x0;
	[tilespmem:s19+$0xFFFFFFB0] =	vst v37;
	v37 =	vld.idx.msk [tilespmem:v47+s4+$0x0], $0xffff  }
0x158: {  	v48 =	vbroadcast v48, $0x0;
	[tilespmem:s19+$0xFFFFFF30] =	vst v41;
	v49 =	vadd.s32 v27, v58;
	v54 =	vld.idx.msk [tilespmem:v44+s4+$0x0], $0xffff;
	v47 =	vadd.s32 v6, v52  }
0x159: {  	v53 =	vbroadcast v51, $0x0;
	[tilespmem:s19+$0xFFFFFF50] =	vst v61;
	v61 =	vld.idx.msk [tilespmem:v62+s4+$0x0], $0xffff;
	v62 =	vbroadcast v49, $0x0;
	v44 =	vadd.s32 v3, v57  }
0x15a: {  	v26 =	vadd.s32 v1, v26;
	v46 =	vbroadcast v46, $0x0;
	v48 =	vadd.s32 v10, v48;
	[tilespmem:s19+$0xFFFFFF40] =	vst v42;
	v59 =	vld.idx.msk [tilespmem:v56+s4+$0x0], $0xffff  }
0x15b: {  	v32 =	vadd.s32 v27, v32;
	v45 =	vadd.s32 v6, v53;
	[tilespmem:s19+$0xFFFFFE20] =	vst v63;
	v52 =	vadd.s32 v5, v62  }
0x15c: {  	s25 =	simm.s32 $0x6;
	v55 =	vadd.s32 v8, v46;
	v63 =	vshrl.u32 v28, $0x3;
	v28 =	vld.idx.msk [tilespmem:v40+s4+$0x0], $0xffff;
	v40 =	vbroadcast v29, $0x0;
	[tilespmem:s19+$0xFFFFFFA0] =	vst v38  }
0x15d: {  	s22 =	simm.s32 $0x10;
	v38 =	vadd.s32 v26, v30;
	v49 =	vbroadcast v32, $0x0;
	v57 =	vmov s25;
	[tilespmem:s19+$0xFFFFFFF0] =	vst v54;
	v54 =	vld.idx.msk [tilespmem:v47+s4+$0x0], $0xffff  }
0x15e: {  	v32 =	vbroadcast v33, $0x0;
	[tilespmem:s19+$0xFFFFFFE0] =	vst v60;
	v56 =	vmov s22;
	v46 =	vshrl.u32 v57, $0x3;
	v44 =	vld.idx.msk [tilespmem:v44+s4+$0x0], $0xffff  }
0x15f: {  	v35 =	vld.idx.msk [tilespmem:v48+s4+$0x0], $0xffff;
	v33 =	vadd.s32 v5, v36;
	v58 =	vshrl.u32 v56, $0x3;
	[tilespmem:s19+$0x0] =	vst v59;
	v59 =	vshll.u32 v46, v2  }
0x160: {  	[tilespmem:s19+$0xFFFFFEE0] =	vst v61;
	v61 =	vbroadcast v31, $0x0;
	v60 =	vshll.u32 v58, v2;
	v36 =	vld.idx.msk [tilespmem:v52+s4+$0x0], $0xffff;
	v30 =	vadd.s32 v27, v59  }
0x161: {  	v29 =	vld.idx.msk [tilespmem:v45+s4+$0x0], $0xffff;
	v62 =	vbroadcast v60, $0x0;
	[tilespmem:s19+$0xFFFFFEB0] =	vst v37;
	v30 =	vbroadcast v30, $0x0  }
0x162: {  	v41 =	vshll.u32 v63, v2;
	v31 =	vld.idx.msk [tilespmem:v55+s4+$0x0], $0xffff;
	v39 =	vadd.s32 v26, v61;
	[tilespmem:s19+$0xFFFFFFD0] =	vst v54  }
0x163: {  	s17 =	smov.u32 s19;
	s18 =	sadd.s32 $0x200, s19;
	s21 =	simm.s32 $0x20;
	v34 =	vadd.s32 v10, v49;
	v37 =	vadd.s32 v26, v62;
	v30 =	vadd.s32 v9, v30;
	[tilespmem:s19+$0xFFFFFF20] =	vst v44  }
.LBB2_24:
0x164: {  	s0 =	sadd.s32 $0x1, s21  }
0x165: {  	v42 =	vmov s21;
	s2 =	sadd.s32 $0x2, s21;
	s7 =	sadd.s32 $0x3, s21;
	v43 =	vld.idx.msk [tilespmem:v33+s4+$0x0], $0xffff;
	v44 =	vadd.s32 v8, v32;
	v41 =	vbroadcast v41, $0x0;
	[tilespmem:s17+$0xFFFFFFC0] =	vst v36;
	s1 =	smov.u32 s21  }
0x166: {  	s20 =	sadd.s32 $0x18, s21;
	v32 =	vmov s0;
	v33 =	vmov s2;
	s0 =	sadd.s32 $0x4, s21;
	s2 =	sadd.s32 $0x5, s21;
	v36 =	vld.idx.msk [tilespmem:v38+s4+$0x0], $0xffff;
	v38 =	vadd.s32 v6, v40;
	[tilespmem:s17+$0xFFFFFF80] =	vst v35  }
0x167: {  	s8 =	sadd.s32 $0x9, s21;
	v35 =	vmov s0;
	v40 =	vmov s2;
	s0 =	sadd.s32 $0x7, s21;
	s2 =	sadd.s32 $0x10, s21;
	v41 =	vadd.s32 v26, v41;
	[tilespmem:s17+$0xFFFFFF60] =	vst v31;
	v39 =	vld.idx.msk [tilespmem:v39+s4+$0x0], $0xffff  }
0x168: {  	s22 =	sadd.s32 $0x8, s21;
	s25 =	sadd.s32 $0xC, s21;
	v45 =	vmov s8;
	s8 =	sadd.s32 $0xB, s21;
	v31 =	vshrl.u32 v42, $0x3;
	v42 =	vmov s0;
	v37 =	vld.idx.msk [tilespmem:v37+s4+$0x0], $0xffff  }
0x169: {  	v46 =	vmov s7;
	v48 =	vmov s25;
	s7 =	sadd.s32 $0xE, s21;
	v47 =	vmov s8;
	s8 =	sadd.s32 $0xF, s21;
	s0 =	sadd.s32 $0x6, s21;
	[tilespmem:s17+$0xFFFFFF00] =	vst v28  }
0x16a: {  	s25 =	sadd.s32 $0x13, s1;
	v49 =	vmov s7;
	s7 =	sadd.s32 $0x12, s1;
	v50 =	vmov s8;
	s8 =	sadd.s32 $0x20, s21;
	v28 =	vshll.u32 v31, v2;
	v44 =	vld.idx.msk [tilespmem:v44+s4+$0x0], $0xffff;
	[tilespmem:s17+$0xFFFFFED0] =	vst v29  }
0x16b: {  	p1 =	slt.u32 s21, $0x60;
	v51 =	vmov s25;
	v31 =	vmov s7;
	v29 =	vmov s22;
	v38 =	vld.idx.msk [tilespmem:v38+s4+$0x0], $0xffff  }
0x16c: {  	v52 =	vmov s20;
	v45 =	vshrl.u32 v45, $0x3;
	v31 =	vshrl.u32 v31, $0x3;
	[tilespmem:s17+$0xFFFFFE10] =	vst v36;
	v36 =	vld.idx.msk [tilespmem:v41+s4+$0x0], $0xffff  }
0x16d: {  	v51 =	vshrl.u32 v51, $0x3;
	v41 =	vshll.u32 v31, v2;
	v31 =	vshrl.u32 v52, $0x3;
	v52 =	vld.idx.msk [tilespmem:v30+s4+$0x0], $0xffff  }
0x16e: {  	s20 =	sadd.s32 $0x14, s1;
	s7 =	sadd.s32 $0xA, s1;
	v30 =	vshrl.u32 v35, $0x3;
	v35 =	vshrl.u32 v50, $0x3;
	v41 =	vadd.s32 v27, v41;
	v50 =	vld.idx.msk [tilespmem:v34+s4+$0x0], $0xffff;
	[tilespmem:s17+$0xFFFFFF90] =	vst v39  }
0x16f: {  	v39 =	vshrl.u32 v40, $0x3;
	v40 =	vbroadcast v41, $0x0;
	v34 =	vmov s20;
	s20 =	sadd.s32 $0x15, s1;
	[tilespmem:s17+$0xFFFFFE40] =	vst v43  }
0x170: {  	s21 =	sadd.s32 $0x17, s1;
	v41 =	vshrl.u32 v48, $0x3;
	v43 =	vshrl.u32 v34, $0x3;
	v48 =	vmov s20;
	s20 =	sadd.s32 $0x16, s1;
	[tilespmem:s17+$0xFFFFFE60] =	vst v44  }
0x171: {  	v53 =	vmov s21;
	v44 =	vmov s7;
	v34 =	vmov s20;
	[tilespmem:s17+$0xFFFFFF10] =	vst v37  }
0x172: {  	v37 =	vshrl.u32 v42, $0x3;
	v42 =	vshrl.u32 v47, $0x3;
	v34 =	vshrl.u32 v34, $0x3;
	[tilespmem:s17+$0xFFFFFE50] =	vst v38  }
0x173: {  	v38 =	vshrl.u32 v46, $0x3;
	v42 =	vshll.u32 v42, v2;
	v46 =	vshll.u32 v34, v2;
	[tilespmem:s17+$0xFFFFFE90] =	vst v36  }
0x174: {  	v34 =	vshll.u32 v37, v2;
	v36 =	vadd.s32 v27, v42;
	v37 =	vadd.s32 v27, v46;
	[tilespmem:s17+$0xFFFFFE70] =	vst v52  }
0x175: {  	s7 =	sadd.s32 $0x19, s1;
	v42 =	vshll.u32 v45, v2;
	v36 =	vbroadcast v36, $0x0;
	v45 =	vbroadcast v37, $0x0;
	[tilespmem:s17+$0xFFFFFE80] =	vst v50;
	s17 =	smov.u32 s18  }
0x176: {  	v38 =	vshll.u32 v38, v2;
	v37 =	vshll.u32 v35, v2;
	v35 =	vmov s7  }
0x177: {  	v47 =	vshrl.u32 v48, $0x3;
	s7 =	sadd.s32 $0x1A, s1;
	v46 =	vadd.s32 v5, v36;
	v45 =	vadd.s32 v9, v45  }
0x178: {  	v35 =	vshrl.u32 v35, $0x3;
	v36 =	vshll.u32 v41, v2;
	v41 =	vmov s7  }
0x179: {  	v39 =	vshll.u32 v39, v2;
	v35 =	vshll.u32 v35, v2;
	v41 =	vshrl.u32 v41, $0x3  }
0x17a: {  	v36 =	vadd.s32 v27, v36;
	v48 =	vadd.s32 v27, v35;
	v41 =	vshll.u32 v41, v2  }
0x17b: {  	v35 =	vadd.s32 v27, v39;
	v39 =	vbroadcast v48, $0x0;
	v41 =	vadd.s32 v27, v41  }
0x17c: {  	v47 =	vshll.u32 v47, v2;
	v48 =	vshrl.u32 v53, $0x3;
	v41 =	vbroadcast v41, $0x0;
	v46 =	vld.idx.msk [tilespmem:v46+s4+$0x0], $0xffff  }
0x17d: {  	v43 =	vshll.u32 v43, v2;
	v48 =	vshll.u32 v48, v2;
	v50 =	vadd.s32 v3, v39;
	v45 =	vld.idx.msk [tilespmem:v45+s4+$0x0], $0xffff  }
0x17e: {  	v39 =	vadd.s32 v27, v47;
	v47 =	vadd.s32 v27, v48;
	v41 =	vadd.s32 v4, v41  }
0x17f: {  	v43 =	vadd.s32 v27, v43;
	v38 =	vadd.s32 v27, v38;
	v48 =	vshll.u32 v51, v2  }
0x180: {  	v43 =	vbroadcast v43, $0x0;
	v48 =	vadd.s32 v27, v48;
	v47 =	vbroadcast v47, $0x0  }
0x181: {  	v49 =	vshrl.u32 v49, $0x3;
	v42 =	vadd.s32 v27, v42;
	v48 =	vbroadcast v48, $0x0  }
0x182: {  	v49 =	vshll.u32 v49, v2;
	v40 =	vadd.s32 v4, v40;
	v43 =	vadd.s32 v6, v43;
	v50 =	vld.idx.msk [tilespmem:v50+s4+$0x0], $0xffff  }
0x183: {  	v49 =	vadd.s32 v27, v49;
	v44 =	vshrl.u32 v44, $0x3;
	s7 =	sadd.s32 $0xD, s1;
	v48 =	vadd.s32 v5, v48;
	[tilespmem:s18+$0xFFFFFF70] =	vst v45;
	v41 =	vld.idx.msk [tilespmem:v41+s4+$0x0], $0xffff  }
0x184: {  	s20 =	sadd.s32 $0x1B, s1;
	v44 =	vshll.u32 v44, v2;
	v45 =	vmov s7;
	s7 =	sadd.s32 $0x11, s1;
	[tilespmem:s18+$0xFFFFFEC0] =	vst v46;
	v46 =	vbroadcast v49, $0x0  }
0x185: {  	v44 =	vadd.s32 v27, v44;
	v51 =	vmov s20;
	v49 =	vmov s7;
	s7 =	sadd.s32 $0x1C, s1  }
0x186: {  	v44 =	vbroadcast v44, $0x0;
	s20 =	sadd.s32 $0x1E, s1;
	v52 =	vmov s7;
	s7 =	sadd.s32 $0x1D, s1;
	s1 =	sadd.s32 $0x1F, s1;
	v46 =	vadd.s32 v9, v46  }
0x187: {  	v54 =	vmov s20;
	v53 =	vmov s7;
	v55 =	vmov s1;
	v40 =	vld.idx.msk [tilespmem:v40+s4+$0x0], $0xffff  }
0x188: {  	v32 =	vshrl.u32 v32, $0x3;
	v33 =	vshrl.u32 v33, $0x3;
	v44 =	vadd.s32 v4, v44;
	v48 =	vld.idx.msk [tilespmem:v48+s4+$0x0], $0xffff;
	[tilespmem:s18+$0xFFFFFFA0] =	vst v50  }
0x189: {  	v50 =	vshrl.u32 v54, $0x3;
	v43 =	vld.idx.msk [tilespmem:v43+s4+$0x0], $0xffff;
	[tilespmem:s18+$0xFFFFFFB0] =	vst v41;
	v41 =	vshrl.u32 v53, $0x3;
	v53 =	vshrl.u32 v55, $0x3  }
0x18a: {  	v50 =	vshll.u32 v50, v2;
	v41 =	vshll.u32 v41, v2;
	v53 =	vshll.u32 v53, v2  }
0x18b: {  	v50 =	vadd.s32 v27, v50;
	v46 =	vld.idx.msk [tilespmem:v46+s4+$0x0], $0xffff;
	v41 =	vadd.s32 v27, v41;
	v53 =	vadd.s32 v27, v53  }
0x18c: {  	v45 =	vshrl.u32 v45, $0x3;
	v50 =	vbroadcast v50, $0x0;
	v41 =	vbroadcast v41, $0x0  }
0x18d: {  	v45 =	vshll.u32 v45, v2;
	v44 =	vld.idx.msk [tilespmem:v44+s4+$0x0], $0xffff;
	[tilespmem:s18+$0xFFFFFF30] =	vst v40;
	v40 =	vshrl.u32 v52, $0x3;
	v52 =	vbroadcast v53, $0x0  }
0x18e: {  	v45 =	vadd.s32 v27, v45;
	[tilespmem:s18+$0xFFFFFF40] =	vst v48;
	v41 =	vadd.s32 v8, v41;
	v48 =	vadd.s32 v9, v50  }
0x18f: {  	v32 =	vshll.u32 v32, v2;
	v45 =	vbroadcast v45, $0x0;
	[tilespmem:s18+$0xFFFFFF50] =	vst v43;
	v43 =	vadd.s32 v10, v52  }
0x190: {  	v33 =	vshll.u32 v33, v2;
	v32 =	vadd.s32 v27, v32;
	v40 =	vshll.u32 v40, v2  }
0x191: {  	v33 =	vadd.s32 v27, v33;
	v32 =	vbroadcast v32, $0x0;
	v45 =	vadd.s32 v8, v45;
	[tilespmem:s18+$0xFFFFFEF0] =	vst v46  }
0x192: {  	v33 =	vbroadcast v33, $0x0;
	v40 =	vadd.s32 v27, v40;
	v46 =	vshrl.u32 v49, $0x3  }
0x193: {  	v32 =	vadd.s32 v3, v32;
	v40 =	vbroadcast v40, $0x0;
	[tilespmem:s18+$0xFFFFFEB0] =	vst v44;
	v44 =	vshll.u32 v46, v2;
	v46 =	vld.idx.msk [tilespmem:v48+s4+$0x0], $0xffff  }
0x194: {  	v33 =	vadd.s32 v4, v33;
	v48 =	vshrl.u32 v51, $0x3;
	v44 =	vadd.s32 v27, v44;
	v43 =	vld.idx.msk [tilespmem:v43+s4+$0x0], $0xffff  }
0x195: {  	v40 =	vadd.s32 v6, v40;
	v48 =	vshll.u32 v48, v2;
	v44 =	vbroadcast v44, $0x0;
	v41 =	vld.idx.msk [tilespmem:v41+s4+$0x0], $0xffff  }
0x196: {  	v42 =	vbroadcast v42, $0x0;
	v37 =	vadd.s32 v27, v37;
	v48 =	vadd.s32 v27, v48;
	v45 =	vld.idx.msk [tilespmem:v45+s4+$0x0], $0xffff  }
0x197: {  	v47 =	vadd.s32 v10, v47;
	v48 =	vbroadcast v48, $0x0;
	v44 =	vadd.s32 v3, v44  }
0x198: {  	v42 =	vadd.s32 v3, v42;
	v49 =	vld.idx.msk [tilespmem:v32+s4+$0x0], $0xffff;
	v32 =	vadd.s32 v27, v34;
	v34 =	vbroadcast v37, $0x0  }
0x199: {  	v39 =	vbroadcast v39, $0x0;
	v48 =	vadd.s32 v5, v48;
	v37 =	vld.idx.msk [tilespmem:v33+s4+$0x0], $0xffff;
	v33 =	vbroadcast v32, $0x0;
	[tilespmem:s18+$0xFFFFFFF0] =	vst v46  }
0x19a: {  	v38 =	vbroadcast v38, $0x0;
	v36 =	vbroadcast v36, $0x0;
	v46 =	vadd.s32 v10, v34;
	v40 =	vld.idx.msk [tilespmem:v40+s4+$0x0], $0xffff;
	[tilespmem:s18+$0x0] =	vst v43  }
0x19b: {  	v39 =	vadd.s32 v8, v39;
	v32 =	vbroadcast v35, $0x0;
	v34 =	vadd.s32 v10, v33;
	[tilespmem:s18+$0xFFFFFFE0] =	vst v41  }
0x19c: {  	v35 =	vmov s2;
	v43 =	vadd.s32 v6, v36;
	v33 =	vadd.s32 v5, v38;
	[tilespmem:s18+$0xFFFFFEE0] =	vst v45;
	v41 =	vld.idx.msk [tilespmem:v44+s4+$0x0], $0xffff  }
0x19d: {  	v28 =	vbroadcast v28, $0x0;
	v36 =	vmov s0;
	v35 =	vshrl.u32 v35, $0x3;
	v42 =	vld.idx.msk [tilespmem:v42+s4+$0x0], $0xffff  }
0x19e: {  	v29 =	vshrl.u32 v29, $0x3;
	v31 =	vshll.u32 v31, v2;
	v38 =	vshrl.u32 v36, $0x3;
	[tilespmem:s18+$0xFFFFFE20] =	vst v49;
	v36 =	vld.idx.msk [tilespmem:v48+s4+$0x0], $0xffff  }
.Ltmp10:
0x19f: {  	v44 =	vshll.u32 v35, v2;
	v45 =	vbroadcast v31, $0x0;
	[tilespmem:s18+$0xFFFFFE30] =	vst v37;
	v37 =	vshll.u32 v38, v2;
	v35 =	vld.idx.msk [tilespmem:v47+s4+$0x0], $0xffff;
	(pc) =	sbr.rel @p1 .LBB2_24-.Ltmp10, $4  }
0x1a0: {  	v38 =	vadd.s32 v26, v28;
	v28 =	vadd.s32 v27, v37;
	v37 =	vbroadcast v44, $0x0;
	v31 =	vld.idx.msk [tilespmem:v39+s4+$0x0], $0xffff;
	[tilespmem:s18+$0xFFFFFFD0] =	vst v40  }
0x1a1: {  	v30 =	vshll.u32 v30, v2;
	v39 =	vadd.s32 v26, v45;
	v44 =	vbroadcast v28, $0x0  }
0x1a2: {  	v30 =	vadd.s32 v27, v30;
	v28 =	vld.idx.msk [tilespmem:v46+s4+$0x0], $0xffff;
	v37 =	vadd.s32 v26, v37;
	[tilespmem:s18+$0xFFFFFF20] =	vst v41  }
0x1a3: {  	s21 =	smov.u32 s8;
	v40 =	vbroadcast v30, $0x0;
	v41 =	vshll.u32 v29, v2;
	s18 =	sadd.s32 $0x200, s18;
	v30 =	vadd.s32 v9, v44;
	[tilespmem:s17+$0xFFFFFEA0] =	vst v42;
	v29 =	vld.idx.msk [tilespmem:v43+s4+$0x0], $0xffff  }
0x1a4: {  	_ =	sdelay $0x3  }
0x1a5: {  	[tilespmem:s17+$0xFFFFFFC0] =	vst v36;
	v58 =	vld.idx.msk [tilespmem:v38+s4+$0x0], $0xffff  }
0x1a6: {  	v27 =	vadd.s32 v8, v32;
	v57 =	vbroadcast v41, $0x0;
	[tilespmem:s17+$0xFFFFFF80] =	vst v35;
	v60 =	vld.idx.msk [tilespmem:v39+s4+$0x0], $0xffff  }
0x1a7: {  	v33 =	vld.idx.msk [tilespmem:v33+s4+$0x0], $0xffff;
	v59 =	vadd.s32 v6, v40;
	[tilespmem:s17+$0xFFFFFF60] =	vst v31  }
0x1a8: {  	v61 =	vld.idx.msk [tilespmem:v37+s4+$0x0], $0xffff;
	v26 =	vadd.s32 v26, v57;
	[tilespmem:s17+$0xFFFFFF00] =	vst v28  }
0x1a9: {  	v30 =	vld.idx.msk [tilespmem:v30+s4+$0x0], $0xffff;
	[tilespmem:s17+$0xFFFFFED0] =	vst v29  }
0x1aa: {  	v63 =	vld.idx.msk [tilespmem:v34+s4+$0x0], $0xffff;
	[tilespmem:s17+$0xFFFFFE10] =	vst v58  }
0x1ab: {  	v27 =	vld.idx.msk [tilespmem:v27+s4+$0x0], $0xffff;
	[tilespmem:s17+$0xFFFFFF90] =	vst v60  }
0x1ac: {  	[tilespmem:s17+$0xFFFFFE40] =	vst v33;
	v62 =	vld.idx.msk [tilespmem:v59+s4+$0x0], $0xffff  }
0x1ad: {  	s0 =	sshll.u32 s28, $0xB;
	s1 =	sshll.u32 s28, $0x7;
	s28 =	sadd.s32 $0x1, s28;
	[tilespmem:s17+$0xFFFFFF10] =	vst v61;
	v26 =	vld.idx.msk [tilespmem:v26+s4+$0x0], $0xffff  }
0x1ae: {  	p1 =	sne.s32 s28, $0xD;
	[tilespmem:s17+$0xFFFFFE70] =	vst v30  }
.Ltmp11:
0x1af: {  	[tilespmem:s17+$0xFFFFFE80] =	vst v63;
	(pc) =	sbr.rel @p1 .LBB2_23-.Ltmp11, $4  }
0x1b0: {  	[tilespmem:s17+$0xFFFFFE60] =	vst v27  }
0x1b1: {  	s0 =	sand.u32 $0x3FFFF800, s0;
	s1 =	sand.u32 $0x3FFFFF80, s1;
	[tilespmem:s17+$0xFFFFFE50] =	vst v62  }
0x1b2: {  	s19 =	sadd.s32 $0x800, s19;
	s0 =	sadd.s32 $0x15F00, s0;
	s1 =	sadd.s32 s1, s23;
	[tilespmem:s17+$0xFFFFFE90] =	vst v26  }
0x1b3: {  	[spmem:s3] =	stream.indirect.scatter.add.f32 [tilespmem:s0], [sflag:$0x4], $0x10, s1, s31, $0xb8;
	[tilespmem:$0x1FE80] =	vst v63  }
.Ltmp12:
0x1b4: {  	(pc) =	sbr.rel @p2 .LBB2_32-.Ltmp12, $1  }
0x1b5: {  	_ =	sdelay $0x3  }
0x1b6: {  	s0 =	sadd.s32 $0x3, s13  }
0x1b7: {  	s1 =	smul.u32 $0xD, s0  }
0x1b8: {  	s2 =	rddreg [dreg:$0x7]  }
0x1b9: {  	s0 =	sand.u32 $0x3, s0;
	s1 =	sadd.s32 s2, s1  }
0x1ba: {  	s0 =	smul.u32 $0x1A00, s0;
	s2 =	sshll.u32 s1, $0x4  }
0x1bb: {  	s7 =	rddreg [dreg:$0x1];
	s2 =	sand.u32 $0x1FFFFFF0, s2  }
0x1bc: {  	s25 =	simm.s32 $0x0;
	s0 =	sshrl.u32 s0, $0x2;
	s2 =	sadd.s32 s7, s2  }
0x1bd: {  	[tilespmem:s0], [sflag:$0x2] =	stream.linear.gather [hbm4b:s2+s25], $0x680, $0x38;
	[tilespmem:$0x1FE80] =	vst v63  }
0x1be: {  	s0 =	sshll.u32 s1, $0x7  }
0x1bf: {  	s28 =	rddreg [dreg:$0x0];
	s1 =	sand.u32 $0x1FFFFF80, s0  }
0x1c0: {  	s8 =	simm.s32 $0x10;
	s1 =	sadd.s32 s28, s1  }
0x1c1: {  	s13 =	simm.s32 $0x8908;
	s2 =	simm.s32 $0x8880;
	s17 =	sadd.s32 $0x0, s1  }
.LBB2_28:
0x1c2: {  	[tilespmem:s2], [sflag:$0x2] =	stream.linear.gather [hbm4b:s17+s6], $0x80, $0x38;
	[tilespmem:$0x1FE80] =	vst v63  }
0x1c3: {  	s7 =	smov.u32 s8;
	s2 =	smov.u32 s13;
	p1 =	sne.s32 s8, $0x670  }
.Ltmp13:
0x1c4: {  	s8 =	sadd.s32 $0x10, s8;
	(pc) =	sbr.rel @p1 .LBB2_28-.Ltmp13, $2  }
0x1c5: {  	_ =	sdelay $0x2  }
0x1c6: {  	s13 =	sadd.s32 $0x88, s13;
	s17 =	sadd.s32 s7, s1  }
0x1c7: {  	[tilespmem:s2], [sflag:$0x2] =	stream.linear.gather [hbm4b:s17+s6], $0x80, $0x38;
	[tilespmem:$0x1FE80] =	vst v63  }
0x1c8: {  	s0 =	sadd.s32 s0, s10;
	s1 =	simm.s32 $0xBFC0  }
0x1c9: {  	s2 =	simm.s32 $0x10;
	s8 =	simm.s32 $0xC048;
	s13 =	sadd.s32 $0x0, s0  }
.LBB2_30:
0x1ca: {  	[tilespmem:s1], [sflag:$0x2] =	stream.linear.gather [hbm4b:s13+s6], $0x80, $0x38;
	[tilespmem:$0x1FE80] =	vst v63  }
0x1cb: {  	s7 =	smov.u32 s2;
	s1 =	smov.u32 s8;
	p1 =	sne.s32 s2, $0x670  }
.Ltmp14:
0x1cc: {  	s2 =	sadd.s32 $0x10, s2;
	(pc) =	sbr.rel @p1 .LBB2_30-.Ltmp14, $2  }
0x1cd: {  	_ =	sdelay $0x2  }
0x1ce: {  	s8 =	sadd.s32 $0x88, s8;
	s13 =	sadd.s32 s7, s0  }
.Ltmp15:
0x1cf: {  	(pc) =	sbr.rel .LBB2_12-.Ltmp15, $3  }
0x1d0: {  	_ =	sdelay $0x1  }
0x1d1: {  	[tilespmem:s1], [sflag:$0x2] =	stream.linear.gather [hbm4b:s13+s6], $0x80, $0x38;
	[tilespmem:$0x1FE80] =	vst v63  }
0x1d2: {  	s9 =	sadd.s32 $0x1, s9  }
.LBB2_32:
0x1d3: {  	s0 =	simm.s32 $0x3  }
0x1d4: {  	_ =	swait.ge [sflag:s0], $0x6800  }
.Ltmp16:
0x1d5: {  	[sflag:s0] =	ssyncset.done $0x0;
	(pc) =	sbr.rel @p0 .LBB2_36-.Ltmp16, $4  }
0x1d6: {  	s28 =	simm.s32 $0x4;
	[sflag:s0] =	ssyncadd.s32 $0xFFFF9800  }
0x1d7: {  	_ =	swait.ge [sflag:s28], $0x6800  }
0x1d8: {  	[sflag:s28] =	ssyncset.done $0x0  }
0x1d9: {  	s19 =	simm.s32 $0x1D300;
	[sflag:s28] =	ssyncadd.s32 $0xFFFF9800  }
0x1da: {  	s0 =	simm.s32 $0x0;
	s1 =	rddreg [dreg:$0x9]  }
0x1db: {  	[tilespmem:s0], [sflag:$0x5] =	stream.linear.gather [hbm4b:s1+s0], $0x80, $0x38;
	[tilespmem:$0x1FE80] =	vst v63  }
0x1dc: {  	_ =	swait.ge [sflag:s26], $0x80  }
0x1dd: {  	[sflag:s26] =	ssyncset.done $0x0  }
0x1de: {  	s2 =	rddreg [dreg:$0xa];
	[sflag:s26] =	ssyncadd.s32 $0xFFFFFF80  }
0x1df: {  	[tilespmem:s30], [sflag:$0x5] =	stream.linear.gather [hbm4b:s2+s0], $0x80, $0x38;
	[tilespmem:$0x1FE80] =	vst v63  }
0x1e0: {  	s7 =	simm.s32 $0x1A88;
	s22 =	sadd.s32 $0x10, s2  }
0x1e1: {  	[tilespmem:s7], [sflag:$0x5] =	stream.linear.gather [hbm4b:s22+s0], $0x80, $0x38;
	[tilespmem:$0x1FE80] =	vst v63  }
0x1e2: {  	s24 =	simm.s32 $0x1B10;
	s23 =	sadd.s32 $0x20, s2  }
0x1e3: {  	[tilespmem:s24], [sflag:$0x5] =	stream.linear.gather [hbm4b:s23+s0], $0x80, $0x38;
	[tilespmem:$0x1FE80] =	vst v63  }
0x1e4: {  	s28 =	simm.s32 $0x1B98;
	s8 =	simm.s32 $0x1C20;
	s25 =	sadd.s32 $0x30, s2  }
0x1e5: {  	[tilespmem:s28], [sflag:$0x5] =	stream.linear.gather [hbm4b:s25+s0], $0x80, $0x38;
	[tilespmem:$0x1FE80] =	vst v63  }
0x1e6: {  	s13 =	simm.s32 $0x1CA8;
	s18 =	simm.s32 $0x1D30;
	s7 =	sadd.s32 $0x40, s2  }
0x1e7: {  	[tilespmem:s8], [sflag:$0x5] =	stream.linear.gather [hbm4b:s7+s0], $0x80, $0x38;
	[tilespmem:$0x1FE80] =	vst v63  }
0x1e8: {  	s21 =	simm.s32 $0x1DB8;
	s9 =	sadd.s32 $0x50, s2;
	s17 =	sadd.s32 $0x60, s2  }
0x1e9: {  	[tilespmem:s13], [sflag:$0x5] =	stream.linear.gather [hbm4b:s9+s0], $0x80, $0x38;
	[tilespmem:$0x1FE80] =	vst v63  }
0x1ea: {  	s20 =	sadd.s32 $0x70, s2;
	s22 =	simm.s32 $0x5140;
	s24 =	simm.s32 $0x51C8  }
0x1eb: {  	[tilespmem:s18], [sflag:$0x5] =	stream.linear.gather [hbm4b:s17+s0], $0x80, $0x38;
	[tilespmem:$0x1FE80] =	vst v63  }
0x1ec: {  	s28 =	simm.s32 $0x5250;
	s7 =	simm.s32 $0x52D8;
	s9 =	simm.s32 $0x1  }
0x1ed: {  	[tilespmem:s21], [sflag:$0x5] =	stream.linear.gather [hbm4b:s20+s0], $0x80, $0x38;
	[tilespmem:$0x1FE80] =	vst v63  }
0x1ee: {  	s13 =	simm.s32 $0x2;
	v26 =	vmov s9;
	s9 =	simm.s32 $0x9;
	_ =	swait.ge [sflag:s26], $0x400  }
0x1ef: {  	v41 =	vmov s0;
	v27 =	vmov s13;
	s13 =	simm.s32 $0x6;
	s17 =	simm.s32 $0x3;
	[sflag:s26] =	ssyncset.done $0x0  }
0x1f0: {  	v41 =	vshrl.u32 v41, $0x3;
	s18 =	simm.s32 $0x4;
	s8 =	rddreg [dreg:$0xb];
	[sflag:s26] =	ssyncadd.s32 $0xFFFFFC00  }
0x1f1: {  	v41 =	vshll.u32 v41, v2;
	[tilespmem:s22], [sflag:$0x5] =	stream.linear.gather [hbm4b:s8+s0], $0x80, $0x38;
	[tilespmem:$0x1FE80] =	vst v63  }
0x1f2: {  	v41 =	vbroadcast v41, $0x0;
	v28 =	vmov s17;
	s17 =	simm.s32 $0xC;
	s20 =	simm.s32 $0x5;
	s23 =	sadd.s32 $0x10, s8  }
0x1f3: {  	[tilespmem:s24], [sflag:$0x5] =	stream.linear.gather [hbm4b:s23+s0], $0x80, $0x38;
	[tilespmem:$0x1FE80] =	vst v63  }
0x1f4: {  	v41 =	vadd.s32 v1, v41;
	v27 =	vshrl.u32 v27, $0x3;
	s21 =	simm.s32 $0x7;
	v30 =	vmov s20;
	s20 =	simm.s32 $0x5360;
	s25 =	sadd.s32 $0x20, s8  }
0x1f5: {  	v38 =	vmov s9;
	v39 =	vmov s13;
	v26 =	vshrl.u32 v26, $0x3;
	[tilespmem:s28], [sflag:$0x5] =	stream.linear.gather [hbm4b:s25+s0], $0x80, $0x38;
	[tilespmem:$0x1FE80] =	vst v63  }
0x1f6: {  	v29 =	vmov s18;
	v38 =	vshrl.u32 v38, $0x3;
	v31 =	vmov s21;
	s2 =	sadd.s32 $0x30, s8;
	s18 =	sadd.s32 $0x40, s8;
	s21 =	sadd.s32 $0x50, s8  }
0x1f7: {  	v39 =	vshrl.u32 v39, $0x3;
	v27 =	vshll.u32 v27, v2;
	v26 =	vshll.u32 v26, v2;
	[tilespmem:s7], [sflag:$0x5] =	stream.linear.gather [hbm4b:s2+s0], $0x80, $0x38;
	[tilespmem:$0x1FE80] =	vst v63  }
0x1f8: {  	v29 =	vshrl.u32 v29, $0x3;
	v40 =	vmov s17;
	v28 =	vshrl.u32 v28, $0x3;
	s22 =	simm.s32 $0x8;
	s23 =	simm.s32 $0xA;
	s7 =	simm.s32 $0xE  }
0x1f9: {  	v39 =	vshll.u32 v39, v2;
	v27 =	vbroadcast v27, $0x0;
	v36 =	vmov s7;
	[tilespmem:s20], [sflag:$0x5] =	stream.linear.gather [hbm4b:s18+s0], $0x80, $0x38;
	[tilespmem:$0x1FE80] =	vst v63  }
0x1fa: {  	v32 =	vmov s22;
	s22 =	simm.s32 $0x53E8;
	s24 =	simm.s32 $0xB;
	v33 =	vmov s23;
	s23 =	sadd.s32 $0x60, s8;
	v36 =	vshrl.u32 v36, $0x3  }
0x1fb: {  	v29 =	vshll.u32 v29, v2;
	v40 =	vshrl.u32 v40, $0x3;
	v36 =	vshll.u32 v36, v2;
	[tilespmem:s22], [sflag:$0x5] =	stream.linear.gather [hbm4b:s21+s0], $0x80, $0x38;
	[tilespmem:$0x1FE80] =	vst v63  }
0x1fc: {  	v34 =	vmov s24;
	s24 =	simm.s32 $0x5470;
	s25 =	simm.s32 $0xD;
	s28 =	simm.s32 $0xF;
	v33 =	vshrl.u32 v33, $0x3;
	v36 =	vbroadcast v36, $0x0  }
0x1fd: {  	v29 =	vbroadcast v29, $0x0;
	v35 =	vmov s25;
	v33 =	vshll.u32 v33, v2;
	[tilespmem:s24], [sflag:$0x5] =	stream.linear.gather [hbm4b:s23+s0], $0x80, $0x38;
	[tilespmem:$0x1FE80] =	vst v63  }
0x1fe: {  	v37 =	vmov s28;
	s25 =	sadd.s32 $0x70, s8;
	s28 =	simm.s32 $0x54F8;
	v33 =	vbroadcast v33, $0x0;
	v36 =	vadd.s32 v9, v36  }
0x1ff: {  	v39 =	vbroadcast v39, $0x0;
	v28 =	vshll.u32 v28, v2;
	v29 =	vadd.s32 v6, v29;
	[tilespmem:s28], [sflag:$0x5] =	stream.linear.gather [hbm4b:s25+s0], $0x80, $0x38;
	[tilespmem:$0x1FE80] =	vst v63  }
0x200: {  	v31 =	vshrl.u32 v31, $0x3;
	v40 =	vshll.u32 v40, v2;
	v33 =	vadd.s32 v4, v33;
	_ =	swait.ge [sflag:s26], $0x400  }
0x201: {  	v30 =	vshrl.u32 v30, $0x3;
	v28 =	vbroadcast v28, $0x0;
	v31 =	vshll.u32 v31, v2;
	[sflag:s26] =	ssyncset.done $0x0  }
0x202: {  	v42 =	vshll.u32 v30, v2;
	v31 =	vbroadcast v31, $0x0;
	v35 =	vshrl.u32 v35, $0x3;
	[sflag:s26] =	ssyncadd.s32 $0xFFFFFC00  }
0x203: {  	v39 =	vadd.s32 v9, v39;
	v28 =	vadd.s32 v5, v28;
	v35 =	vshll.u32 v35, v2;
	v36 =	vld.idx.msk [tilespmem:v36+s30+$0x0], $0xffff  }
0x204: {  	v30 =	vadd.s32 v10, v31;
	v34 =	vshrl.u32 v34, $0x3;
	v31 =	vbroadcast v35, $0x0;
	v61 =	vld.idx.msk [tilespmem:v29+s30+$0x0], $0xffff  }
0x205: {  	v32 =	vshrl.u32 v32, $0x3;
	v34 =	vshll.u32 v34, v2;
	v37 =	vshrl.u32 v37, $0x3;
	v62 =	vld.idx.msk [tilespmem:v33+s30+$0x0], $0xffff  }
0x206: {  	v33 =	vadd.s32 v8, v31;
	v29 =	vshll.u32 v37, v2;
	v31 =	vbroadcast v34, $0x0  }
0x207: {  	s0 =	simm.s32 $0xF780;
	v34 =	vadd.s32 v4, v27;
	v27 =	vshll.u32 v38, v2;
	v37 =	vbroadcast v29, $0x0  }
0x208: {  	v43 =	vshll.u32 v32, v2;
	v29 =	vld.idx.msk [tilespmem:v41+s30+$0x0], $0xffff;
	v63 =	vbroadcast v27, $0x0;
	v31 =	vadd.s32 v5, v31;
	[tilespmem:s0+$0x60] =	vst v36  }
0x209: {  	v30 =	vld.idx.msk [tilespmem:v30+s30+$0x0], $0xffff;
	v27 =	vadd.s32 v10, v37;
	v37 =	vbroadcast v40, $0x0;
	[tilespmem:s0+$0xFFFFFFC0] =	vst v61;
	v36 =	vbroadcast v42, $0x0  }
0x20a: {  	s1 =	simm.s32 $0x10;
	s2 =	simm.s32 $0xF880;
	v35 =	vbroadcast v26, $0x0;
	v32 =	vld.idx.msk [tilespmem:v39+s30+$0x0], $0xffff;
	v38 =	vbroadcast v43, $0x0;
	v26 =	vadd.s32 v3, v63;
	[tilespmem:s0+$0x20] =	vst v62  }
.LBB2_34:
0x20b: {  	s7 =	sadd.s32 $0x1, s1;
	s8 =	sadd.s32 $0x2, s1;
	s9 =	sadd.s32 $0x3, s1;
	v36 =	vadd.s32 v8, v36;
	v37 =	vadd.s32 v6, v37;
	v33 =	vld.idx.msk [tilespmem:v33+s30+$0x0], $0xffff  }
0x20c: {  	s13 =	sadd.s32 $0x9, s1;
	v39 =	vmov s7;
	v40 =	vmov s8;
	s7 =	sadd.s32 $0x4, s1;
	s8 =	sadd.s32 $0x5, s1;
	v34 =	vld.idx.msk [tilespmem:v34+s30+$0x0], $0xffff;
	v38 =	vadd.s32 v1, v38  }
0x20d: {  	v41 =	vmov s9;
	s9 =	sadd.s32 $0xF, s1;
	v42 =	vmov s7;
	v43 =	vmov s8;
	s7 =	sadd.s32 $0x7, s1;
	s8 =	sadd.s32 $0x8, s1;
	[tilespmem:s0+$0xFFFFFF80] =	vst v29  }
0x20e: {  	s17 =	sadd.s32 $0x6, s1;
	v35 =	vadd.s32 v3, v35;
	v29 =	vmov s7;
	v44 =	vmov s8;
	s7 =	sadd.s32 $0xA, s1;
	s8 =	sadd.s32 $0xB, s1;
	[tilespmem:s0+$0xFFFFFFF0] =	vst v30;
	v30 =	vld.idx.msk [tilespmem:v31+s30+$0x0], $0xffff  }
0x20f: {  	s18 =	sadd.s32 $0xE, s1;
	v31 =	vshrl.u32 v40, $0x3;
	v40 =	vmov s7;
	v45 =	vmov s8;
	s7 =	sadd.s32 $0xC, s1;
	s8 =	sadd.s32 $0xD, s1;
	v28 =	vld.idx.msk [tilespmem:v28+s30+$0x0], $0xffff  }
0x210: {  	p1 =	slt.u32 s1, $0x70;
	v47 =	vmov s18;
	v48 =	vmov s9;
	v46 =	vmov s8;
	[tilespmem:s0+$0xFFFFFFE0] =	vst v32;
	s8 =	smov.u32 s1;
	s1 =	sadd.s32 $0x10, s1  }
0x211: {  	v47 =	vshrl.u32 v47, $0x3;
	v29 =	vshrl.u32 v29, $0x3;
	v32 =	vmov s13;
	[tilespmem:s0+$0x50] =	vst v33;
	v27 =	vld.idx.msk [tilespmem:v27+s30+$0x0], $0xffff  }
0x212: {  	v47 =	vshll.u32 v47, v2;
	v33 =	vshrl.u32 v42, $0x3;
	v42 =	vmov s17;
	[tilespmem:s0+$0xFFFFFFA0] =	vst v34;
	v34 =	vld.idx.msk [tilespmem:v38+s30+$0x0], $0xffff  }
0x213: {  	v47 =	vbroadcast v47, $0x0;
	v33 =	vshll.u32 v33, v2;
	v38 =	vmov s7;
	v37 =	vld.idx.msk [tilespmem:v37+s30+$0x0], $0xffff  }
0x214: {  	v48 =	vshrl.u32 v48, $0x3;
	v40 =	vshrl.u32 v40, $0x3;
	v33 =	vbroadcast v33, $0x0;
	v35 =	vld.idx.msk [tilespmem:v35+s30+$0x0], $0xffff;
	[tilespmem:s0+$0x30] =	vst v30  }
0x215: {  	v38 =	vshrl.u32 v38, $0x3;
	v30 =	vshll.u32 v40, v2;
	v40 =	vadd.s32 v9, v47;
	[tilespmem:s0+$0xFFFFFFB0] =	vst v28;
	v28 =	vld.idx.msk [tilespmem:v36+s30+$0x0], $0xffff  }
0x216: {  	v38 =	vshll.u32 v38, v2;
	v36 =	vmov s8;
	v33 =	vadd.s32 v6, v33;
	v26 =	vld.idx.msk [tilespmem:v26+s30+$0x0], $0xffff  }
0x217: {  	v32 =	vshrl.u32 v32, $0x3;
	v30 =	vbroadcast v30, $0x0;
	v36 =	vshrl.u32 v36, $0x3;
	[tilespmem:s0+$0x70] =	vst v27  }
0x218: {  	v27 =	vshll.u32 v36, v2;
	v36 =	vshrl.u32 v42, $0x3;
	v42 =	vshrl.u32 v45, $0x3;
	[tilespmem:s0+$0x0] =	vst v34  }
0x219: {  	v30 =	vadd.s32 v4, v30;
	v27 =	vbroadcast v27, $0x0;
	v34 =	vshrl.u32 v41, $0x3;
	[tilespmem:s0+$0x40] =	vst v37  }
0x21a: {  	v29 =	vshll.u32 v29, v2;
	v36 =	vshll.u32 v36, v2;
	v37 =	vshrl.u32 v43, $0x3;
	v40 =	vld.idx.msk [tilespmem:v40+s30+$0x0], $0xffff;
	[tilespmem:s0+$0xFFFFFF90] =	vst v35  }
0x21b: {  	v29 =	vbroadcast v29, $0x0;
	v27 =	vadd.s32 v1, v27;
	v35 =	vld.idx.msk [tilespmem:v33+s30+$0x0], $0xffff;
	v33 =	vbroadcast v36, $0x0;
	[tilespmem:s0+$0xFFFFFFD0] =	vst v28  }
0x21c: {  	v41 =	vshrl.u32 v46, $0x3;
	v28 =	vshrl.u32 v44, $0x3;
	v36 =	vshll.u32 v42, v2;
	[tilespmem:s0+$0x10] =	vst v26;
	s0 =	smov.u32 s2  }
0x21d: {  	v26 =	vshll.u32 v31, v2;
	v31 =	vshll.u32 v34, v2;
	v34 =	vshll.u32 v41, v2  }
0x21e: {  	v37 =	vshll.u32 v37, v2;
	v41 =	vadd.s32 v10, v29;
	v29 =	vbroadcast v34, $0x0;
	v42 =	vld.idx.msk [tilespmem:v30+s30+$0x0], $0xffff  }
0x21f: {  	v44 =	vshll.u32 v28, v2;
	v26 =	vbroadcast v26, $0x0;
	v43 =	vadd.s32 v9, v33  }
0x220: {  	v28 =	vbroadcast v31, $0x0;
	v30 =	vshll.u32 v48, v2;
	v33 =	vadd.s32 v8, v29;
	[tilespmem:s2+$0x60] =	vst v40  }
.Ltmp17:
0x221: {  	v39 =	vshrl.u32 v39, $0x3;
	v29 =	vld.idx.msk [tilespmem:v27+s30+$0x0], $0xffff;
	[tilespmem:s2+$0xFFFFFFC0] =	vst v35;
	v27 =	vbroadcast v36, $0x0;
	v35 =	vbroadcast v30, $0x0;
	(pc) =	sbr.rel @p1 .LBB2_34-.Ltmp17, $4  }
0x222: {  	v34 =	vadd.s32 v4, v26;
	v28 =	vadd.s32 v5, v28;
	v26 =	vshll.u32 v32, v2  }
0x223: {  	v26 =	vbroadcast v26, $0x0;
	v30 =	vld.idx.msk [tilespmem:v41+s30+$0x0], $0xffff;
	v31 =	vadd.s32 v5, v27;
	v27 =	vadd.s32 v10, v35  }
0x224: {  	v32 =	vshll.u32 v39, v2;
	v36 =	vbroadcast v37, $0x0;
	v37 =	vbroadcast v38, $0x0;
	[tilespmem:s2+$0x20] =	vst v42  }
0x225: {  	v38 =	vbroadcast v44, $0x0;
	v26 =	vadd.s32 v3, v26;
	v35 =	vbroadcast v32, $0x0;
	s2 =	sadd.s32 $0x100, s2;
	v32 =	vld.idx.msk [tilespmem:v43+s30+$0x0], $0xffff  }
0x226: {  	_ =	sdelay $0x3  }
0x227: {  	v33 =	vld.idx.msk [tilespmem:v33+s30+$0x0], $0xffff  }
0x228: {  	v37 =	vadd.s32 v6, v37;
	v34 =	vld.idx.msk [tilespmem:v34+s30+$0x0], $0xffff  }
0x229: {  	[tilespmem:s0+$0xFFFFFF80] =	vst v29;
	v31 =	vld.idx.msk [tilespmem:v31+s30+$0x0], $0xffff;
	v60 =	vadd.s32 v8, v36  }
0x22a: {  	v28 =	vld.idx.msk [tilespmem:v28+s30+$0x0], $0xffff;
	v38 =	vadd.s32 v1, v38;
	[tilespmem:s0+$0xFFFFFFF0] =	vst v30  }
0x22b: {  	v27 =	vld.idx.msk [tilespmem:v27+s30+$0x0], $0xffff;
	v59 =	vadd.s32 v3, v35;
	[tilespmem:s0+$0xFFFFFFE0] =	vst v32  }
0x22c: {  	v26 =	vld.idx.msk [tilespmem:v26+s30+$0x0], $0xffff;
	[tilespmem:s0+$0x50] =	vst v33  }
0x22d: {  	[tilespmem:s0+$0xFFFFFFA0] =	vst v34;
	v62 =	vld.idx.msk [tilespmem:v37+s30+$0x0], $0xffff  }
0x22e: {  	[tilespmem:s0+$0x30] =	vst v31;
	v63 =	vld.idx.msk [tilespmem:v60+s30+$0x0], $0xffff  }
0x22f: {  	[tilespmem:s0+$0xFFFFFFB0] =	vst v28;
	v61 =	vld.idx.msk [tilespmem:v38+s30+$0x0], $0xffff  }
0x230: {  	[tilespmem:s0+$0x70] =	vst v27;
	v29 =	vld.idx.msk [tilespmem:v59+s30+$0x0], $0xffff  }
0x231: {  	[tilespmem:s0+$0x10] =	vst v26  }
0x232: {  	[tilespmem:s0+$0x40] =	vst v62  }
0x233: {  	[tilespmem:s0+$0xFFFFFFD0] =	vst v63  }
0x234: {  	[tilespmem:s0+$0x0] =	vst v61  }
0x235: {  	s28 =	simm.s32 $0xF700;
	[tilespmem:s0+$0xFFFFFF90] =	vst v29  }
0x236: {  	[spmem:s3] =	stream.indirect.scatter.add.f32 [tilespmem:s28], [sflag:$0x5], $0x10, s6, s31, $0xb8;
	[tilespmem:$0x1FE80] =	vst v63  }
0x237: {  	_ =	swait.ge [sflag:s26], $0x800  }
0x238: {  	[sflag:s26] =	ssyncset.done $0x0  }
0x239: {  	[sflag:s26] =	ssyncadd.s32 $0xFFFFF800  }
.LBB2_36:
0x23a: {  	[bflag:$0x0] =	sbarrier.arrive $0xFFFF  }
0x23b: {  	s9 =	simm.s32 $0x0;
	s13 =	rddreg [dreg:$0x10]  }
.LBB2_37:
0x23c: {  	s1 =	simm.s32 $0x1C700;
	s0 =	sadd.s32 $0x0, s13;
	s28 =	rddreg [dreg:$0xd]  }
0x23d: {  	[tilespmem:s1], [sflag:$0x5] =	stream.linear.gather [spmem:s0], $0x10, $0x38;
	[tilespmem:$0x1FE80] =	vst v63  }
0x23e: {  	s2 =	simm.s32 $0x40;
	s0 =	sadd.s32 s28, s9  }
.LBB2_38:
0x23f: {  	p1 =	sne.s32 s2, $0x1FC0  }
.Ltmp18:
0x240: {  	_ = 	snop;
	(pc) =	sbr.rel @p1 .LBB2_38-.Ltmp18, $4  }
0x241: {  	_ = 	snop  }
0x242: {  	s7 =	sshra.s32 s2, $0x2;
	s2 =	sadd.s32 $0x40, s2  }
0x243: {  	s1 =	sadd.s32 $0x18, s1;
	s7 =	sadd.s32 s7, s13  }
0x244: {  	[tilespmem:s1], [sflag:$0x5] =	stream.linear.gather [spmem:s7], $0x10, $0x38;
	[tilespmem:$0x1FE80] =	vst v63  }
0x245: {  	s1 =	simm.s32 $0x0  }
0x246: {  	v26 =	vmov s1  }
0x247: {  	v26 =	vand.u32 $0x7, v26  }
0x248: {  	v26 =	vbroadcast v26, $0x0;
	_ =	sdelay $0x1  }
0x249: {  	v27 =	vor.u32 v7, v26  }
0x24a: {  	v28 =	vor.u32 v17, v26  }
0x24b: {  	_ =	swait.ge [sflag:s26], $0x800;
	v29 =	vor.u32 v15, v26  }
0x24c: {  	s28 =	simm.s32 $0x1;
	[sflag:s26] =	ssyncset.done $0x0;
	v30 =	vor.u32 v11, v26  }
0x24d: {  	v32 =	vmov s28;
	[sflag:s26] =	ssyncadd.s32 $0xFFFFF800;
	v31 =	vor.u32 v16, v26  }
0x24e: {  	v32 =	vand.u32 $0x7, v32;
	v33 =	vor.u32 v12, v26;
	v27 =	vld.idx.msk [tilespmem:v27+s16+$0x0], $0xffff  }
0x24f: {  	v32 =	vbroadcast v32, $0x0;
	v34 =	vor.u32 v13, v26;
	v28 =	vld.idx.msk [tilespmem:v28+s16+$0x0], $0xffff  }
0x250: {  	v26 =	vor.u32 v14, v26;
	v35 =	vld.idx.msk [tilespmem:v29+s16+$0x0], $0xffff  }
0x251: {  	v37 =	vor.u32 v7, v32;
	v38 =	vld.idx.msk [tilespmem:v30+s16+$0x0], $0xffff  }
0x252: {  	v39 =	vor.u32 v17, v32;
	v41 =	vld.idx.msk [tilespmem:v31+s16+$0x0], $0xffff  }
0x253: {  	s1 =	simm.s32 $0x1D340;
	v42 =	vor.u32 v15, v32;
	v43 =	vld.idx.msk [tilespmem:v33+s16+$0x0], $0xffff  }
0x254: {  	s2 =	simm.s32 $0x2;
	v44 =	vor.u32 v11, v32;
	v29 =	vld.idx.msk [tilespmem:v34+s16+$0x0], $0xffff;
	[tilespmem:s1+$0x30] =	vst v28  }
0x255: {  	v36 =	vld.idx.msk [tilespmem:v26+s16+$0x0], $0xffff;
	v28 =	vmov s2;
	[tilespmem:s1+$0x10] =	vst v35  }
0x256: {  	v26 =	vld.idx.msk [tilespmem:v37+s16+$0x0], $0xffff;
	v33 =	vor.u32 v16, v32;
	[tilespmem:s1+$0xFFFFFFC0] =	vst v27;
	v31 =	vand.u32 $0x7, v28  }
0x257: {  	v30 =	vor.u32 v12, v32;
	v37 =	vld.idx.msk [tilespmem:v39+s16+$0x0], $0xffff;
	[tilespmem:s1+$0xFFFFFFD0] =	vst v38;
	v40 =	vbroadcast v31, $0x0  }
0x258: {  	v38 =	vld.idx.msk [tilespmem:v42+s16+$0x0], $0xffff;
	[tilespmem:s1+$0x20] =	vst v41;
	v28 =	vor.u32 v13, v32;
	v31 =	vor.u32 v14, v32  }
0x259: {  	v35 =	vld.idx.msk [tilespmem:v44+s16+$0x0], $0xffff;
	v32 =	vor.u32 v7, v40;
	v27 =	vor.u32 v11, v40;
	v34 =	vor.u32 v17, v40  }
0x25a: {  	s18 =	simm.s32 $0x10;
	s8 =	simm.s32 $0x1D3C0;
	s17 =	simm.s32 $0x1D3C0;
	[tilespmem:s1+$0xFFFFFFE0] =	vst v43;
	v41 =	vor.u32 v12, v40;
	v39 =	vor.u32 v13, v40;
	v42 =	vor.u32 v16, v40  }
.LBB2_40:
0x25b: {  	s18 =	sadd.s32 $0x8, s18;
	v43 =	vor.u32 v14, v40;
	v44 =	vor.u32 v15, v40;
	v45 =	vld.idx.msk [tilespmem:v33+s16+$0x0], $0xffff;
	s8 =	sadd.s32 $0x80, s8;
	[tilespmem:s1+$0x0] =	vst v36;
	v33 =	vmov v42  }
0x25c: {  	p1 =	slt.u32 s18, $0x38;
	v46 =	vld.idx.msk [tilespmem:v30+s16+$0x0], $0xffff;
	[tilespmem:s1+$0xFFFFFFF0] =	vst v29;
	v30 =	vmov v41;
	s1 =	smov.u32 s17;
	s17 =	smov.u32 s8  }
0x25d: {  	s2 =	sadd.s32 $0x1, s2;
	v29 =	vld.idx.msk [tilespmem:v28+s16+$0x0], $0xffff;
	[tilespmem:s1+$0x30] =	vst v37;
	v28 =	vmov v39  }
0x25e: {  	v37 =	vmov s2;
	v36 =	vld.idx.msk [tilespmem:v31+s16+$0x0], $0xffff;
	[tilespmem:s1+$0x10] =	vst v38;
	v31 =	vmov v43  }
.Ltmp19:
0x25f: {  	v37 =	vand.u32 $0x7, v37;
	[tilespmem:s1+$0xFFFFFFC0] =	vst v26;
	v26 =	vld.idx.msk [tilespmem:v32+s16+$0x0], $0xffff;
	(pc) =	sbr.rel @p1 .LBB2_40-.Ltmp19, $4  }
0x260: {  	v40 =	vbroadcast v37, $0x0;
	v37 =	vld.idx.msk [tilespmem:v34+s16+$0x0], $0xffff;
	[tilespmem:s1+$0xFFFFFFD0] =	vst v35  }
0x261: {  	v38 =	vld.idx.msk [tilespmem:v44+s16+$0x0], $0xffff;
	[tilespmem:s1+$0x20] =	vst v45  }
0x262: {  	v32 =	vor.u32 v7, v40;
	v34 =	vor.u32 v17, v40;
	v35 =	vld.idx.msk [tilespmem:v27+s16+$0x0], $0xffff;
	v27 =	vor.u32 v11, v40  }
0x263: {  	v41 =	vor.u32 v12, v40;
	v39 =	vor.u32 v13, v40;
	v42 =	vor.u32 v16, v40;
	[tilespmem:s1+$0xFFFFFFE0] =	vst v46  }
0x264: {  	_ =	sdelay $0x2  }
0x265: {  	[tilespmem:s1+$0x0] =	vst v36  }
0x266: {  	v33 =	vld.idx.msk [tilespmem:v33+s16+$0x0], $0xffff;
	[tilespmem:s1+$0xFFFFFFF0] =	vst v29  }
0x267: {  	v29 =	vld.idx.msk [tilespmem:v30+s16+$0x0], $0xffff;
	[tilespmem:s17+$0xFFFFFFC0] =	vst v26  }
0x268: {  	v53 =	vor.u32 v15, v40;
	v30 =	vld.idx.msk [tilespmem:v31+s16+$0x0], $0xffff;
	[tilespmem:s17+$0x30] =	vst v37  }
0x269: {  	v28 =	vld.idx.msk [tilespmem:v28+s16+$0x0], $0xffff;
	[tilespmem:s17+$0x10] =	vst v38  }
0x26a: {  	v26 =	vld.idx.msk [tilespmem:v34+s16+$0x0], $0xffff;
	[tilespmem:s17+$0xFFFFFFD0] =	vst v35  }
0x26b: {  	v32 =	vld.idx.msk [tilespmem:v32+s16+$0x0], $0xffff;
	[tilespmem:s17+$0x20] =	vst v33  }
0x26c: {  	v27 =	vld.idx.msk [tilespmem:v27+s16+$0x0], $0xffff;
	[tilespmem:s17+$0xFFFFFFE0] =	vst v29  }
0x26d: {  	v31 =	vor.u32 v14, v40;
	v54 =	vld.idx.msk [tilespmem:v53+s16+$0x0], $0xffff;
	[tilespmem:s17+$0x0] =	vst v30  }
0x26e: {  	s24 =	sadd.s32 $0x80, s8;
	v29 =	vld.idx.msk [tilespmem:v42+s16+$0x0], $0xffff;
	[tilespmem:s17+$0xFFFFFFF0] =	vst v28  }
0x26f: {  	v28 =	vld.idx.msk [tilespmem:v41+s16+$0x0], $0xffff;
	[tilespmem:s24+$0x30] =	vst v26  }
0x270: {  	[tilespmem:s24+$0xFFFFFFC0] =	vst v32  }
0x271: {  	[tilespmem:s24+$0xFFFFFFD0] =	vst v27  }
0x272: {  	v26 =	vld.idx.msk [tilespmem:v31+s16+$0x0], $0xffff;
	[tilespmem:s24+$0x10] =	vst v54  }
0x273: {  	s2 =	simm.s32 $0x0;
	v30 =	vld.idx.msk [tilespmem:v39+s16+$0x0], $0xffff;
	[tilespmem:s24+$0x20] =	vst v29  }
0x274: {  	v27 =	vmov s2;
	[tilespmem:s24+$0xFFFFFFE0] =	vst v28  }
0x275: {  	s0 =	sshll.u32 s0, $0xA;
	v27 =	vand.u32 $0x7, v27;
	s7 =	rddreg [dreg:$0xe]  }
0x276: {  	v27 =	vbroadcast v27, $0x0;
	s0 =	sadd.s32 s7, s0  }
0x277: {  	s25 =	rddreg [dreg:$0x2];
	[tilespmem:s24+$0x0] =	vst v26;
	s0 =	sshrl.u32 s0, $0x3  }
0x278: {  	s28 =	simm.s32 $0x1;
	[tilespmem:s24+$0xFFFFFFF0] =	vst v30;
	v26 =	vor.u32 v18, v27;
	s0 =	sadd.s32 s25, s0  }
0x279: {  	v28 =	vor.u32 v25, v27;
	[hbm4b:s0+s2] =	stream.linear.scatter [tilespmem:s19], [sflag:$0x5], $0x400, $0x38;
	[tilespmem:$0x1FE80] =	vst v63  }
0x27a: {  	v55 =	vmov s28;
	v29 =	vor.u32 v23, v27;
	_ =	swait.ge [sflag:s26], $0x400  }
0x27b: {  	v32 =	vand.u32 $0x7, v55;
	v30 =	vor.u32 v19, v27;
	[sflag:s26] =	ssyncset.done $0x0  }
0x27c: {  	v32 =	vbroadcast v32, $0x0;
	v31 =	vor.u32 v24, v27;
	[sflag:s26] =	ssyncadd.s32 $0xFFFFFC00  }
0x27d: {  	v56 =	vor.u32 v20, v27;
	v57 =	vld.idx.msk [tilespmem:v26+s16+$0x0], $0xffff  }
0x27e: {  	v61 =	vor.u32 v25, v32;
	v28 =	vld.idx.msk [tilespmem:v28+s16+$0x0], $0xffff  }
0x27f: {  	v26 =	vor.u32 v21, v27;
	v58 =	vld.idx.msk [tilespmem:v29+s16+$0x0], $0xffff  }
0x280: {  	v27 =	vor.u32 v22, v27;
	v60 =	vld.idx.msk [tilespmem:v30+s16+$0x0], $0xffff  }
0x281: {  	v63 =	vor.u32 v23, v32;
	v62 =	vld.idx.msk [tilespmem:v31+s16+$0x0], $0xffff  }
0x282: {  	s1 =	simm.s32 $0x1D340;
	v44 =	vor.u32 v19, v32;
	v43 =	vld.idx.msk [tilespmem:v56+s16+$0x0], $0xffff  }
0x283: {  	s2 =	simm.s32 $0x2;
	v37 =	vld.idx.msk [tilespmem:v61+s16+$0x0], $0xffff;
	[tilespmem:s1+$0x30] =	vst v28  }
0x284: {  	v59 =	vor.u32 v18, v32;
	v29 =	vld.idx.msk [tilespmem:v26+s16+$0x0], $0xffff;
	v26 =	vmov s2;
	[tilespmem:s1+$0x10] =	vst v58  }
0x285: {  	v33 =	vor.u32 v24, v32;
	v36 =	vld.idx.msk [tilespmem:v27+s16+$0x0], $0xffff;
	[tilespmem:s1+$0xFFFFFFC0] =	vst v57;
	v27 =	vand.u32 $0x7, v26  }
0x286: {  	v30 =	vor.u32 v20, v32;
	v38 =	vld.idx.msk [tilespmem:v63+s16+$0x0], $0xffff;
	[tilespmem:s1+$0xFFFFFFD0] =	vst v60;
	v40 =	vbroadcast v27, $0x0  }
0x287: {  	v31 =	vor.u32 v22, v32;
	v35 =	vld.idx.msk [tilespmem:v44+s16+$0x0], $0xffff;
	v28 =	vor.u32 v21, v32;
	[tilespmem:s1+$0x20] =	vst v62  }
0x288: {  	[tilespmem:s1+$0xFFFFFFE0] =	vst v43;
	v32 =	vor.u32 v18, v40;
	v27 =	vor.u32 v19, v40;
	v34 =	vor.u32 v25, v40  }
0x289: {  	s18 =	simm.s32 $0x10;
	s8 =	simm.s32 $0x1D3C0;
	s17 =	simm.s32 $0x1D3C0;
	v26 =	vld.idx.msk [tilespmem:v59+s16+$0x0], $0xffff;
	v41 =	vor.u32 v20, v40;
	v39 =	vor.u32 v21, v40;
	v42 =	vor.u32 v24, v40  }
.LBB2_42:
0x28a: {  	s18 =	sadd.s32 $0x8, s18;
	v43 =	vor.u32 v22, v40;
	v44 =	vor.u32 v23, v40;
	v45 =	vld.idx.msk [tilespmem:v33+s16+$0x0], $0xffff;
	s8 =	sadd.s32 $0x80, s8;
	[tilespmem:s1+$0x0] =	vst v36;
	v33 =	vmov v42  }
0x28b: {  	p1 =	slt.u32 s18, $0x38;
	v46 =	vld.idx.msk [tilespmem:v30+s16+$0x0], $0xffff;
	[tilespmem:s1+$0xFFFFFFF0] =	vst v29;
	v30 =	vmov v41;
	s1 =	smov.u32 s17;
	s17 =	smov.u32 s8  }
0x28c: {  	s2 =	sadd.s32 $0x1, s2;
	v29 =	vld.idx.msk [tilespmem:v28+s16+$0x0], $0xffff;
	[tilespmem:s1+$0x30] =	vst v37;
	v28 =	vmov v39  }
0x28d: {  	v37 =	vmov s2;
	v36 =	vld.idx.msk [tilespmem:v31+s16+$0x0], $0xffff;
	[tilespmem:s1+$0x10] =	vst v38;
	v31 =	vmov v43  }
.Ltmp20:
0x28e: {  	v37 =	vand.u32 $0x7, v37;
	[tilespmem:s1+$0xFFFFFFC0] =	vst v26;
	v26 =	vld.idx.msk [tilespmem:v32+s16+$0x0], $0xffff;
	(pc) =	sbr.rel @p1 .LBB2_42-.Ltmp20, $4  }
0x28f: {  	v40 =	vbroadcast v37, $0x0;
	v37 =	vld.idx.msk [tilespmem:v34+s16+$0x0], $0xffff;
	[tilespmem:s1+$0xFFFFFFD0] =	vst v35  }
0x290: {  	v38 =	vld.idx.msk [tilespmem:v44+s16+$0x0], $0xffff;
	[tilespmem:s1+$0x20] =	vst v45  }
0x291: {  	v32 =	vor.u32 v18, v40;
	v34 =	vor.u32 v25, v40;
	v35 =	vld.idx.msk [tilespmem:v27+s16+$0x0], $0xffff;
	v27 =	vor.u32 v19, v40  }
0x292: {  	v41 =	vor.u32 v20, v40;
	v39 =	vor.u32 v21, v40;
	v42 =	vor.u32 v24, v40;
	[tilespmem:s1+$0xFFFFFFE0] =	vst v46  }
0x293: {  	_ =	sdelay $0x2  }
0x294: {  	[tilespmem:s1+$0x0] =	vst v36  }
0x295: {  	v33 =	vld.idx.msk [tilespmem:v33+s16+$0x0], $0xffff;
	[tilespmem:s1+$0xFFFFFFF0] =	vst v29  }
0x296: {  	v57 =	vld.idx.msk [tilespmem:v30+s16+$0x0], $0xffff;
	[tilespmem:s17+$0xFFFFFFC0] =	vst v26  }
0x297: {  	v58 =	vld.idx.msk [tilespmem:v31+s16+$0x0], $0xffff;
	[tilespmem:s17+$0x30] =	vst v37  }
0x298: {  	v28 =	vld.idx.msk [tilespmem:v28+s16+$0x0], $0xffff;
	[tilespmem:s17+$0x10] =	vst v38  }
0x299: {  	v26 =	vld.idx.msk [tilespmem:v34+s16+$0x0], $0xffff;
	[tilespmem:s17+$0xFFFFFFD0] =	vst v35  }
0x29a: {  	v56 =	vor.u32 v23, v40;
	v32 =	vld.idx.msk [tilespmem:v32+s16+$0x0], $0xffff;
	[tilespmem:s17+$0x20] =	vst v33  }
0x29b: {  	v59 =	vor.u32 v22, v40;
	v27 =	vld.idx.msk [tilespmem:v27+s16+$0x0], $0xffff;
	[tilespmem:s17+$0xFFFFFFE0] =	vst v57  }
0x29c: {  	v61 =	vld.idx.msk [tilespmem:v42+s16+$0x0], $0xffff;
	[tilespmem:s17+$0x0] =	vst v58  }
0x29d: {  	s25 =	sadd.s32 $0x80, s8;
	v62 =	vld.idx.msk [tilespmem:v41+s16+$0x0], $0xffff;
	[tilespmem:s17+$0xFFFFFFF0] =	vst v28  }
0x29e: {  	v63 =	vld.idx.msk [tilespmem:v39+s16+$0x0], $0xffff;
	[tilespmem:s25+$0x30] =	vst v26  }
0x29f: {  	v60 =	vld.idx.msk [tilespmem:v56+s16+$0x0], $0xffff;
	[tilespmem:s25+$0xFFFFFFC0] =	vst v32  }
0x2a0: {  	v26 =	vld.idx.msk [tilespmem:v59+s16+$0x0], $0xffff;
	[tilespmem:s25+$0xFFFFFFD0] =	vst v27  }
0x2a1: {  	[tilespmem:s25+$0x20] =	vst v61  }
0x2a2: {  	[tilespmem:s25+$0xFFFFFFE0] =	vst v62  }
0x2a3: {  	[tilespmem:s25+$0xFFFFFFF0] =	vst v63  }
0x2a4: {  	[tilespmem:s25+$0x10] =	vst v60  }
0x2a5: {  	s0 =	sadd.s32 $0x2780, s0;
	[tilespmem:s25+$0x0] =	vst v26  }
0x2a6: {  	[hbm4b:s0+s6] =	stream.linear.scatter [tilespmem:s19], [sflag:$0x5], $0x400, $0x38;
	[tilespmem:$0x1FE80] =	vst v63  }
0x2a7: {  	_ =	swait.ge [sflag:s26], $0x400  }
0x2a8: {  	s9 =	sadd.s32 $0x1, s9;
	s28 =	rddreg [dreg:$0xc]  }
0x2a9: {  	p1 =	sne.s32 s9, s28  }
.Ltmp21:
0x2aa: {  	_ = 	snop;
	(pc) =	sbr.rel @p1 .LBB2_37-.Ltmp21, $3  }
0x2ab: {  	_ =	sdelay $0x1  }
0x2ac: {  	[sflag:s26] =	ssyncset.done $0x0  }
0x2ad: {  	s13 =	sadd.s32 $0x800, s13;
	[sflag:s26] =	ssyncadd.s32 $0xFFFFFC00  }
0x2ae: {  	s1 =	rddreg [dreg:$0x11]  }
0x2af: {  	s0 =	rddreg [dreg:$0xf];
	s1 =	sadd.s32 $0x1, s1  }
0x2b0: {  	p1 =	sne.s32 s1, s0  }
.Ltmp22:
0x2b1: {  	_ = 	snop;
	(pc) =	sbr.rel @p1 .LBB2_1-.Ltmp22, $1  }
0x2b2: {  	_ =	sdelay $0x3  }
0x2b3: {  	_ =	sfence.sel $0x180000  }
0x2b4: {  	[bflag:$0x0] =	sbarrier.arrive $0xFFFF  }
0x2b5: {  	_ =	strace $0x90000047  }
0x2b6: {  	s0 =	stileid.u32;
	[bflag:$0x2] =	sbarrier.arrive $0xFFFF  }
0x2b7: {  	p0 =	sne.s32 s0, $0x0;
	s0 =	rddreg [dreg:$0x4]  }
0x2b8: {  	s0 =	sadd.s32 @!p0 $0x100000, s0  }
0x2b9: {  	[sflag:s0] =	ssyncadd.tile.s32 @!p0 $0x1;
	_ =	shalt  }
.Lfunc_end2:
_tile_overlayer_lowered:
.L_overlay_start_2:
0x2ba: {  	(tag) =	ssettag $0x2  }
0x2bb: {  	s0 =	rddreg [dreg:$0x0];
	s2 =	stileid.u32  }
0x2bc: {  	s1 =	rddreg [dreg:$0x1];
	p0 =	sne.s32 s2, $0x0  }
0x2bd: {  	s3 =	rddreg [dreg:$0x2];
	[bflag:$0x3] =	sbarrier.arrive $0xFFFF;
	s2 =	simm.s32 @!p0 $0x1C05  }
0x2be: {  	[timem:s3], [sflag:s2] =	dma.local @!p0 [hbm:s0], s1  }
0x2bf: {  	s0 =	simm.s32 @!p0 $0x5  }
0x2c0: {  	_ =	swait.ge @!p0 [sflag:s0], s1  }
0x2c1: {  	s1 =	ssub.s32 @!p0 $0x0, s1;
	[sflag:s0] =	ssyncset.done @!p0 $0x0  }
0x2c2: {  	[sflag:s0] =	ssyncadd.s32 @!p0 s1  }
0x2c3: {  	[bflag:$0x3] =	sbarrier.arrive $0xFFFF  }
0x2c4: {  	_ =	shalt  }

</sc_bundles>
